<compile_context>
chip_gen: v7x
topology: tpu7x:2x2x1
jax: 0.10.2.dev20260603
libtpu: 0.0.44.dev20260713+nightly
codegen_flags: <defaults>
</compile_context>

<pallas_src>
import functools

import jax
import jax.numpy as jnp
from jax import lax
from jax.experimental import pallas as pl
from jax.experimental.pallas import tpu as pltpu
from jax.experimental.pallas import tpu_sc as plsc

N = 1024
M = 100000
C = 16
MBLK = 2048
NSTEPS = (M + MBLK - 1) // MBLK
MPAD = NSTEPS * MBLK


def _argmax_body(x_ref, yt_ref, xx_ref, yy_ref, negt_ref, idx_out_ref,
                 runmax_ref, runidx_ref):
    step = pl.program_id(0)

    @pl.when(step == 0)
    def _init():
        runmax_ref[...] = jnp.full_like(runmax_ref, -jnp.inf)
        runidx_ref[...] = jnp.zeros_like(runidx_ref)

    x = x_ref[...]
    lane_ids = jax.lax.broadcasted_iota(jnp.int32, (1, MBLK), 1) + step * MBLK
    lane_ok = lane_ids < M
    yt = jnp.where(lane_ok, yt_ref[...], 0.0)
    yy = jnp.where(lane_ok, yy_ref[...], jnp.inf)
    xy = jnp.dot(x, yt, preferred_element_type=jnp.float32)
    dist = (xx_ref[...] - 2.0 * xy) + yy
    l = dist * negt_ref[0]

    blk_max = jnp.max(l, axis=1, keepdims=True)
    m_ids = lane_ids.astype(jnp.float32)
    cand = jnp.where(l == blk_max, m_ids, jnp.float32(2**30))
    blk_idx = jnp.min(cand, axis=1, keepdims=True)

    upd = blk_max > runmax_ref[...]
    runmax_ref[...] = jnp.where(upd, blk_max, runmax_ref[...])
    runidx_ref[...] = jnp.where(upd, blk_idx, runidx_ref[...])

    @pl.when(step == NSTEPS - 1)
    def _fin():
        idx_out_ref[...] = runidx_ref[...].astype(jnp.int32)


def _nn_argmax(x, yt_pad, xx, yy_pad, negt):
    return pl.pallas_call(
        _argmax_body,
        grid=(NSTEPS,),
        in_specs=[
            pl.BlockSpec((N, C), lambda i: (0, 0)),
            pl.BlockSpec((C, MBLK), lambda i: (0, i)),
            pl.BlockSpec((N, 1), lambda i: (0, 0)),
            pl.BlockSpec((1, MBLK), lambda i: (0, i)),
            pl.BlockSpec(memory_space=pltpu.SMEM),
        ],
        out_specs=pl.BlockSpec((N, 1), lambda i: (0, 0)),
        out_shape=jax.ShapeDtypeStruct((N, 1), jnp.int32),
        scratch_shapes=[
            pltpu.VMEM((N, 1), jnp.float32),
            pltpu.VMEM((N, 1), jnp.float32),
        ],
    )(x, yt_pad, xx, yy_pad, negt)


@functools.cache
def _sc_row_gather():
    info = plsc.get_sparse_core_info()
    nc = info.num_cores
    nw = info.num_cores * info.num_subcores
    bpw = N // nw

    @functools.partial(
        pl.kernel,
        mesh=plsc.VectorSubcoreMesh(core_axis_name="c", subcore_axis_name="s"),
        out_type=jax.ShapeDtypeStruct((N, 3), jnp.float32),
        scratch_types=[
            pltpu.VMEM((bpw, 1), jnp.int32),
            pltpu.VMEM((bpw, 8, 3), jnp.float32),
            pltpu.VMEM((bpw, 3), jnp.float32),
            pltpu.SemaphoreType.DMA,
        ],
        compiler_params=pltpu.CompilerParams(needs_layout_passes=False),
    )
    def gather(yc_hbm, idx_hbm, out_hbm, idx2_v, rows_v, out_v, sem):
        wid = lax.axis_index("s") * nc + lax.axis_index("c")
        base = wid * bpw
        pltpu.sync_copy(idx_hbm.at[pl.ds(base, bpw), :], idx2_v)
        lane = lax.iota(jnp.int32, 16)
        zero = jnp.zeros((16,), jnp.int32)
        idx_groups = [plsc.load_gather(idx2_v, [lane + g * 16, zero])
                      for g in range(bpw // 16)]
        copies = []
        for q in range(bpw):
            idxg = idx_groups[q // 16]
            s = jnp.max(jnp.where(lane == (q % 16), idxg, 0), axis=0)
            r0 = pl.multiple_of(lax.bitwise_and(s, -8), 8)
            copies.append(pltpu.async_copy(
                yc_hbm.at[pl.ds(r0, 8)], rows_v.at[q], sem))
        for cp in copies:
            cp.wait()
        for g in range(bpw // 16):
            idx = idx_groups[g]
            q = lane + g * 16
            sub = lax.bitwise_and(idx, 7)
            for c in range(3):
                cvec = jnp.full((16,), c, jnp.int32)
                vals = plsc.load_gather(rows_v, [q, sub, cvec])
                plsc.store_scatter(out_v, [q, cvec], vals)
        pltpu.sync_copy(out_v, out_hbm.at[pl.ds(base, bpw)])

    return gather


def kernel(x_f, y_f, y_c, temp_inv):
    x = x_f[0]
    xx = jnp.sum(x_f * x_f, axis=-1, keepdims=True)[0]
    yy = jnp.sum(y_f * y_f, axis=-1)
    yt = jnp.swapaxes(y_f[0], 0, 1)
    negt = -temp_inv

    idx = _nn_argmax(x, yt, xx, yy, negt)

    out = _sc_row_gather()(y_c[0], idx)
    return out[None]

# --- scband reference (transcript-rebuilt; emitter-appended) ---
"""Pipeline reference for scband-soft-nn-74929999446257 (READ-ONLY COPY).

The authoritative reference and input builder live on the scoring server;
editing this copy changes nothing except your own understanding.
"""

import jax, jax.numpy as jnp
import numpy as np


def pairwise_distance(x, y):
    # squared euclidean pairwise distance: [b,n,c] x [b,m,c] -> [b,n,m]
    xx = jnp.sum(x * x, axis=-1, keepdims=True)            # [b,n,1]
    yy = jnp.sum(y * y, axis=-1, keepdims=True)            # [b,m,1]
    xy = jnp.einsum('bnc,bmc->bnm', x, y)                  # [b,n,m]
    return xx - 2.0 * xy + jnp.swapaxes(yy, 1, 2)


def setup_inputs(seed: int = 0) -> dict:
    key = jax.random.key(seed)
    k1, k2, k3 = jax.random.split(key, 3)
    x_f = jax.random.normal(k1, (1, 1024, 16), dtype=jnp.float32)
    y_f = jax.random.normal(k2, (1, 100000, 16), dtype=jnp.float32)
    y_c = jax.random.normal(k3, (1, 100000, 3), dtype=jnp.float32)
    # learned inverse temperature parameter (init_kwargs inv_temp=10)
    temp_inv = jnp.array([10.0], dtype=jnp.float32)
    return {"x_f": x_f, "y_f": y_f, "y_c": y_c, "temp_inv": temp_inv}


def reference(x_f, y_f, y_c, temp_inv):
    # corr_type='soft', st=True
    dist = pairwise_distance(x_f, y_f)                       # [b,n,m]
    y_soft = jax.nn.softmax(-dist * temp_inv[0], axis=2)     # [b,n,m]
    # straight-through: hard one-hot of argmax in fwd, soft grads in bwd
    index = jnp.argmax(y_soft, axis=2)                       # [b,n]
    y_hard = jax.nn.one_hot(index, y_soft.shape[2], dtype=y_soft.dtype)  # [b,n,m]
    ret = y_hard - jax.lax.stop_gradient(y_soft) + y_soft
    x_corr = jnp.einsum('bnm,bmc->bnc', ret, y_c)            # [b,n,3]
    return x_corr

if __name__ == "__main__":
    import jax
    _d = setup_inputs()
    print(jax.jit(kernel)(*tuple(_d.values())))

</pallas_src>

<mosaic_0001>
#map = affine_map<(d0, d1) -> (0, 0)>
module attributes {stable_mosaic.version = 14 : i64} {
  func.func @gather(%arg0: i32, %arg1: i32, %arg2: memref<100000x3xf32, #tpu.memory_space<hbm>>, %arg3: memref<1024x1xi32, #tpu.memory_space<hbm>>, %arg4: memref<1024x3xf32, #tpu.memory_space<hbm>>, %arg5: memref<32x1xi32, #tpu.memory_space<vmem>>, %arg6: memref<32x8x3xf32, #tpu.memory_space<vmem>>, %arg7: memref<32x3xf32, #tpu.memory_space<vmem>>, %arg8: memref<!tpu.dma_semaphore, #tpu.memory_space<semaphore_mem>>) attributes {dimension_semantics = [#tpu.dimension_semantics<core_parallel>, #tpu.dimension_semantics<subcore_parallel>], iteration_bounds = array<i64: 2, 16>, scalar_prefetch = 0 : i64, scratch_operands = 4 : i64, tpu.core_type = #tpu.core_type<sc_vector_subcore>, window_params = [{transform_indices = #map}, {transform_indices = #map}, {transform_indices = #map}]} {
    %mul3A = arith.constant 2 : i32
    %mul3A_0 = arith.muli %arg1, %mul3A : i32
    %add3A = arith.addi %mul3A_0, %arg0 : i32
    %mul3A_1 = arith.constant 32 : i32
    %mul3A_2 = arith.muli %add3A, %mul3A_1 : i32
    "tpu.region"() ({
      %run_scoped3A = tpu.sem_alloc : memref<!tpu.dma_semaphore, #tpu.memory_space<semaphore_mem>>
      %dma_start3A_1409 = arith.constant 0 : i32
      %dma_start3A_1410 = tpu.memref_slice %arg3[%mul3A_2, %dma_start3A_1409] : memref<1024x1xi32, #tpu.memory_space<hbm>> -> memref<32x1xi32, #tpu.memory_space<hbm>>
      %dma_start3A_1411 = arith.constant 0 : i32
      %dma_start3A_1412 = tpu.memref_slice %arg3[%mul3A_2, %dma_start3A_1411] : memref<1024x1xi32, #tpu.memory_space<hbm>> -> memref<32x1xi32, #tpu.memory_space<hbm>>
      tpu.enqueue_dma source(%dma_start3A_1412 : memref<32x1xi32, #tpu.memory_space<hbm>>) target(%arg5 : memref<32x1xi32, #tpu.memory_space<vmem>>) target_semaphore(%run_scoped3A : memref<!tpu.dma_semaphore, #tpu.memory_space<semaphore_mem>>)
      %dma_wait3A_1413 = arith.constant 0 : i32
      %dma_wait3A_1414 = tpu.memref_slice %arg3[%mul3A_2, %dma_wait3A_1413] : memref<1024x1xi32, #tpu.memory_space<hbm>> -> memref<32x1xi32, #tpu.memory_space<hbm>>
      %dma_wait3A_1415 = arith.constant 0 : i32
      %dma_wait3A_1416 = tpu.memref_slice %arg3[%mul3A_2, %dma_wait3A_1415] : memref<1024x1xi32, #tpu.memory_space<hbm>> -> memref<32x1xi32, #tpu.memory_space<hbm>>
      tpu.wait_dma2 semaphore(%run_scoped3A : memref<!tpu.dma_semaphore, #tpu.memory_space<semaphore_mem>>) src(%dma_wait3A_1416 : memref<32x1xi32, #tpu.memory_space<hbm>>) dst(%arg5 : memref<32x1xi32, #tpu.memory_space<vmem>>)
      tpu.yield
    }) : () -> ()
    %iota3A = tpu.iota {dimensions = array<i32: 0>} : vector<16xi32>
    %broadcast_in_dim3A = arith.constant 0 : i32
    %broadcast_in_dim3A_3 = vector.broadcast %broadcast_in_dim3A : i32 to vector<16xi32>
    %add3A_4 = arith.constant 0 : i32
    %add3A_5 = vector.broadcast %add3A_4 : i32 to vector<16xi32>
    %add3A_6 = arith.addi %iota3A, %add3A_5 : vector<16xi32>
    %gather3A = tpu.vector_load_idx %arg5[%add3A_6, %broadcast_in_dim3A_3] : memref<32x1xi32, #tpu.memory_space<vmem>>[vector<16xi32>, vector<16xi32>], vector<16xi32>,
    %add3A_7 = arith.constant 16 : i32
    %add3A_8 = vector.broadcast %add3A_7 : i32 to vector<16xi32>
    %add3A_9 = arith.addi %iota3A, %add3A_8 : vector<16xi32>
    %gather3A_10 = tpu.vector_load_idx %arg5[%add3A_9, %broadcast_in_dim3A_3] : memref<32x1xi32, #tpu.memory_space<vmem>>[vector<16xi32>, vector<16xi32>], vector<16xi32>,
    %eq3A = arith.constant 0 : i32
    %eq3A_11 = vector.broadcast %eq3A : i32 to vector<16xi32>
    %eq3A_12 = arith.cmpi eq, %iota3A, %eq3A_11 : vector<16xi32>
    %jit3A = arith.constant 0 : i32
    %broadcast_in_dim3A_13 = vector.broadcast %jit3A : i32 to vector<16xi32>
    %select_n3A = arith.select %eq3A_12, %gather3A, %broadcast_in_dim3A_13 : vector<16xi1>, vector<16xi32>
    %reduce_max3A = arith.constant true
    %reduce_max3A_14 = vector.broadcast %reduce_max3A : i1 to vector<16xi1>
    %reduce_max3A_15 = arith.constant -2147483648 : i32
    %reduce_max3A_16 = vector.broadcast %reduce_max3A_15 : i32 to vector<16xi32>
    %reduce_max3A_17 = arith.xori %select_n3A, %reduce_max3A_16 : vector<16xi32>
    %reduce_max3A_18 = tpu.scan <max>, %reduce_max3A_17 masked %reduce_max3A_14 : vector<16xi32>, vector<16xi1> -> vector<16xi32>
    %reduce_max3A_19 = arith.xori %reduce_max3A_18, %reduce_max3A_16 : vector<16xi32>
    %reduce_max3A_20 = vector.extract %reduce_max3A_19[15] : i32 from vector<16xi32>
    %and3A = arith.constant -8 : i32
    %and3A_21 = arith.andi %reduce_max3A_20, %and3A : i32
    %multiple_of3A = tpu.assume_multiple %and3A_21, 8 : i32
    %dma_start3A = arith.constant 0 : i32
    %dma_start3A_22 = arith.constant 0 : i32
    %dma_start3A_23 = arith.constant 0 : i32
    %dma_start3A_24 = tpu.memref_slice %arg6[%dma_start3A, %dma_start3A_22, %dma_start3A_23] : memref<32x8x3xf32, #tpu.memory_space<vmem>> -> memref<1x8x3xf32, #tpu.memory_space<vmem>>
    %dma_start3A_25 = tpu.memref_squeeze %dma_start3A_24 : memref<1x8x3xf32, #tpu.memory_space<vmem>> -> memref<8x3xf32, #tpu.memory_space<vmem>>
    %dma_start3A_26 = arith.constant 0 : i32
    %dma_start3A_27 = tpu.memref_slice %arg2[%multiple_of3A, %dma_start3A_26] : memref<100000x3xf32, #tpu.memory_space<hbm>> -> memref<8x3xf32, #tpu.memory_space<hbm>>
    %dma_start3A_28 = arith.constant 0 : i32
    %dma_start3A_29 = arith.constant 0 : i32
    %dma_start3A_30 = tpu.memref_slice %arg6[%dma_start3A, %dma_start3A_28, %dma_start3A_29] : memref<32x8x3xf32, #tpu.memory_space<vmem>> -> memref<1x8x3xf32, #tpu.memory_space<vmem>>
    %dma_start3A_31 = tpu.memref_squeeze %dma_start3A_30 : memref<1x8x3xf32, #tpu.memory_space<vmem>> -> memref<8x3xf32, #tpu.memory_space<vmem>>
    %dma_start3A_32 = arith.constant 0 : i32
    %dma_start3A_33 = tpu.memref_slice %arg2[%multiple_of3A, %dma_start3A_32] : memref<100000x3xf32, #tpu.memory_space<hbm>> -> memref<8x3xf32, #tpu.memory_space<hbm>>
    tpu.enqueue_dma source(%dma_start3A_33 : memref<8x3xf32, #tpu.memory_space<hbm>>) target(%dma_start3A_31 : memref<8x3xf32, #tpu.memory_space<vmem>>) target_semaphore(%arg8 : memref<!tpu.dma_semaphore, #tpu.memory_space<semaphore_mem>>)
    %eq3A_34 = arith.constant 1 : i32
    %eq3A_35 = vector.broadcast %eq3A_34 : i32 to vector<16xi32>
    %eq3A_36 = arith.cmpi eq, %iota3A, %eq3A_35 : vector<16xi32>
    %jit3A_37 = arith.constant 0 : i32
    %broadcast_in_dim3A_38 = vector.broadcast %jit3A_37 : i32 to vector<16xi32>
    %select_n3A_39 = arith.select %eq3A_36, %gather3A, %broadcast_in_dim3A_38 : vector<16xi1>, vector<16xi32>
    %reduce_max3A_40 = arith.constant true
    %reduce_max3A_41 = vector.broadcast %reduce_max3A_40 : i1 to vector<16xi1>
    %reduce_max3A_42 = arith.constant -2147483648 : i32
    %reduce_max3A_43 = vector.broadcast %reduce_max3A_42 : i32 to vector<16xi32>
    %reduce_max3A_44 = arith.xori %select_n3A_39, %reduce_max3A_43 : vector<16xi32>
    %reduce_max3A_45 = tpu.scan <max>, %reduce_max3A_44 masked %reduce_max3A_41 : vector<16xi32>, vector<16xi1> -> vector<16xi32>
    %reduce_max3A_46 = arith.xori %reduce_max3A_45, %reduce_max3A_43 : vector<16xi32>
    %reduce_max3A_47 = vector.extract %reduce_max3A_46[15] : i32 from vector<16xi32>
    %and3A_48 = arith.constant -8 : i32
    %and3A_49 = arith.andi %reduce_max3A_47, %and3A_48 : i32
    %multiple_of3A_50 = tpu.assume_multiple %and3A_49, 8 : i32
    %dma_start3A_51 = arith.constant 1 : i32
    %dma_start3A_52 = arith.constant 0 : i32
    %dma_start3A_53 = arith.constant 0 : i32
    %dma_start3A_54 = tpu.memref_slice %arg6[%dma_start3A_51, %dma_start3A_52, %dma_start3A_53] : memref<32x8x3xf32, #tpu.memory_space<vmem>> -> memref<1x8x3xf32, #tpu.memory_space<vmem>>
    %dma_start3A_55 = tpu.memref_squeeze %dma_start3A_54 : memref<1x8x3xf32, #tpu.memory_space<vmem>> -> memref<8x3xf32, #tpu.memory_space<vmem>>
    %dma_start3A_56 = arith.constant 0 : i32
    %dma_start3A_57 = tpu.memref_slice %arg2[%multiple_of3A_50, %dma_start3A_56] : memref<100000x3xf32, #tpu.memory_space<hbm>> -> memref<8x3xf32, #tpu.memory_space<hbm>>
    %dma_start3A_58 = arith.constant 0 : i32
    %dma_start3A_59 = arith.constant 0 : i32
    %dma_start3A_60 = tpu.memref_slice %arg6[%dma_start3A_51, %dma_start3A_58, %dma_start3A_59] : memref<32x8x3xf32, #tpu.memory_space<vmem>> -> memref<1x8x3xf32, #tpu.memory_space<vmem>>
    %dma_start3A_61 = tpu.memref_squeeze %dma_start3A_60 : memref<1x8x3xf32, #tpu.memory_space<vmem>> -> memref<8x3xf32, #tpu.memory_space<vmem>>
    %dma_start3A_62 = arith.constant 0 : i32
    %dma_start3A_63 = tpu.memref_slice %arg2[%multiple_of3A_50, %dma_start3A_62] : memref<100000x3xf32, #tpu.memory_space<hbm>> -> memref<8x3xf32, #tpu.memory_space<hbm>>
    tpu.enqueue_dma source(%dma_start3A_63 : memref<8x3xf32, #tpu.memory_space<hbm>>) target(%dma_start3A_61 : memref<8x3xf32, #tpu.memory_space<vmem>>) target_semaphore(%arg8 : memref<!tpu.dma_semaphore, #tpu.memory_space<semaphore_mem>>)
    %eq3A_64 = arith.constant 2 : i32
    %eq3A_65 = vector.broadcast %eq3A_64 : i32 to vector<16xi32>
    %eq3A_66 = arith.cmpi eq, %iota3A, %eq3A_65 : vector<16xi32>
    %jit3A_67 = arith.constant 0 : i32
    %broadcast_in_dim3A_68 = vector.broadcast %jit3A_67 : i32 to vector<16xi32>
    %select_n3A_69 = arith.select %eq3A_66, %gather3A, %broadcast_in_dim3A_68 : vector<16xi1>, vector<16xi32>
    %reduce_max3A_70 = arith.constant true
    %reduce_max3A_71 = vector.broadcast %reduce_max3A_70 : i1 to vector<16xi1>
    %reduce_max3A_72 = arith.constant -2147483648 : i32
    %reduce_max3A_73 = vector.broadcast %reduce_max3A_72 : i32 to vector<16xi32>
    %reduce_max3A_74 = arith.xori %select_n3A_69, %reduce_max3A_73 : vector<16xi32>
    %reduce_max3A_75 = tpu.scan <max>, %reduce_max3A_74 masked %reduce_max3A_71 : vector<16xi32>, vector<16xi1> -> vector<16xi32>
    %reduce_max3A_76 = arith.xori %reduce_max3A_75, %reduce_max3A_73 : vector<16xi32>
    %reduce_max3A_77 = vector.extract %reduce_max3A_76[15] : i32 from vector<16xi32>
    %and3A_78 = arith.constant -8 : i32
    %and3A_79 = arith.andi %reduce_max3A_77, %and3A_78 : i32
    %multiple_of3A_80 = tpu.assume_multiple %and3A_79, 8 : i32
    %dma_start3A_81 = arith.constant 2 : i32
    %dma_start3A_82 = arith.constant 0 : i32
    %dma_start3A_83 = arith.constant 0 : i32
    %dma_start3A_84 = tpu.memref_slice %arg6[%dma_start3A_81, %dma_start3A_82, %dma_start3A_83] : memref<32x8x3xf32, #tpu.memory_space<vmem>> -> memref<1x8x3xf32, #tpu.memory_space<vmem>>
    %dma_start3A_85 = tpu.memref_squeeze %dma_start3A_84 : memref<1x8x3xf32, #tpu.memory_space<vmem>> -> memref<8x3xf32, #tpu.memory_space<vmem>>
    %dma_start3A_86 = arith.constant 0 : i32
    %dma_start3A_87 = tpu.memref_slice %arg2[%multiple_of3A_80, %dma_start3A_86] : memref<100000x3xf32, #tpu.memory_space<hbm>> -> memref<8x3xf32, #tpu.memory_space<hbm>>
    %dma_start3A_88 = arith.constant 0 : i32
    %dma_start3A_89 = arith.constant 0 : i32
    %dma_start3A_90 = tpu.memref_slice %arg6[%dma_start3A_81, %dma_start3A_88, %dma_start3A_89] : memref<32x8x3xf32, #tpu.memory_space<vmem>> -> memref<1x8x3xf32, #tpu.memory_space<vmem>>
    %dma_start3A_91 = tpu.memref_squeeze %dma_start3A_90 : memref<1x8x3xf32, #tpu.memory_space<vmem>> -> memref<8x3xf32, #tpu.memory_space<vmem>>
    %dma_start3A_92 = arith.constant 0 : i32
    %dma_start3A_93 = tpu.memref_slice %arg2[%multiple_of3A_80, %dma_start3A_92] : memref<100000x3xf32, #tpu.memory_space<hbm>> -> memref<8x3xf32, #tpu.memory_space<hbm>>
    tpu.enqueue_dma source(%dma_start3A_93 : memref<8x3xf32, #tpu.memory_space<hbm>>) target(%dma_start3A_91 : memref<8x3xf32, #tpu.memory_space<vmem>>) target_semaphore(%arg8 : memref<!tpu.dma_semaphore, #tpu.memory_space<semaphore_mem>>)
    %eq3A_94 = arith.constant 3 : i32
    %eq3A_95 = vector.broadcast %eq3A_94 : i32 to vector<16xi32>
    %eq3A_96 = arith.cmpi eq, %iota3A, %eq3A_95 : vector<16xi32>
    %jit3A_97 = arith.constant 0 : i32
    %broadcast_in_dim3A_98 = vector.broadcast %jit3A_97 : i32 to vector<16xi32>
    %select_n3A_99 = arith.select %eq3A_96, %gather3A, %broadcast_in_dim3A_98 : vector<16xi1>, vector<16xi32>
    %reduce_max3A_100 = arith.constant true
    %reduce_max3A_101 = vector.broadcast %reduce_max3A_100 : i1 to vector<16xi1>
    %reduce_max3A_102 = arith.constant -2147483648 : i32
    %reduce_max3A_103 = vector.broadcast %reduce_max3A_102 : i32 to vector<16xi32>
    %reduce_max3A_104 = arith.xori %select_n3A_99, %reduce_max3A_103 : vector<16xi32>
    %reduce_max3A_105 = tpu.scan <max>, %reduce_max3A_104 masked %reduce_max3A_101 : vector<16xi32>, vector<16xi1> -> vector<16xi32>
    %reduce_max3A_106 = arith.xori %reduce_max3A_105, %reduce_max3A_103 : vector<16xi32>
    %reduce_max3A_107 = vector.extract %reduce_max3A_106[15] : i32 from vector<16xi32>
    %and3A_108 = arith.constant -8 : i32
    %and3A_109 = arith.andi %reduce_max3A_107, %and3A_108 : i32
    %multiple_of3A_110 = tpu.assume_multiple %and3A_109, 8 : i32
    %dma_start3A_111 = arith.constant 3 : i32
    %dma_start3A_112 = arith.constant 0 : i32
    %dma_start3A_113 = arith.constant 0 : i32
    %dma_start3A_114 = tpu.memref_slice %arg6[%dma_start3A_111, %dma_start3A_112, %dma_start3A_113] : memref<32x8x3xf32, #tpu.memory_space<vmem>> -> memref<1x8x3xf32, #tpu.memory_space<vmem>>
    %dma_start3A_115 = tpu.memref_squeeze %dma_start3A_114 : memref<1x8x3xf32, #tpu.memory_space<vmem>> -> memref<8x3xf32, #tpu.memory_space<vmem>>
    %dma_start3A_116 = arith.constant 0 : i32
    %dma_start3A_117 = tpu.memref_slice %arg2[%multiple_of3A_110, %dma_start3A_116] : memref<100000x3xf32, #tpu.memory_space<hbm>> -> memref<8x3xf32, #tpu.memory_space<hbm>>
    %dma_start3A_118 = arith.constant 0 : i32
    %dma_start3A_119 = arith.constant 0 : i32
    %dma_start3A_120 = tpu.memref_slice %arg6[%dma_start3A_111, %dma_start3A_118, %dma_start3A_119] : memref<32x8x3xf32, #tpu.memory_space<vmem>> -> memref<1x8x3xf32, #tpu.memory_space<vmem>>
    %dma_start3A_121 = tpu.memref_squeeze %dma_start3A_120 : memref<1x8x3xf32, #tpu.memory_space<vmem>> -> memref<8x3xf32, #tpu.memory_space<vmem>>
    %dma_start3A_122 = arith.constant 0 : i32
    %dma_start3A_123 = tpu.memref_slice %arg2[%multiple_of3A_110, %dma_start3A_122] : memref<100000x3xf32, #tpu.memory_space<hbm>> -> memref<8x3xf32, #tpu.memory_space<hbm>>
    tpu.enqueue_dma source(%dma_start3A_123 : memref<8x3xf32, #tpu.memory_space<hbm>>) target(%dma_start3A_121 : memref<8x3xf32, #tpu.memory_space<vmem>>) target_semaphore(%arg8 : memref<!tpu.dma_semaphore, #tpu.memory_space<semaphore_mem>>)
    %eq3A_124 = arith.constant 4 : i32
    %eq3A_125 = vector.broadcast %eq3A_124 : i32 to vector<16xi32>
    %eq3A_126 = arith.cmpi eq, %iota3A, %eq3A_125 : vector<16xi32>
    %jit3A_127 = arith.constant 0 : i32
    %broadcast_in_dim3A_128 = vector.broadcast %jit3A_127 : i32 to vector<16xi32>
    %select_n3A_129 = arith.select %eq3A_126, %gather3A, %broadcast_in_dim3A_128 : vector<16xi1>, vector<16xi32>
    %reduce_max3A_130 = arith.constant true
    %reduce_max3A_131 = vector.broadcast %reduce_max3A_130 : i1 to vector<16xi1>
    %reduce_max3A_132 = arith.constant -2147483648 : i32
    %reduce_max3A_133 = vector.broadcast %reduce_max3A_132 : i32 to vector<16xi32>
    %reduce_max3A_134 = arith.xori %select_n3A_129, %reduce_max3A_133 : vector<16xi32>
    %reduce_max3A_135 = tpu.scan <max>, %reduce_max3A_134 masked %reduce_max3A_131 : vector<16xi32>, vector<16xi1> -> vector<16xi32>
    %reduce_max3A_136 = arith.xori %reduce_max3A_135, %reduce_max3A_133 : vector<16xi32>
    %reduce_max3A_137 = vector.extract %reduce_max3A_136[15] : i32 from vector<16xi32>
    %and3A_138 = arith.constant -8 : i32
    %and3A_139 = arith.andi %reduce_max3A_137, %and3A_138 : i32
    %multiple_of3A_140 = tpu.assume_multiple %and3A_139, 8 : i32
    %dma_start3A_141 = arith.constant 4 : i32
    %dma_start3A_142 = arith.constant 0 : i32
    %dma_start3A_143 = arith.constant 0 : i32
    %dma_start3A_144 = tpu.memref_slice %arg6[%dma_start3A_141, %dma_start3A_142, %dma_start3A_143] : memref<32x8x3xf32, #tpu.memory_space<vmem>> -> memref<1x8x3xf32, #tpu.memory_space<vmem>>
    %dma_start3A_145 = tpu.memref_squeeze %dma_start3A_144 : memref<1x8x3xf32, #tpu.memory_space<vmem>> -> memref<8x3xf32, #tpu.memory_space<vmem>>
    %dma_start3A_146 = arith.constant 0 : i32
    %dma_start3A_147 = tpu.memref_slice %arg2[%multiple_of3A_140, %dma_start3A_146] : memref<100000x3xf32, #tpu.memory_space<hbm>> -> memref<8x3xf32, #tpu.memory_space<hbm>>
    %dma_start3A_148 = arith.constant 0 : i32
    %dma_start3A_149 = arith.constant 0 : i32
    %dma_start3A_150 = tpu.memref_slice %arg6[%dma_start3A_141, %dma_start3A_148, %dma_start3A_149] : memref<32x8x3xf32, #tpu.memory_space<vmem>> -> memref<1x8x3xf32, #tpu.memory_space<vmem>>
    %dma_start3A_151 = tpu.memref_squeeze %dma_start3A_150 : memref<1x8x3xf32, #tpu.memory_space<vmem>> -> memref<8x3xf32, #tpu.memory_space<vmem>>
    %dma_start3A_152 = arith.constant 0 : i32
    %dma_start3A_153 = tpu.memref_slice %arg2[%multiple_of3A_140, %dma_start3A_152] : memref<100000x3xf32, #tpu.memory_space<hbm>> -> memref<8x3xf32, #tpu.memory_space<hbm>>
    tpu.enqueue_dma source(%dma_start3A_153 : memref<8x3xf32, #tpu.memory_space<hbm>>) target(%dma_start3A_151 : memref<8x3xf32, #tpu.memory_space<vmem>>) target_semaphore(%arg8 : memref<!tpu.dma_semaphore, #tpu.memory_space<semaphore_mem>>)
    %eq3A_154 = arith.constant 5 : i32
    %eq3A_155 = vector.broadcast %eq3A_154 : i32 to vector<16xi32>
    %eq3A_156 = arith.cmpi eq, %iota3A, %eq3A_155 : vector<16xi32>
    %jit3A_157 = arith.constant 0 : i32
    %broadcast_in_dim3A_158 = vector.broadcast %jit3A_157 : i32 to vector<16xi32>
    %select_n3A_159 = arith.select %eq3A_156, %gather3A, %broadcast_in_dim3A_158 : vector<16xi1>, vector<16xi32>
    %reduce_max3A_160 = arith.constant true
    %reduce_max3A_161 = vector.broadcast %reduce_max3A_160 : i1 to vector<16xi1>
    %reduce_max3A_162 = arith.constant -2147483648 : i32
    %reduce_max3A_163 = vector.broadcast %reduce_max3A_162 : i32 to vector<16xi32>
    %reduce_max3A_164 = arith.xori %select_n3A_159, %reduce_max3A_163 : vector<16xi32>
    %reduce_max3A_165 = tpu.scan <max>, %reduce_max3A_164 masked %reduce_max3A_161 : vector<16xi32>, vector<16xi1> -> vector<16xi32>
    %reduce_max3A_166 = arith.xori %reduce_max3A_165, %reduce_max3A_163 : vector<16xi32>
    %reduce_max3A_167 = vector.extract %reduce_max3A_166[15] : i32 from vector<16xi32>
    %and3A_168 = arith.constant -8 : i32
    %and3A_169 = arith.andi %reduce_max3A_167, %and3A_168 : i32
    %multiple_of3A_170 = tpu.assume_multiple %and3A_169, 8 : i32
    %dma_start3A_171 = arith.constant 5 : i32
    %dma_start3A_172 = arith.constant 0 : i32
    %dma_start3A_173 = arith.constant 0 : i32
    %dma_start3A_174 = tpu.memref_slice %arg6[%dma_start3A_171, %dma_start3A_172, %dma_start3A_173] : memref<32x8x3xf32, #tpu.memory_space<vmem>> -> memref<1x8x3xf32, #tpu.memory_space<vmem>>
    %dma_start3A_175 = tpu.memref_squeeze %dma_start3A_174 : memref<1x8x3xf32, #tpu.memory_space<vmem>> -> memref<8x3xf32, #tpu.memory_space<vmem>>
    %dma_start3A_176 = arith.constant 0 : i32
    %dma_start3A_177 = tpu.memref_slice %arg2[%multiple_of3A_170, %dma_start3A_176] : memref<100000x3xf32, #tpu.memory_space<hbm>> -> memref<8x3xf32, #tpu.memory_space<hbm>>
    %dma_start3A_178 = arith.constant 0 : i32
    %dma_start3A_179 = arith.constant 0 : i32
    %dma_start3A_180 = tpu.memref_slice %arg6[%dma_start3A_171, %dma_start3A_178, %dma_start3A_179] : memref<32x8x3xf32, #tpu.memory_space<vmem>> -> memref<1x8x3xf32, #tpu.memory_space<vmem>>
    %dma_start3A_181 = tpu.memref_squeeze %dma_start3A_180 : memref<1x8x3xf32, #tpu.memory_space<vmem>> -> memref<8x3xf32, #tpu.memory_space<vmem>>
    %dma_start3A_182 = arith.constant 0 : i32
    %dma_start3A_183 = tpu.memref_slice %arg2[%multiple_of3A_170, %dma_start3A_182] : memref<100000x3xf32, #tpu.memory_space<hbm>> -> memref<8x3xf32, #tpu.memory_space<hbm>>
    tpu.enqueue_dma source(%dma_start3A_183 : memref<8x3xf32, #tpu.memory_space<hbm>>) target(%dma_start3A_181 : memref<8x3xf32, #tpu.memory_space<vmem>>) target_semaphore(%arg8 : memref<!tpu.dma_semaphore, #tpu.memory_space<semaphore_mem>>)
    %eq3A_184 = arith.constant 6 : i32
    %eq3A_185 = vector.broadcast %eq3A_184 : i32 to vector<16xi32>
    %eq3A_186 = arith.cmpi eq, %iota3A, %eq3A_185 : vector<16xi32>
    %jit3A_187 = arith.constant 0 : i32
    %broadcast_in_dim3A_188 = vector.broadcast %jit3A_187 : i32 to vector<16xi32>
    %select_n3A_189 = arith.select %eq3A_186, %gather3A, %broadcast_in_dim3A_188 : vector<16xi1>, vector<16xi32>
    %reduce_max3A_190 = arith.constant true
    %reduce_max3A_191 = vector.broadcast %reduce_max3A_190 : i1 to vector<16xi1>
    %reduce_max3A_192 = arith.constant -2147483648 : i32
    %reduce_max3A_193 = vector.broadcast %reduce_max3A_192 : i32 to vector<16xi32>
    %reduce_max3A_194 = arith.xori %select_n3A_189, %reduce_max3A_193 : vector<16xi32>
    %reduce_max3A_195 = tpu.scan <max>, %reduce_max3A_194 masked %reduce_max3A_191 : vector<16xi32>, vector<16xi1> -> vector<16xi32>
    %reduce_max3A_196 = arith.xori %reduce_max3A_195, %reduce_max3A_193 : vector<16xi32>
    %reduce_max3A_197 = vector.extract %reduce_max3A_196[15] : i32 from vector<16xi32>
    %and3A_198 = arith.constant -8 : i32
    %and3A_199 = arith.andi %reduce_max3A_197, %and3A_198 : i32
    %multiple_of3A_200 = tpu.assume_multiple %and3A_199, 8 : i32
    %dma_start3A_201 = arith.constant 6 : i32
    %dma_start3A_202 = arith.constant 0 : i32
    %dma_start3A_203 = arith.constant 0 : i32
    %dma_start3A_204 = tpu.memref_slice %arg6[%dma_start3A_201, %dma_start3A_202, %dma_start3A_203] : memref<32x8x3xf32, #tpu.memory_space<vmem>> -> memref<1x8x3xf32, #tpu.memory_space<vmem>>
    %dma_start3A_205 = tpu.memref_squeeze %dma_start3A_204 : memref<1x8x3xf32, #tpu.memory_space<vmem>> -> memref<8x3xf32, #tpu.memory_space<vmem>>
    %dma_start3A_206 = arith.constant 0 : i32
    %dma_start3A_207 = tpu.memref_slice %arg2[%multiple_of3A_200, %dma_start3A_206] : memref<100000x3xf32, #tpu.memory_space<hbm>> -> memref<8x3xf32, #tpu.memory_space<hbm>>
    %dma_start3A_208 = arith.constant 0 : i32
    %dma_start3A_209 = arith.constant 0 : i32
    %dma_start3A_210 = tpu.memref_slice %arg6[%dma_start3A_201, %dma_start3A_208, %dma_start3A_209] : memref<32x8x3xf32, #tpu.memory_space<vmem>> -> memref<1x8x3xf32, #tpu.memory_space<vmem>>
    %dma_start3A_211 = tpu.memref_squeeze %dma_start3A_210 : memref<1x8x3xf32, #tpu.memory_space<vmem>> -> memref<8x3xf32, #tpu.memory_space<vmem>>
    %dma_start3A_212 = arith.constant 0 : i32
    %dma_start3A_213 = tpu.memref_slice %arg2[%multiple_of3A_200, %dma_start3A_212] : memref<100000x3xf32, #tpu.memory_space<hbm>> -> memref<8x3xf32, #tpu.memory_space<hbm>>
    tpu.enqueue_dma source(%dma_start3A_213 : memref<8x3xf32, #tpu.memory_space<hbm>>) target(%dma_start3A_211 : memref<8x3xf32, #tpu.memory_space<vmem>>) target_semaphore(%arg8 : memref<!tpu.dma_semaphore, #tpu.memory_space<semaphore_mem>>)
    %eq3A_214 = arith.constant 7 : i32
    %eq3A_215 = vector.broadcast %eq3A_214 : i32 to vector<16xi32>
    %eq3A_216 = arith.cmpi eq, %iota3A, %eq3A_215 : vector<16xi32>
    %jit3A_217 = arith.constant 0 : i32
    %broadcast_in_dim3A_218 = vector.broadcast %jit3A_217 : i32 to vector<16xi32>
    %select_n3A_219 = arith.select %eq3A_216, %gather3A, %broadcast_in_dim3A_218 : vector<16xi1>, vector<16xi32>
    %reduce_max3A_220 = arith.constant true
    %reduce_max3A_221 = vector.broadcast %reduce_max3A_220 : i1 to vector<16xi1>
    %reduce_max3A_222 = arith.constant -2147483648 : i32
    %reduce_max3A_223 = vector.broadcast %reduce_max3A_222 : i32 to vector<16xi32>
    %reduce_max3A_224 = arith.xori %select_n3A_219, %reduce_max3A_223 : vector<16xi32>
    %reduce_max3A_225 = tpu.scan <max>, %reduce_max3A_224 masked %reduce_max3A_221 : vector<16xi32>, vector<16xi1> -> vector<16xi32>
    %reduce_max3A_226 = arith.xori %reduce_max3A_225, %reduce_max3A_223 : vector<16xi32>
    %reduce_max3A_227 = vector.extract %reduce_max3A_226[15] : i32 from vector<16xi32>
    %and3A_228 = arith.constant -8 : i32
    %and3A_229 = arith.andi %reduce_max3A_227, %and3A_228 : i32
    %multiple_of3A_230 = tpu.assume_multiple %and3A_229, 8 : i32
    %dma_start3A_231 = arith.constant 7 : i32
    %dma_start3A_232 = arith.constant 0 : i32
    %dma_start3A_233 = arith.constant 0 : i32
    %dma_start3A_234 = tpu.memref_slice %arg6[%dma_start3A_231, %dma_start3A_232, %dma_start3A_233] : memref<32x8x3xf32, #tpu.memory_space<vmem>> -> memref<1x8x3xf32, #tpu.memory_space<vmem>>
    %dma_start3A_235 = tpu.memref_squeeze %dma_start3A_234 : memref<1x8x3xf32, #tpu.memory_space<vmem>> -> memref<8x3xf32, #tpu.memory_space<vmem>>
    %dma_start3A_236 = arith.constant 0 : i32
    %dma_start3A_237 = tpu.memref_slice %arg2[%multiple_of3A_230, %dma_start3A_236] : memref<100000x3xf32, #tpu.memory_space<hbm>> -> memref<8x3xf32, #tpu.memory_space<hbm>>
    %dma_start3A_238 = arith.constant 0 : i32
    %dma_start3A_239 = arith.constant 0 : i32
    %dma_start3A_240 = tpu.memref_slice %arg6[%dma_start3A_231, %dma_start3A_238, %dma_start3A_239] : memref<32x8x3xf32, #tpu.memory_space<vmem>> -> memref<1x8x3xf32, #tpu.memory_space<vmem>>
    %dma_start3A_241 = tpu.memref_squeeze %dma_start3A_240 : memref<1x8x3xf32, #tpu.memory_space<vmem>> -> memref<8x3xf32, #tpu.memory_space<vmem>>
    %dma_start3A_242 = arith.constant 0 : i32
    %dma_start3A_243 = tpu.memref_slice %arg2[%multiple_of3A_230, %dma_start3A_242] : memref<100000x3xf32, #tpu.memory_space<hbm>> -> memref<8x3xf32, #tpu.memory_space<hbm>>
    tpu.enqueue_dma source(%dma_start3A_243 : memref<8x3xf32, #tpu.memory_space<hbm>>) target(%dma_start3A_241 : memref<8x3xf32, #tpu.memory_space<vmem>>) target_semaphore(%arg8 : memref<!tpu.dma_semaphore, #tpu.memory_space<semaphore_mem>>)
    %eq3A_244 = arith.constant 8 : i32
    %eq3A_245 = vector.broadcast %eq3A_244 : i32 to vector<16xi32>
    %eq3A_246 = arith.cmpi eq, %iota3A, %eq3A_245 : vector<16xi32>
    %jit3A_247 = arith.constant 0 : i32
    %broadcast_in_dim3A_248 = vector.broadcast %jit3A_247 : i32 to vector<16xi32>
    %select_n3A_249 = arith.select %eq3A_246, %gather3A, %broadcast_in_dim3A_248 : vector<16xi1>, vector<16xi32>
    %reduce_max3A_250 = arith.constant true
    %reduce_max3A_251 = vector.broadcast %reduce_max3A_250 : i1 to vector<16xi1>
    %reduce_max3A_252 = arith.constant -2147483648 : i32
    %reduce_max3A_253 = vector.broadcast %reduce_max3A_252 : i32 to vector<16xi32>
    %reduce_max3A_254 = arith.xori %select_n3A_249, %reduce_max3A_253 : vector<16xi32>
    %reduce_max3A_255 = tpu.scan <max>, %reduce_max3A_254 masked %reduce_max3A_251 : vector<16xi32>, vector<16xi1> -> vector<16xi32>
    %reduce_max3A_256 = arith.xori %reduce_max3A_255, %reduce_max3A_253 : vector<16xi32>
    %reduce_max3A_257 = vector.extract %reduce_max3A_256[15] : i32 from vector<16xi32>
    %and3A_258 = arith.constant -8 : i32
    %and3A_259 = arith.andi %reduce_max3A_257, %and3A_258 : i32
    %multiple_of3A_260 = tpu.assume_multiple %and3A_259, 8 : i32
    %dma_start3A_261 = arith.constant 8 : i32
    %dma_start3A_262 = arith.constant 0 : i32
    %dma_start3A_263 = arith.constant 0 : i32
    %dma_start3A_264 = tpu.memref_slice %arg6[%dma_start3A_261, %dma_start3A_262, %dma_start3A_263] : memref<32x8x3xf32, #tpu.memory_space<vmem>> -> memref<1x8x3xf32, #tpu.memory_space<vmem>>
    %dma_start3A_265 = tpu.memref_squeeze %dma_start3A_264 : memref<1x8x3xf32, #tpu.memory_space<vmem>> -> memref<8x3xf32, #tpu.memory_space<vmem>>
    %dma_start3A_266 = arith.constant 0 : i32
    %dma_start3A_267 = tpu.memref_slice %arg2[%multiple_of3A_260, %dma_start3A_266] : memref<100000x3xf32, #tpu.memory_space<hbm>> -> memref<8x3xf32, #tpu.memory_space<hbm>>
    %dma_start3A_268 = arith.constant 0 : i32
    %dma_start3A_269 = arith.constant 0 : i32
    %dma_start3A_270 = tpu.memref_slice %arg6[%dma_start3A_261, %dma_start3A_268, %dma_start3A_269] : memref<32x8x3xf32, #tpu.memory_space<vmem>> -> memref<1x8x3xf32, #tpu.memory_space<vmem>>
    %dma_start3A_271 = tpu.memref_squeeze %dma_start3A_270 : memref<1x8x3xf32, #tpu.memory_space<vmem>> -> memref<8x3xf32, #tpu.memory_space<vmem>>
    %dma_start3A_272 = arith.constant 0 : i32
    %dma_start3A_273 = tpu.memref_slice %arg2[%multiple_of3A_260, %dma_start3A_272] : memref<100000x3xf32, #tpu.memory_space<hbm>> -> memref<8x3xf32, #tpu.memory_space<hbm>>
    tpu.enqueue_dma source(%dma_start3A_273 : memref<8x3xf32, #tpu.memory_space<hbm>>) target(%dma_start3A_271 : memref<8x3xf32, #tpu.memory_space<vmem>>) target_semaphore(%arg8 : memref<!tpu.dma_semaphore, #tpu.memory_space<semaphore_mem>>)
    %eq3A_274 = arith.constant 9 : i32
    %eq3A_275 = vector.broadcast %eq3A_274 : i32 to vector<16xi32>
    %eq3A_276 = arith.cmpi eq, %iota3A, %eq3A_275 : vector<16xi32>
    %jit3A_277 = arith.constant 0 : i32
    %broadcast_in_dim3A_278 = vector.broadcast %jit3A_277 : i32 to vector<16xi32>
    %select_n3A_279 = arith.select %eq3A_276, %gather3A, %broadcast_in_dim3A_278 : vector<16xi1>, vector<16xi32>
    %reduce_max3A_280 = arith.constant true
    %reduce_max3A_281 = vector.broadcast %reduce_max3A_280 : i1 to vector<16xi1>
    %reduce_max3A_282 = arith.constant -2147483648 : i32
    %reduce_max3A_283 = vector.broadcast %reduce_max3A_282 : i32 to vector<16xi32>
    %reduce_max3A_284 = arith.xori %select_n3A_279, %reduce_max3A_283 : vector<16xi32>
    %reduce_max3A_285 = tpu.scan <max>, %reduce_max3A_284 masked %reduce_max3A_281 : vector<16xi32>, vector<16xi1> -> vector<16xi32>
    %reduce_max3A_286 = arith.xori %reduce_max3A_285, %reduce_max3A_283 : vector<16xi32>
    %reduce_max3A_287 = vector.extract %reduce_max3A_286[15] : i32 from vector<16xi32>
    %and3A_288 = arith.constant -8 : i32
    %and3A_289 = arith.andi %reduce_max3A_287, %and3A_288 : i32
    %multiple_of3A_290 = tpu.assume_multiple %and3A_289, 8 : i32
    %dma_start3A_291 = arith.constant 9 : i32
    %dma_start3A_292 = arith.constant 0 : i32
    %dma_start3A_293 = arith.constant 0 : i32
    %dma_start3A_294 = tpu.memref_slice %arg6[%dma_start3A_291, %dma_start3A_292, %dma_start3A_293] : memref<32x8x3xf32, #tpu.memory_space<vmem>> -> memref<1x8x3xf32, #tpu.memory_space<vmem>>
    %dma_start3A_295 = tpu.memref_squeeze %dma_start3A_294 : memref<1x8x3xf32, #tpu.memory_space<vmem>> -> memref<8x3xf32, #tpu.memory_space<vmem>>
    %dma_start3A_296 = arith.constant 0 : i32
    %dma_start3A_297 = tpu.memref_slice %arg2[%multiple_of3A_290, %dma_start3A_296] : memref<100000x3xf32, #tpu.memory_space<hbm>> -> memref<8x3xf32, #tpu.memory_space<hbm>>
    %dma_start3A_298 = arith.constant 0 : i32
    %dma_start3A_299 = arith.constant 0 : i32
    %dma_start3A_300 = tpu.memref_slice %arg6[%dma_start3A_291, %dma_start3A_298, %dma_start3A_299] : memref<32x8x3xf32, #tpu.memory_space<vmem>> -> memref<1x8x3xf32, #tpu.memory_space<vmem>>
    %dma_start3A_301 = tpu.memref_squeeze %dma_start3A_300 : memref<1x8x3xf32, #tpu.memory_space<vmem>> -> memref<8x3xf32, #tpu.memory_space<vmem>>
    %dma_start3A_302 = arith.constant 0 : i32
    %dma_start3A_303 = tpu.memref_slice %arg2[%multiple_of3A_290, %dma_start3A_302] : memref<100000x3xf32, #tpu.memory_space<hbm>> -> memref<8x3xf32, #tpu.memory_space<hbm>>
    tpu.enqueue_dma source(%dma_start3A_303 : memref<8x3xf32, #tpu.memory_space<hbm>>) target(%dma_start3A_301 : memref<8x3xf32, #tpu.memory_space<vmem>>) target_semaphore(%arg8 : memref<!tpu.dma_semaphore, #tpu.memory_space<semaphore_mem>>)
    %eq3A_304 = arith.constant 10 : i32
    %eq3A_305 = vector.broadcast %eq3A_304 : i32 to vector<16xi32>
    %eq3A_306 = arith.cmpi eq, %iota3A, %eq3A_305 : vector<16xi32>
    %jit3A_307 = arith.constant 0 : i32
    %broadcast_in_dim3A_308 = vector.broadcast %jit3A_307 : i32 to vector<16xi32>
    %select_n3A_309 = arith.select %eq3A_306, %gather3A, %broadcast_in_dim3A_308 : vector<16xi1>, vector<16xi32>
    %reduce_max3A_310 = arith.constant true
    %reduce_max3A_311 = vector.broadcast %reduce_max3A_310 : i1 to vector<16xi1>
    %reduce_max3A_312 = arith.constant -2147483648 : i32
    %reduce_max3A_313 = vector.broadcast %reduce_max3A_312 : i32 to vector<16xi32>
    %reduce_max3A_314 = arith.xori %select_n3A_309, %reduce_max3A_313 : vector<16xi32>
    %reduce_max3A_315 = tpu.scan <max>, %reduce_max3A_314 masked %reduce_max3A_311 : vector<16xi32>, vector<16xi1> -> vector<16xi32>
    %reduce_max3A_316 = arith.xori %reduce_max3A_315, %reduce_max3A_313 : vector<16xi32>
    %reduce_max3A_317 = vector.extract %reduce_max3A_316[15] : i32 from vector<16xi32>
    %and3A_318 = arith.constant -8 : i32
    %and3A_319 = arith.andi %reduce_max3A_317, %and3A_318 : i32
    %multiple_of3A_320 = tpu.assume_multiple %and3A_319, 8 : i32
    %dma_start3A_321 = arith.constant 10 : i32
    %dma_start3A_322 = arith.constant 0 : i32
    %dma_start3A_323 = arith.constant 0 : i32
    %dma_start3A_324 = tpu.memref_slice %arg6[%dma_start3A_321, %dma_start3A_322, %dma_start3A_323] : memref<32x8x3xf32, #tpu.memory_space<vmem>> -> memref<1x8x3xf32, #tpu.memory_space<vmem>>
    %dma_start3A_325 = tpu.memref_squeeze %dma_start3A_324 : memref<1x8x3xf32, #tpu.memory_space<vmem>> -> memref<8x3xf32, #tpu.memory_space<vmem>>
    %dma_start3A_326 = arith.constant 0 : i32
    %dma_start3A_327 = tpu.memref_slice %arg2[%multiple_of3A_320, %dma_start3A_326] : memref<100000x3xf32, #tpu.memory_space<hbm>> -> memref<8x3xf32, #tpu.memory_space<hbm>>
    %dma_start3A_328 = arith.constant 0 : i32
    %dma_start3A_329 = arith.constant 0 : i32
    %dma_start3A_330 = tpu.memref_slice %arg6[%dma_start3A_321, %dma_start3A_328, %dma_start3A_329] : memref<32x8x3xf32, #tpu.memory_space<vmem>> -> memref<1x8x3xf32, #tpu.memory_space<vmem>>
    %dma_start3A_331 = tpu.memref_squeeze %dma_start3A_330 : memref<1x8x3xf32, #tpu.memory_space<vmem>> -> memref<8x3xf32, #tpu.memory_space<vmem>>
    %dma_start3A_332 = arith.constant 0 : i32
    %dma_start3A_333 = tpu.memref_slice %arg2[%multiple_of3A_320, %dma_start3A_332] : memref<100000x3xf32, #tpu.memory_space<hbm>> -> memref<8x3xf32, #tpu.memory_space<hbm>>
    tpu.enqueue_dma source(%dma_start3A_333 : memref<8x3xf32, #tpu.memory_space<hbm>>) target(%dma_start3A_331 : memref<8x3xf32, #tpu.memory_space<vmem>>) target_semaphore(%arg8 : memref<!tpu.dma_semaphore, #tpu.memory_space<semaphore_mem>>)
    %eq3A_334 = arith.constant 11 : i32
    %eq3A_335 = vector.broadcast %eq3A_334 : i32 to vector<16xi32>
    %eq3A_336 = arith.cmpi eq, %iota3A, %eq3A_335 : vector<16xi32>
    %jit3A_337 = arith.constant 0 : i32
    %broadcast_in_dim3A_338 = vector.broadcast %jit3A_337 : i32 to vector<16xi32>
    %select_n3A_339 = arith.select %eq3A_336, %gather3A, %broadcast_in_dim3A_338 : vector<16xi1>, vector<16xi32>
    %reduce_max3A_340 = arith.constant true
    %reduce_max3A_341 = vector.broadcast %reduce_max3A_340 : i1 to vector<16xi1>
    %reduce_max3A_342 = arith.constant -2147483648 : i32
    %reduce_max3A_343 = vector.broadcast %reduce_max3A_342 : i32 to vector<16xi32>
    %reduce_max3A_344 = arith.xori %select_n3A_339, %reduce_max3A_343 : vector<16xi32>
    %reduce_max3A_345 = tpu.scan <max>, %reduce_max3A_344 masked %reduce_max3A_341 : vector<16xi32>, vector<16xi1> -> vector<16xi32>
    %reduce_max3A_346 = arith.xori %reduce_max3A_345, %reduce_max3A_343 : vector<16xi32>
    %reduce_max3A_347 = vector.extract %reduce_max3A_346[15] : i32 from vector<16xi32>
    %and3A_348 = arith.constant -8 : i32
    %and3A_349 = arith.andi %reduce_max3A_347, %and3A_348 : i32
    %multiple_of3A_350 = tpu.assume_multiple %and3A_349, 8 : i32
    %dma_start3A_351 = arith.constant 11 : i32
    %dma_start3A_352 = arith.constant 0 : i32
    %dma_start3A_353 = arith.constant 0 : i32
    %dma_start3A_354 = tpu.memref_slice %arg6[%dma_start3A_351, %dma_start3A_352, %dma_start3A_353] : memref<32x8x3xf32, #tpu.memory_space<vmem>> -> memref<1x8x3xf32, #tpu.memory_space<vmem>>
    %dma_start3A_355 = tpu.memref_squeeze %dma_start3A_354 : memref<1x8x3xf32, #tpu.memory_space<vmem>> -> memref<8x3xf32, #tpu.memory_space<vmem>>
    %dma_start3A_356 = arith.constant 0 : i32
    %dma_start3A_357 = tpu.memref_slice %arg2[%multiple_of3A_350, %dma_start3A_356] : memref<100000x3xf32, #tpu.memory_space<hbm>> -> memref<8x3xf32, #tpu.memory_space<hbm>>
    %dma_start3A_358 = arith.constant 0 : i32
    %dma_start3A_359 = arith.constant 0 : i32
    %dma_start3A_360 = tpu.memref_slice %arg6[%dma_start3A_351, %dma_start3A_358, %dma_start3A_359] : memref<32x8x3xf32, #tpu.memory_space<vmem>> -> memref<1x8x3xf32, #tpu.memory_space<vmem>>
    %dma_start3A_361 = tpu.memref_squeeze %dma_start3A_360 : memref<1x8x3xf32, #tpu.memory_space<vmem>> -> memref<8x3xf32, #tpu.memory_space<vmem>>
    %dma_start3A_362 = arith.constant 0 : i32
    %dma_start3A_363 = tpu.memref_slice %arg2[%multiple_of3A_350, %dma_start3A_362] : memref<100000x3xf32, #tpu.memory_space<hbm>> -> memref<8x3xf32, #tpu.memory_space<hbm>>
    tpu.enqueue_dma source(%dma_start3A_363 : memref<8x3xf32, #tpu.memory_space<hbm>>) target(%dma_start3A_361 : memref<8x3xf32, #tpu.memory_space<vmem>>) target_semaphore(%arg8 : memref<!tpu.dma_semaphore, #tpu.memory_space<semaphore_mem>>)
    %eq3A_364 = arith.constant 12 : i32
    %eq3A_365 = vector.broadcast %eq3A_364 : i32 to vector<16xi32>
    %eq3A_366 = arith.cmpi eq, %iota3A, %eq3A_365 : vector<16xi32>
    %jit3A_367 = arith.constant 0 : i32
    %broadcast_in_dim3A_368 = vector.broadcast %jit3A_367 : i32 to vector<16xi32>
    %select_n3A_369 = arith.select %eq3A_366, %gather3A, %broadcast_in_dim3A_368 : vector<16xi1>, vector<16xi32>
    %reduce_max3A_370 = arith.constant true
    %reduce_max3A_371 = vector.broadcast %reduce_max3A_370 : i1 to vector<16xi1>
    %reduce_max3A_372 = arith.constant -2147483648 : i32
    %reduce_max3A_373 = vector.broadcast %reduce_max3A_372 : i32 to vector<16xi32>
    %reduce_max3A_374 = arith.xori %select_n3A_369, %reduce_max3A_373 : vector<16xi32>
    %reduce_max3A_375 = tpu.scan <max>, %reduce_max3A_374 masked %reduce_max3A_371 : vector<16xi32>, vector<16xi1> -> vector<16xi32>
    %reduce_max3A_376 = arith.xori %reduce_max3A_375, %reduce_max3A_373 : vector<16xi32>
    %reduce_max3A_377 = vector.extract %reduce_max3A_376[15] : i32 from vector<16xi32>
    %and3A_378 = arith.constant -8 : i32
    %and3A_379 = arith.andi %reduce_max3A_377, %and3A_378 : i32
    %multiple_of3A_380 = tpu.assume_multiple %and3A_379, 8 : i32
    %dma_start3A_381 = arith.constant 12 : i32
    %dma_start3A_382 = arith.constant 0 : i32
    %dma_start3A_383 = arith.constant 0 : i32
    %dma_start3A_384 = tpu.memref_slice %arg6[%dma_start3A_381, %dma_start3A_382, %dma_start3A_383] : memref<32x8x3xf32, #tpu.memory_space<vmem>> -> memref<1x8x3xf32, #tpu.memory_space<vmem>>
    %dma_start3A_385 = tpu.memref_squeeze %dma_start3A_384 : memref<1x8x3xf32, #tpu.memory_space<vmem>> -> memref<8x3xf32, #tpu.memory_space<vmem>>
    %dma_start3A_386 = arith.constant 0 : i32
    %dma_start3A_387 = tpu.memref_slice %arg2[%multiple_of3A_380, %dma_start3A_386] : memref<100000x3xf32, #tpu.memory_space<hbm>> -> memref<8x3xf32, #tpu.memory_space<hbm>>
    %dma_start3A_388 = arith.constant 0 : i32
    %dma_start3A_389 = arith.constant 0 : i32
    %dma_start3A_390 = tpu.memref_slice %arg6[%dma_start3A_381, %dma_start3A_388, %dma_start3A_389] : memref<32x8x3xf32, #tpu.memory_space<vmem>> -> memref<1x8x3xf32, #tpu.memory_space<vmem>>
    %dma_start3A_391 = tpu.memref_squeeze %dma_start3A_390 : memref<1x8x3xf32, #tpu.memory_space<vmem>> -> memref<8x3xf32, #tpu.memory_space<vmem>>
    %dma_start3A_392 = arith.constant 0 : i32
    %dma_start3A_393 = tpu.memref_slice %arg2[%multiple_of3A_380, %dma_start3A_392] : memref<100000x3xf32, #tpu.memory_space<hbm>> -> memref<8x3xf32, #tpu.memory_space<hbm>>
    tpu.enqueue_dma source(%dma_start3A_393 : memref<8x3xf32, #tpu.memory_space<hbm>>) target(%dma_start3A_391 : memref<8x3xf32, #tpu.memory_space<vmem>>) target_semaphore(%arg8 : memref<!tpu.dma_semaphore, #tpu.memory_space<semaphore_mem>>)
    %eq3A_394 = arith.constant 13 : i32
    %eq3A_395 = vector.broadcast %eq3A_394 : i32 to vector<16xi32>
    %eq3A_396 = arith.cmpi eq, %iota3A, %eq3A_395 : vector<16xi32>
    %jit3A_397 = arith.constant 0 : i32
    %broadcast_in_dim3A_398 = vector.broadcast %jit3A_397 : i32 to vector<16xi32>
    %select_n3A_399 = arith.select %eq3A_396, %gather3A, %broadcast_in_dim3A_398 : vector<16xi1>, vector<16xi32>
    %reduce_max3A_400 = arith.constant true
    %reduce_max3A_401 = vector.broadcast %reduce_max3A_400 : i1 to vector<16xi1>
    %reduce_max3A_402 = arith.constant -2147483648 : i32
    %reduce_max3A_403 = vector.broadcast %reduce_max3A_402 : i32 to vector<16xi32>
    %reduce_max3A_404 = arith.xori %select_n3A_399, %reduce_max3A_403 : vector<16xi32>
    %reduce_max3A_405 = tpu.scan <max>, %reduce_max3A_404 masked %reduce_max3A_401 : vector<16xi32>, vector<16xi1> -> vector<16xi32>
    %reduce_max3A_406 = arith.xori %reduce_max3A_405, %reduce_max3A_403 : vector<16xi32>
    %reduce_max3A_407 = vector.extract %reduce_max3A_406[15] : i32 from vector<16xi32>
    %and3A_408 = arith.constant -8 : i32
    %and3A_409 = arith.andi %reduce_max3A_407, %and3A_408 : i32
    %multiple_of3A_410 = tpu.assume_multiple %and3A_409, 8 : i32
    %dma_start3A_411 = arith.constant 13 : i32
    %dma_start3A_412 = arith.constant 0 : i32
    %dma_start3A_413 = arith.constant 0 : i32
    %dma_start3A_414 = tpu.memref_slice %arg6[%dma_start3A_411, %dma_start3A_412, %dma_start3A_413] : memref<32x8x3xf32, #tpu.memory_space<vmem>> -> memref<1x8x3xf32, #tpu.memory_space<vmem>>
    %dma_start3A_415 = tpu.memref_squeeze %dma_start3A_414 : memref<1x8x3xf32, #tpu.memory_space<vmem>> -> memref<8x3xf32, #tpu.memory_space<vmem>>
    %dma_start3A_416 = arith.constant 0 : i32
    %dma_start3A_417 = tpu.memref_slice %arg2[%multiple_of3A_410, %dma_start3A_416] : memref<100000x3xf32, #tpu.memory_space<hbm>> -> memref<8x3xf32, #tpu.memory_space<hbm>>
    %dma_start3A_418 = arith.constant 0 : i32
    %dma_start3A_419 = arith.constant 0 : i32
    %dma_start3A_420 = tpu.memref_slice %arg6[%dma_start3A_411, %dma_start3A_418, %dma_start3A_419] : memref<32x8x3xf32, #tpu.memory_space<vmem>> -> memref<1x8x3xf32, #tpu.memory_space<vmem>>
    %dma_start3A_421 = tpu.memref_squeeze %dma_start3A_420 : memref<1x8x3xf32, #tpu.memory_space<vmem>> -> memref<8x3xf32, #tpu.memory_space<vmem>>
    %dma_start3A_422 = arith.constant 0 : i32
    %dma_start3A_423 = tpu.memref_slice %arg2[%multiple_of3A_410, %dma_start3A_422] : memref<100000x3xf32, #tpu.memory_space<hbm>> -> memref<8x3xf32, #tpu.memory_space<hbm>>
    tpu.enqueue_dma source(%dma_start3A_423 : memref<8x3xf32, #tpu.memory_space<hbm>>) target(%dma_start3A_421 : memref<8x3xf32, #tpu.memory_space<vmem>>) target_semaphore(%arg8 : memref<!tpu.dma_semaphore, #tpu.memory_space<semaphore_mem>>)
    %eq3A_424 = arith.constant 14 : i32
    %eq3A_425 = vector.broadcast %eq3A_424 : i32 to vector<16xi32>
    %eq3A_426 = arith.cmpi eq, %iota3A, %eq3A_425 : vector<16xi32>
    %jit3A_427 = arith.constant 0 : i32
    %broadcast_in_dim3A_428 = vector.broadcast %jit3A_427 : i32 to vector<16xi32>
    %select_n3A_429 = arith.select %eq3A_426, %gather3A, %broadcast_in_dim3A_428 : vector<16xi1>, vector<16xi32>
    %reduce_max3A_430 = arith.constant true
    %reduce_max3A_431 = vector.broadcast %reduce_max3A_430 : i1 to vector<16xi1>
    %reduce_max3A_432 = arith.constant -2147483648 : i32
    %reduce_max3A_433 = vector.broadcast %reduce_max3A_432 : i32 to vector<16xi32>
    %reduce_max3A_434 = arith.xori %select_n3A_429, %reduce_max3A_433 : vector<16xi32>
    %reduce_max3A_435 = tpu.scan <max>, %reduce_max3A_434 masked %reduce_max3A_431 : vector<16xi32>, vector<16xi1> -> vector<16xi32>
    %reduce_max3A_436 = arith.xori %reduce_max3A_435, %reduce_max3A_433 : vector<16xi32>
    %reduce_max3A_437 = vector.extract %reduce_max3A_436[15] : i32 from vector<16xi32>
    %and3A_438 = arith.constant -8 : i32
    %and3A_439 = arith.andi %reduce_max3A_437, %and3A_438 : i32
    %multiple_of3A_440 = tpu.assume_multiple %and3A_439, 8 : i32
    %dma_start3A_441 = arith.constant 14 : i32
    %dma_start3A_442 = arith.constant 0 : i32
    %dma_start3A_443 = arith.constant 0 : i32
    %dma_start3A_444 = tpu.memref_slice %arg6[%dma_start3A_441, %dma_start3A_442, %dma_start3A_443] : memref<32x8x3xf32, #tpu.memory_space<vmem>> -> memref<1x8x3xf32, #tpu.memory_space<vmem>>
    %dma_start3A_445 = tpu.memref_squeeze %dma_start3A_444 : memref<1x8x3xf32, #tpu.memory_space<vmem>> -> memref<8x3xf32, #tpu.memory_space<vmem>>
    %dma_start3A_446 = arith.constant 0 : i32
    %dma_start3A_447 = tpu.memref_slice %arg2[%multiple_of3A_440, %dma_start3A_446] : memref<100000x3xf32, #tpu.memory_space<hbm>> -> memref<8x3xf32, #tpu.memory_space<hbm>>
    %dma_start3A_448 = arith.constant 0 : i32
    %dma_start3A_449 = arith.constant 0 : i32
    %dma_start3A_450 = tpu.memref_slice %arg6[%dma_start3A_441, %dma_start3A_448, %dma_start3A_449] : memref<32x8x3xf32, #tpu.memory_space<vmem>> -> memref<1x8x3xf32, #tpu.memory_space<vmem>>
    %dma_start3A_451 = tpu.memref_squeeze %dma_start3A_450 : memref<1x8x3xf32, #tpu.memory_space<vmem>> -> memref<8x3xf32, #tpu.memory_space<vmem>>
    %dma_start3A_452 = arith.constant 0 : i32
    %dma_start3A_453 = tpu.memref_slice %arg2[%multiple_of3A_440, %dma_start3A_452] : memref<100000x3xf32, #tpu.memory_space<hbm>> -> memref<8x3xf32, #tpu.memory_space<hbm>>
    tpu.enqueue_dma source(%dma_start3A_453 : memref<8x3xf32, #tpu.memory_space<hbm>>) target(%dma_start3A_451 : memref<8x3xf32, #tpu.memory_space<vmem>>) target_semaphore(%arg8 : memref<!tpu.dma_semaphore, #tpu.memory_space<semaphore_mem>>)
    %eq3A_454 = arith.constant 15 : i32
    %eq3A_455 = vector.broadcast %eq3A_454 : i32 to vector<16xi32>
    %eq3A_456 = arith.cmpi eq, %iota3A, %eq3A_455 : vector<16xi32>
    %jit3A_457 = arith.constant 0 : i32
    %broadcast_in_dim3A_458 = vector.broadcast %jit3A_457 : i32 to vector<16xi32>
    %select_n3A_459 = arith.select %eq3A_456, %gather3A, %broadcast_in_dim3A_458 : vector<16xi1>, vector<16xi32>
    %reduce_max3A_460 = arith.constant true
    %reduce_max3A_461 = vector.broadcast %reduce_max3A_460 : i1 to vector<16xi1>
    %reduce_max3A_462 = arith.constant -2147483648 : i32
    %reduce_max3A_463 = vector.broadcast %reduce_max3A_462 : i32 to vector<16xi32>
    %reduce_max3A_464 = arith.xori %select_n3A_459, %reduce_max3A_463 : vector<16xi32>
    %reduce_max3A_465 = tpu.scan <max>, %reduce_max3A_464 masked %reduce_max3A_461 : vector<16xi32>, vector<16xi1> -> vector<16xi32>
    %reduce_max3A_466 = arith.xori %reduce_max3A_465, %reduce_max3A_463 : vector<16xi32>
    %reduce_max3A_467 = vector.extract %reduce_max3A_466[15] : i32 from vector<16xi32>
    %and3A_468 = arith.constant -8 : i32
    %and3A_469 = arith.andi %reduce_max3A_467, %and3A_468 : i32
    %multiple_of3A_470 = tpu.assume_multiple %and3A_469, 8 : i32
    %dma_start3A_471 = arith.constant 15 : i32
    %dma_start3A_472 = arith.constant 0 : i32
    %dma_start3A_473 = arith.constant 0 : i32
    %dma_start3A_474 = tpu.memref_slice %arg6[%dma_start3A_471, %dma_start3A_472, %dma_start3A_473] : memref<32x8x3xf32, #tpu.memory_space<vmem>> -> memref<1x8x3xf32, #tpu.memory_space<vmem>>
    %dma_start3A_475 = tpu.memref_squeeze %dma_start3A_474 : memref<1x8x3xf32, #tpu.memory_space<vmem>> -> memref<8x3xf32, #tpu.memory_space<vmem>>
    %dma_start3A_476 = arith.constant 0 : i32
    %dma_start3A_477 = tpu.memref_slice %arg2[%multiple_of3A_470, %dma_start3A_476] : memref<100000x3xf32, #tpu.memory_space<hbm>> -> memref<8x3xf32, #tpu.memory_space<hbm>>
    %dma_start3A_478 = arith.constant 0 : i32
    %dma_start3A_479 = arith.constant 0 : i32
    %dma_start3A_480 = tpu.memref_slice %arg6[%dma_start3A_471, %dma_start3A_478, %dma_start3A_479] : memref<32x8x3xf32, #tpu.memory_space<vmem>> -> memref<1x8x3xf32, #tpu.memory_space<vmem>>
    %dma_start3A_481 = tpu.memref_squeeze %dma_start3A_480 : memref<1x8x3xf32, #tpu.memory_space<vmem>> -> memref<8x3xf32, #tpu.memory_space<vmem>>
    %dma_start3A_482 = arith.constant 0 : i32
    %dma_start3A_483 = tpu.memref_slice %arg2[%multiple_of3A_470, %dma_start3A_482] : memref<100000x3xf32, #tpu.memory_space<hbm>> -> memref<8x3xf32, #tpu.memory_space<hbm>>
    tpu.enqueue_dma source(%dma_start3A_483 : memref<8x3xf32, #tpu.memory_space<hbm>>) target(%dma_start3A_481 : memref<8x3xf32, #tpu.memory_space<vmem>>) target_semaphore(%arg8 : memref<!tpu.dma_semaphore, #tpu.memory_space<semaphore_mem>>)
    %eq3A_484 = arith.constant 0 : i32
    %eq3A_485 = vector.broadcast %eq3A_484 : i32 to vector<16xi32>
    %eq3A_486 = arith.cmpi eq, %iota3A, %eq3A_485 : vector<16xi32>
    %jit3A_487 = arith.constant 0 : i32
    %broadcast_in_dim3A_488 = vector.broadcast %jit3A_487 : i32 to vector<16xi32>
    %select_n3A_489 = arith.select %eq3A_486, %gather3A_10, %broadcast_in_dim3A_488 : vector<16xi1>, vector<16xi32>
    %reduce_max3A_490 = arith.constant true
    %reduce_max3A_491 = vector.broadcast %reduce_max3A_490 : i1 to vector<16xi1>
    %reduce_max3A_492 = arith.constant -2147483648 : i32
    %reduce_max3A_493 = vector.broadcast %reduce_max3A_492 : i32 to vector<16xi32>
    %reduce_max3A_494 = arith.xori %select_n3A_489, %reduce_max3A_493 : vector<16xi32>
    %reduce_max3A_495 = tpu.scan <max>, %reduce_max3A_494 masked %reduce_max3A_491 : vector<16xi32>, vector<16xi1> -> vector<16xi32>
    %reduce_max3A_496 = arith.xori %reduce_max3A_495, %reduce_max3A_493 : vector<16xi32>
    %reduce_max3A_497 = vector.extract %reduce_max3A_496[15] : i32 from vector<16xi32>
    %and3A_498 = arith.constant -8 : i32
    %and3A_499 = arith.andi %reduce_max3A_497, %and3A_498 : i32
    %multiple_of3A_500 = tpu.assume_multiple %and3A_499, 8 : i32
    %dma_start3A_501 = arith.constant 16 : i32
    %dma_start3A_502 = arith.constant 0 : i32
    %dma_start3A_503 = arith.constant 0 : i32
    %dma_start3A_504 = tpu.memref_slice %arg6[%dma_start3A_501, %dma_start3A_502, %dma_start3A_503] : memref<32x8x3xf32, #tpu.memory_space<vmem>> -> memref<1x8x3xf32, #tpu.memory_space<vmem>>
    %dma_start3A_505 = tpu.memref_squeeze %dma_start3A_504 : memref<1x8x3xf32, #tpu.memory_space<vmem>> -> memref<8x3xf32, #tpu.memory_space<vmem>>
    %dma_start3A_506 = arith.constant 0 : i32
    %dma_start3A_507 = tpu.memref_slice %arg2[%multiple_of3A_500, %dma_start3A_506] : memref<100000x3xf32, #tpu.memory_space<hbm>> -> memref<8x3xf32, #tpu.memory_space<hbm>>
    %dma_start3A_508 = arith.constant 0 : i32
    %dma_start3A_509 = arith.constant 0 : i32
    %dma_start3A_510 = tpu.memref_slice %arg6[%dma_start3A_501, %dma_start3A_508, %dma_start3A_509] : memref<32x8x3xf32, #tpu.memory_space<vmem>> -> memref<1x8x3xf32, #tpu.memory_space<vmem>>
    %dma_start3A_511 = tpu.memref_squeeze %dma_start3A_510 : memref<1x8x3xf32, #tpu.memory_space<vmem>> -> memref<8x3xf32, #tpu.memory_space<vmem>>
    %dma_start3A_512 = arith.constant 0 : i32
    %dma_start3A_513 = tpu.memref_slice %arg2[%multiple_of3A_500, %dma_start3A_512] : memref<100000x3xf32, #tpu.memory_space<hbm>> -> memref<8x3xf32, #tpu.memory_space<hbm>>
    tpu.enqueue_dma source(%dma_start3A_513 : memref<8x3xf32, #tpu.memory_space<hbm>>) target(%dma_start3A_511 : memref<8x3xf32, #tpu.memory_space<vmem>>) target_semaphore(%arg8 : memref<!tpu.dma_semaphore, #tpu.memory_space<semaphore_mem>>)
    %eq3A_514 = arith.constant 1 : i32
    %eq3A_515 = vector.broadcast %eq3A_514 : i32 to vector<16xi32>
    %eq3A_516 = arith.cmpi eq, %iota3A, %eq3A_515 : vector<16xi32>
    %jit3A_517 = arith.constant 0 : i32
    %broadcast_in_dim3A_518 = vector.broadcast %jit3A_517 : i32 to vector<16xi32>
    %select_n3A_519 = arith.select %eq3A_516, %gather3A_10, %broadcast_in_dim3A_518 : vector<16xi1>, vector<16xi32>
    %reduce_max3A_520 = arith.constant true
    %reduce_max3A_521 = vector.broadcast %reduce_max3A_520 : i1 to vector<16xi1>
    %reduce_max3A_522 = arith.constant -2147483648 : i32
    %reduce_max3A_523 = vector.broadcast %reduce_max3A_522 : i32 to vector<16xi32>
    %reduce_max3A_524 = arith.xori %select_n3A_519, %reduce_max3A_523 : vector<16xi32>
    %reduce_max3A_525 = tpu.scan <max>, %reduce_max3A_524 masked %reduce_max3A_521 : vector<16xi32>, vector<16xi1> -> vector<16xi32>
    %reduce_max3A_526 = arith.xori %reduce_max3A_525, %reduce_max3A_523 : vector<16xi32>
    %reduce_max3A_527 = vector.extract %reduce_max3A_526[15] : i32 from vector<16xi32>
    %and3A_528 = arith.constant -8 : i32
    %and3A_529 = arith.andi %reduce_max3A_527, %and3A_528 : i32
    %multiple_of3A_530 = tpu.assume_multiple %and3A_529, 8 : i32
    %dma_start3A_531 = arith.constant 17 : i32
    %dma_start3A_532 = arith.constant 0 : i32
    %dma_start3A_533 = arith.constant 0 : i32
    %dma_start3A_534 = tpu.memref_slice %arg6[%dma_start3A_531, %dma_start3A_532, %dma_start3A_533] : memref<32x8x3xf32, #tpu.memory_space<vmem>> -> memref<1x8x3xf32, #tpu.memory_space<vmem>>
    %dma_start3A_535 = tpu.memref_squeeze %dma_start3A_534 : memref<1x8x3xf32, #tpu.memory_space<vmem>> -> memref<8x3xf32, #tpu.memory_space<vmem>>
    %dma_start3A_536 = arith.constant 0 : i32
    %dma_start3A_537 = tpu.memref_slice %arg2[%multiple_of3A_530, %dma_start3A_536] : memref<100000x3xf32, #tpu.memory_space<hbm>> -> memref<8x3xf32, #tpu.memory_space<hbm>>
    %dma_start3A_538 = arith.constant 0 : i32
    %dma_start3A_539 = arith.constant 0 : i32
    %dma_start3A_540 = tpu.memref_slice %arg6[%dma_start3A_531, %dma_start3A_538, %dma_start3A_539] : memref<32x8x3xf32, #tpu.memory_space<vmem>> -> memref<1x8x3xf32, #tpu.memory_space<vmem>>
    %dma_start3A_541 = tpu.memref_squeeze %dma_start3A_540 : memref<1x8x3xf32, #tpu.memory_space<vmem>> -> memref<8x3xf32, #tpu.memory_space<vmem>>
    %dma_start3A_542 = arith.constant 0 : i32
    %dma_start3A_543 = tpu.memref_slice %arg2[%multiple_of3A_530, %dma_start3A_542] : memref<100000x3xf32, #tpu.memory_space<hbm>> -> memref<8x3xf32, #tpu.memory_space<hbm>>
    tpu.enqueue_dma source(%dma_start3A_543 : memref<8x3xf32, #tpu.memory_space<hbm>>) target(%dma_start3A_541 : memref<8x3xf32, #tpu.memory_space<vmem>>) target_semaphore(%arg8 : memref<!tpu.dma_semaphore, #tpu.memory_space<semaphore_mem>>)
    %eq3A_544 = arith.constant 2 : i32
    %eq3A_545 = vector.broadcast %eq3A_544 : i32 to vector<16xi32>
    %eq3A_546 = arith.cmpi eq, %iota3A, %eq3A_545 : vector<16xi32>
    %jit3A_547 = arith.constant 0 : i32
    %broadcast_in_dim3A_548 = vector.broadcast %jit3A_547 : i32 to vector<16xi32>
    %select_n3A_549 = arith.select %eq3A_546, %gather3A_10, %broadcast_in_dim3A_548 : vector<16xi1>, vector<16xi32>
    %reduce_max3A_550 = arith.constant true
    %reduce_max3A_551 = vector.broadcast %reduce_max3A_550 : i1 to vector<16xi1>
    %reduce_max3A_552 = arith.constant -2147483648 : i32
    %reduce_max3A_553 = vector.broadcast %reduce_max3A_552 : i32 to vector<16xi32>
    %reduce_max3A_554 = arith.xori %select_n3A_549, %reduce_max3A_553 : vector<16xi32>
    %reduce_max3A_555 = tpu.scan <max>, %reduce_max3A_554 masked %reduce_max3A_551 : vector<16xi32>, vector<16xi1> -> vector<16xi32>
    %reduce_max3A_556 = arith.xori %reduce_max3A_555, %reduce_max3A_553 : vector<16xi32>
    %reduce_max3A_557 = vector.extract %reduce_max3A_556[15] : i32 from vector<16xi32>
    %and3A_558 = arith.constant -8 : i32
    %and3A_559 = arith.andi %reduce_max3A_557, %and3A_558 : i32
    %multiple_of3A_560 = tpu.assume_multiple %and3A_559, 8 : i32
    %dma_start3A_561 = arith.constant 18 : i32
    %dma_start3A_562 = arith.constant 0 : i32
    %dma_start3A_563 = arith.constant 0 : i32
    %dma_start3A_564 = tpu.memref_slice %arg6[%dma_start3A_561, %dma_start3A_562, %dma_start3A_563] : memref<32x8x3xf32, #tpu.memory_space<vmem>> -> memref<1x8x3xf32, #tpu.memory_space<vmem>>
    %dma_start3A_565 = tpu.memref_squeeze %dma_start3A_564 : memref<1x8x3xf32, #tpu.memory_space<vmem>> -> memref<8x3xf32, #tpu.memory_space<vmem>>
    %dma_start3A_566 = arith.constant 0 : i32
    %dma_start3A_567 = tpu.memref_slice %arg2[%multiple_of3A_560, %dma_start3A_566] : memref<100000x3xf32, #tpu.memory_space<hbm>> -> memref<8x3xf32, #tpu.memory_space<hbm>>
    %dma_start3A_568 = arith.constant 0 : i32
    %dma_start3A_569 = arith.constant 0 : i32
    %dma_start3A_570 = tpu.memref_slice %arg6[%dma_start3A_561, %dma_start3A_568, %dma_start3A_569] : memref<32x8x3xf32, #tpu.memory_space<vmem>> -> memref<1x8x3xf32, #tpu.memory_space<vmem>>
    %dma_start3A_571 = tpu.memref_squeeze %dma_start3A_570 : memref<1x8x3xf32, #tpu.memory_space<vmem>> -> memref<8x3xf32, #tpu.memory_space<vmem>>
    %dma_start3A_572 = arith.constant 0 : i32
    %dma_start3A_573 = tpu.memref_slice %arg2[%multiple_of3A_560, %dma_start3A_572] : memref<100000x3xf32, #tpu.memory_space<hbm>> -> memref<8x3xf32, #tpu.memory_space<hbm>>
    tpu.enqueue_dma source(%dma_start3A_573 : memref<8x3xf32, #tpu.memory_space<hbm>>) target(%dma_start3A_571 : memref<8x3xf32, #tpu.memory_space<vmem>>) target_semaphore(%arg8 : memref<!tpu.dma_semaphore, #tpu.memory_space<semaphore_mem>>)
    %eq3A_574 = arith.constant 3 : i32
    %eq3A_575 = vector.broadcast %eq3A_574 : i32 to vector<16xi32>
    %eq3A_576 = arith.cmpi eq, %iota3A, %eq3A_575 : vector<16xi32>
    %jit3A_577 = arith.constant 0 : i32
    %broadcast_in_dim3A_578 = vector.broadcast %jit3A_577 : i32 to vector<16xi32>
    %select_n3A_579 = arith.select %eq3A_576, %gather3A_10, %broadcast_in_dim3A_578 : vector<16xi1>, vector<16xi32>
    %reduce_max3A_580 = arith.constant true
    %reduce_max3A_581 = vector.broadcast %reduce_max3A_580 : i1 to vector<16xi1>
    %reduce_max3A_582 = arith.constant -2147483648 : i32
    %reduce_max3A_583 = vector.broadcast %reduce_max3A_582 : i32 to vector<16xi32>
    %reduce_max3A_584 = arith.xori %select_n3A_579, %reduce_max3A_583 : vector<16xi32>
    %reduce_max3A_585 = tpu.scan <max>, %reduce_max3A_584 masked %reduce_max3A_581 : vector<16xi32>, vector<16xi1> -> vector<16xi32>
    %reduce_max3A_586 = arith.xori %reduce_max3A_585, %reduce_max3A_583 : vector<16xi32>
    %reduce_max3A_587 = vector.extract %reduce_max3A_586[15] : i32 from vector<16xi32>
    %and3A_588 = arith.constant -8 : i32
    %and3A_589 = arith.andi %reduce_max3A_587, %and3A_588 : i32
    %multiple_of3A_590 = tpu.assume_multiple %and3A_589, 8 : i32
    %dma_start3A_591 = arith.constant 19 : i32
    %dma_start3A_592 = arith.constant 0 : i32
    %dma_start3A_593 = arith.constant 0 : i32
    %dma_start3A_594 = tpu.memref_slice %arg6[%dma_start3A_591, %dma_start3A_592, %dma_start3A_593] : memref<32x8x3xf32, #tpu.memory_space<vmem>> -> memref<1x8x3xf32, #tpu.memory_space<vmem>>
    %dma_start3A_595 = tpu.memref_squeeze %dma_start3A_594 : memref<1x8x3xf32, #tpu.memory_space<vmem>> -> memref<8x3xf32, #tpu.memory_space<vmem>>
    %dma_start3A_596 = arith.constant 0 : i32
    %dma_start3A_597 = tpu.memref_slice %arg2[%multiple_of3A_590, %dma_start3A_596] : memref<100000x3xf32, #tpu.memory_space<hbm>> -> memref<8x3xf32, #tpu.memory_space<hbm>>
    %dma_start3A_598 = arith.constant 0 : i32
    %dma_start3A_599 = arith.constant 0 : i32
    %dma_start3A_600 = tpu.memref_slice %arg6[%dma_start3A_591, %dma_start3A_598, %dma_start3A_599] : memref<32x8x3xf32, #tpu.memory_space<vmem>> -> memref<1x8x3xf32, #tpu.memory_space<vmem>>
    %dma_start3A_601 = tpu.memref_squeeze %dma_start3A_600 : memref<1x8x3xf32, #tpu.memory_space<vmem>> -> memref<8x3xf32, #tpu.memory_space<vmem>>
    %dma_start3A_602 = arith.constant 0 : i32
    %dma_start3A_603 = tpu.memref_slice %arg2[%multiple_of3A_590, %dma_start3A_602] : memref<100000x3xf32, #tpu.memory_space<hbm>> -> memref<8x3xf32, #tpu.memory_space<hbm>>
    tpu.enqueue_dma source(%dma_start3A_603 : memref<8x3xf32, #tpu.memory_space<hbm>>) target(%dma_start3A_601 : memref<8x3xf32, #tpu.memory_space<vmem>>) target_semaphore(%arg8 : memref<!tpu.dma_semaphore, #tpu.memory_space<semaphore_mem>>)
    %eq3A_604 = arith.constant 4 : i32
    %eq3A_605 = vector.broadcast %eq3A_604 : i32 to vector<16xi32>
    %eq3A_606 = arith.cmpi eq, %iota3A, %eq3A_605 : vector<16xi32>
    %jit3A_607 = arith.constant 0 : i32
    %broadcast_in_dim3A_608 = vector.broadcast %jit3A_607 : i32 to vector<16xi32>
    %select_n3A_609 = arith.select %eq3A_606, %gather3A_10, %broadcast_in_dim3A_608 : vector<16xi1>, vector<16xi32>
    %reduce_max3A_610 = arith.constant true
    %reduce_max3A_611 = vector.broadcast %reduce_max3A_610 : i1 to vector<16xi1>
    %reduce_max3A_612 = arith.constant -2147483648 : i32
    %reduce_max3A_613 = vector.broadcast %reduce_max3A_612 : i32 to vector<16xi32>
    %reduce_max3A_614 = arith.xori %select_n3A_609, %reduce_max3A_613 : vector<16xi32>
    %reduce_max3A_615 = tpu.scan <max>, %reduce_max3A_614 masked %reduce_max3A_611 : vector<16xi32>, vector<16xi1> -> vector<16xi32>
    %reduce_max3A_616 = arith.xori %reduce_max3A_615, %reduce_max3A_613 : vector<16xi32>
    %reduce_max3A_617 = vector.extract %reduce_max3A_616[15] : i32 from vector<16xi32>
    %and3A_618 = arith.constant -8 : i32
    %and3A_619 = arith.andi %reduce_max3A_617, %and3A_618 : i32
    %multiple_of3A_620 = tpu.assume_multiple %and3A_619, 8 : i32
    %dma_start3A_621 = arith.constant 20 : i32
    %dma_start3A_622 = arith.constant 0 : i32
    %dma_start3A_623 = arith.constant 0 : i32
    %dma_start3A_624 = tpu.memref_slice %arg6[%dma_start3A_621, %dma_start3A_622, %dma_start3A_623] : memref<32x8x3xf32, #tpu.memory_space<vmem>> -> memref<1x8x3xf32, #tpu.memory_space<vmem>>
    %dma_start3A_625 = tpu.memref_squeeze %dma_start3A_624 : memref<1x8x3xf32, #tpu.memory_space<vmem>> -> memref<8x3xf32, #tpu.memory_space<vmem>>
    %dma_start3A_626 = arith.constant 0 : i32
    %dma_start3A_627 = tpu.memref_slice %arg2[%multiple_of3A_620, %dma_start3A_626] : memref<100000x3xf32, #tpu.memory_space<hbm>> -> memref<8x3xf32, #tpu.memory_space<hbm>>
    %dma_start3A_628 = arith.constant 0 : i32
    %dma_start3A_629 = arith.constant 0 : i32
    %dma_start3A_630 = tpu.memref_slice %arg6[%dma_start3A_621, %dma_start3A_628, %dma_start3A_629] : memref<32x8x3xf32, #tpu.memory_space<vmem>> -> memref<1x8x3xf32, #tpu.memory_space<vmem>>
    %dma_start3A_631 = tpu.memref_squeeze %dma_start3A_630 : memref<1x8x3xf32, #tpu.memory_space<vmem>> -> memref<8x3xf32, #tpu.memory_space<vmem>>
    %dma_start3A_632 = arith.constant 0 : i32
    %dma_start3A_633 = tpu.memref_slice %arg2[%multiple_of3A_620, %dma_start3A_632] : memref<100000x3xf32, #tpu.memory_space<hbm>> -> memref<8x3xf32, #tpu.memory_space<hbm>>
    tpu.enqueue_dma source(%dma_start3A_633 : memref<8x3xf32, #tpu.memory_space<hbm>>) target(%dma_start3A_631 : memref<8x3xf32, #tpu.memory_space<vmem>>) target_semaphore(%arg8 : memref<!tpu.dma_semaphore, #tpu.memory_space<semaphore_mem>>)
    %eq3A_634 = arith.constant 5 : i32
    %eq3A_635 = vector.broadcast %eq3A_634 : i32 to vector<16xi32>
    %eq3A_636 = arith.cmpi eq, %iota3A, %eq3A_635 : vector<16xi32>
    %jit3A_637 = arith.constant 0 : i32
    %broadcast_in_dim3A_638 = vector.broadcast %jit3A_637 : i32 to vector<16xi32>
    %select_n3A_639 = arith.select %eq3A_636, %gather3A_10, %broadcast_in_dim3A_638 : vector<16xi1>, vector<16xi32>
    %reduce_max3A_640 = arith.constant true
    %reduce_max3A_641 = vector.broadcast %reduce_max3A_640 : i1 to vector<16xi1>
    %reduce_max3A_642 = arith.constant -2147483648 : i32
    %reduce_max3A_643 = vector.broadcast %reduce_max3A_642 : i32 to vector<16xi32>
    %reduce_max3A_644 = arith.xori %select_n3A_639, %reduce_max3A_643 : vector<16xi32>
    %reduce_max3A_645 = tpu.scan <max>, %reduce_max3A_644 masked %reduce_max3A_641 : vector<16xi32>, vector<16xi1> -> vector<16xi32>
    %reduce_max3A_646 = arith.xori %reduce_max3A_645, %reduce_max3A_643 : vector<16xi32>
    %reduce_max3A_647 = vector.extract %reduce_max3A_646[15] : i32 from vector<16xi32>
    %and3A_648 = arith.constant -8 : i32
    %and3A_649 = arith.andi %reduce_max3A_647, %and3A_648 : i32
    %multiple_of3A_650 = tpu.assume_multiple %and3A_649, 8 : i32
    %dma_start3A_651 = arith.constant 21 : i32
    %dma_start3A_652 = arith.constant 0 : i32
    %dma_start3A_653 = arith.constant 0 : i32
    %dma_start3A_654 = tpu.memref_slice %arg6[%dma_start3A_651, %dma_start3A_652, %dma_start3A_653] : memref<32x8x3xf32, #tpu.memory_space<vmem>> -> memref<1x8x3xf32, #tpu.memory_space<vmem>>
    %dma_start3A_655 = tpu.memref_squeeze %dma_start3A_654 : memref<1x8x3xf32, #tpu.memory_space<vmem>> -> memref<8x3xf32, #tpu.memory_space<vmem>>
    %dma_start3A_656 = arith.constant 0 : i32
    %dma_start3A_657 = tpu.memref_slice %arg2[%multiple_of3A_650, %dma_start3A_656] : memref<100000x3xf32, #tpu.memory_space<hbm>> -> memref<8x3xf32, #tpu.memory_space<hbm>>
    %dma_start3A_658 = arith.constant 0 : i32
    %dma_start3A_659 = arith.constant 0 : i32
    %dma_start3A_660 = tpu.memref_slice %arg6[%dma_start3A_651, %dma_start3A_658, %dma_start3A_659] : memref<32x8x3xf32, #tpu.memory_space<vmem>> -> memref<1x8x3xf32, #tpu.memory_space<vmem>>
    %dma_start3A_661 = tpu.memref_squeeze %dma_start3A_660 : memref<1x8x3xf32, #tpu.memory_space<vmem>> -> memref<8x3xf32, #tpu.memory_space<vmem>>
    %dma_start3A_662 = arith.constant 0 : i32
    %dma_start3A_663 = tpu.memref_slice %arg2[%multiple_of3A_650, %dma_start3A_662] : memref<100000x3xf32, #tpu.memory_space<hbm>> -> memref<8x3xf32, #tpu.memory_space<hbm>>
    tpu.enqueue_dma source(%dma_start3A_663 : memref<8x3xf32, #tpu.memory_space<hbm>>) target(%dma_start3A_661 : memref<8x3xf32, #tpu.memory_space<vmem>>) target_semaphore(%arg8 : memref<!tpu.dma_semaphore, #tpu.memory_space<semaphore_mem>>)
    %eq3A_664 = arith.constant 6 : i32
    %eq3A_665 = vector.broadcast %eq3A_664 : i32 to vector<16xi32>
    %eq3A_666 = arith.cmpi eq, %iota3A, %eq3A_665 : vector<16xi32>
    %jit3A_667 = arith.constant 0 : i32
    %broadcast_in_dim3A_668 = vector.broadcast %jit3A_667 : i32 to vector<16xi32>
    %select_n3A_669 = arith.select %eq3A_666, %gather3A_10, %broadcast_in_dim3A_668 : vector<16xi1>, vector<16xi32>
    %reduce_max3A_670 = arith.constant true
    %reduce_max3A_671 = vector.broadcast %reduce_max3A_670 : i1 to vector<16xi1>
    %reduce_max3A_672 = arith.constant -2147483648 : i32
    %reduce_max3A_673 = vector.broadcast %reduce_max3A_672 : i32 to vector<16xi32>
    %reduce_max3A_674 = arith.xori %select_n3A_669, %reduce_max3A_673 : vector<16xi32>
    %reduce_max3A_675 = tpu.scan <max>, %reduce_max3A_674 masked %reduce_max3A_671 : vector<16xi32>, vector<16xi1> -> vector<16xi32>
    %reduce_max3A_676 = arith.xori %reduce_max3A_675, %reduce_max3A_673 : vector<16xi32>
    %reduce_max3A_677 = vector.extract %reduce_max3A_676[15] : i32 from vector<16xi32>
    %and3A_678 = arith.constant -8 : i32
    %and3A_679 = arith.andi %reduce_max3A_677, %and3A_678 : i32
    %multiple_of3A_680 = tpu.assume_multiple %and3A_679, 8 : i32
    %dma_start3A_681 = arith.constant 22 : i32
    %dma_start3A_682 = arith.constant 0 : i32
    %dma_start3A_683 = arith.constant 0 : i32
    %dma_start3A_684 = tpu.memref_slice %arg6[%dma_start3A_681, %dma_start3A_682, %dma_start3A_683] : memref<32x8x3xf32, #tpu.memory_space<vmem>> -> memref<1x8x3xf32, #tpu.memory_space<vmem>>
    %dma_start3A_685 = tpu.memref_squeeze %dma_start3A_684 : memref<1x8x3xf32, #tpu.memory_space<vmem>> -> memref<8x3xf32, #tpu.memory_space<vmem>>
    %dma_start3A_686 = arith.constant 0 : i32
    %dma_start3A_687 = tpu.memref_slice %arg2[%multiple_of3A_680, %dma_start3A_686] : memref<100000x3xf32, #tpu.memory_space<hbm>> -> memref<8x3xf32, #tpu.memory_space<hbm>>
    %dma_start3A_688 = arith.constant 0 : i32
    %dma_start3A_689 = arith.constant 0 : i32
    %dma_start3A_690 = tpu.memref_slice %arg6[%dma_start3A_681, %dma_start3A_688, %dma_start3A_689] : memref<32x8x3xf32, #tpu.memory_space<vmem>> -> memref<1x8x3xf32, #tpu.memory_space<vmem>>
    %dma_start3A_691 = tpu.memref_squeeze %dma_start3A_690 : memref<1x8x3xf32, #tpu.memory_space<vmem>> -> memref<8x3xf32, #tpu.memory_space<vmem>>
    %dma_start3A_692 = arith.constant 0 : i32
    %dma_start3A_693 = tpu.memref_slice %arg2[%multiple_of3A_680, %dma_start3A_692] : memref<100000x3xf32, #tpu.memory_space<hbm>> -> memref<8x3xf32, #tpu.memory_space<hbm>>
    tpu.enqueue_dma source(%dma_start3A_693 : memref<8x3xf32, #tpu.memory_space<hbm>>) target(%dma_start3A_691 : memref<8x3xf32, #tpu.memory_space<vmem>>) target_semaphore(%arg8 : memref<!tpu.dma_semaphore, #tpu.memory_space<semaphore_mem>>)
    %eq3A_694 = arith.constant 7 : i32
    %eq3A_695 = vector.broadcast %eq3A_694 : i32 to vector<16xi32>
    %eq3A_696 = arith.cmpi eq, %iota3A, %eq3A_695 : vector<16xi32>
    %jit3A_697 = arith.constant 0 : i32
    %broadcast_in_dim3A_698 = vector.broadcast %jit3A_697 : i32 to vector<16xi32>
    %select_n3A_699 = arith.select %eq3A_696, %gather3A_10, %broadcast_in_dim3A_698 : vector<16xi1>, vector<16xi32>
    %reduce_max3A_700 = arith.constant true
    %reduce_max3A_701 = vector.broadcast %reduce_max3A_700 : i1 to vector<16xi1>
    %reduce_max3A_702 = arith.constant -2147483648 : i32
    %reduce_max3A_703 = vector.broadcast %reduce_max3A_702 : i32 to vector<16xi32>
    %reduce_max3A_704 = arith.xori %select_n3A_699, %reduce_max3A_703 : vector<16xi32>
    %reduce_max3A_705 = tpu.scan <max>, %reduce_max3A_704 masked %reduce_max3A_701 : vector<16xi32>, vector<16xi1> -> vector<16xi32>
    %reduce_max3A_706 = arith.xori %reduce_max3A_705, %reduce_max3A_703 : vector<16xi32>
    %reduce_max3A_707 = vector.extract %reduce_max3A_706[15] : i32 from vector<16xi32>
    %and3A_708 = arith.constant -8 : i32
    %and3A_709 = arith.andi %reduce_max3A_707, %and3A_708 : i32
    %multiple_of3A_710 = tpu.assume_multiple %and3A_709, 8 : i32
    %dma_start3A_711 = arith.constant 23 : i32
    %dma_start3A_712 = arith.constant 0 : i32
    %dma_start3A_713 = arith.constant 0 : i32
    %dma_start3A_714 = tpu.memref_slice %arg6[%dma_start3A_711, %dma_start3A_712, %dma_start3A_713] : memref<32x8x3xf32, #tpu.memory_space<vmem>> -> memref<1x8x3xf32, #tpu.memory_space<vmem>>
    %dma_start3A_715 = tpu.memref_squeeze %dma_start3A_714 : memref<1x8x3xf32, #tpu.memory_space<vmem>> -> memref<8x3xf32, #tpu.memory_space<vmem>>
    %dma_start3A_716 = arith.constant 0 : i32
    %dma_start3A_717 = tpu.memref_slice %arg2[%multiple_of3A_710, %dma_start3A_716] : memref<100000x3xf32, #tpu.memory_space<hbm>> -> memref<8x3xf32, #tpu.memory_space<hbm>>
    %dma_start3A_718 = arith.constant 0 : i32
    %dma_start3A_719 = arith.constant 0 : i32
    %dma_start3A_720 = tpu.memref_slice %arg6[%dma_start3A_711, %dma_start3A_718, %dma_start3A_719] : memref<32x8x3xf32, #tpu.memory_space<vmem>> -> memref<1x8x3xf32, #tpu.memory_space<vmem>>
    %dma_start3A_721 = tpu.memref_squeeze %dma_start3A_720 : memref<1x8x3xf32, #tpu.memory_space<vmem>> -> memref<8x3xf32, #tpu.memory_space<vmem>>
    %dma_start3A_722 = arith.constant 0 : i32
    %dma_start3A_723 = tpu.memref_slice %arg2[%multiple_of3A_710, %dma_start3A_722] : memref<100000x3xf32, #tpu.memory_space<hbm>> -> memref<8x3xf32, #tpu.memory_space<hbm>>
    tpu.enqueue_dma source(%dma_start3A_723 : memref<8x3xf32, #tpu.memory_space<hbm>>) target(%dma_start3A_721 : memref<8x3xf32, #tpu.memory_space<vmem>>) target_semaphore(%arg8 : memref<!tpu.dma_semaphore, #tpu.memory_space<semaphore_mem>>)
    %eq3A_724 = arith.constant 8 : i32
    %eq3A_725 = vector.broadcast %eq3A_724 : i32 to vector<16xi32>
    %eq3A_726 = arith.cmpi eq, %iota3A, %eq3A_725 : vector<16xi32>
    %jit3A_727 = arith.constant 0 : i32
    %broadcast_in_dim3A_728 = vector.broadcast %jit3A_727 : i32 to vector<16xi32>
    %select_n3A_729 = arith.select %eq3A_726, %gather3A_10, %broadcast_in_dim3A_728 : vector<16xi1>, vector<16xi32>
    %reduce_max3A_730 = arith.constant true
    %reduce_max3A_731 = vector.broadcast %reduce_max3A_730 : i1 to vector<16xi1>
    %reduce_max3A_732 = arith.constant -2147483648 : i32
    %reduce_max3A_733 = vector.broadcast %reduce_max3A_732 : i32 to vector<16xi32>
    %reduce_max3A_734 = arith.xori %select_n3A_729, %reduce_max3A_733 : vector<16xi32>
    %reduce_max3A_735 = tpu.scan <max>, %reduce_max3A_734 masked %reduce_max3A_731 : vector<16xi32>, vector<16xi1> -> vector<16xi32>
    %reduce_max3A_736 = arith.xori %reduce_max3A_735, %reduce_max3A_733 : vector<16xi32>
    %reduce_max3A_737 = vector.extract %reduce_max3A_736[15] : i32 from vector<16xi32>
    %and3A_738 = arith.constant -8 : i32
    %and3A_739 = arith.andi %reduce_max3A_737, %and3A_738 : i32
    %multiple_of3A_740 = tpu.assume_multiple %and3A_739, 8 : i32
    %dma_start3A_741 = arith.constant 24 : i32
    %dma_start3A_742 = arith.constant 0 : i32
    %dma_start3A_743 = arith.constant 0 : i32
    %dma_start3A_744 = tpu.memref_slice %arg6[%dma_start3A_741, %dma_start3A_742, %dma_start3A_743] : memref<32x8x3xf32, #tpu.memory_space<vmem>> -> memref<1x8x3xf32, #tpu.memory_space<vmem>>
    %dma_start3A_745 = tpu.memref_squeeze %dma_start3A_744 : memref<1x8x3xf32, #tpu.memory_space<vmem>> -> memref<8x3xf32, #tpu.memory_space<vmem>>
    %dma_start3A_746 = arith.constant 0 : i32
    %dma_start3A_747 = tpu.memref_slice %arg2[%multiple_of3A_740, %dma_start3A_746] : memref<100000x3xf32, #tpu.memory_space<hbm>> -> memref<8x3xf32, #tpu.memory_space<hbm>>
    %dma_start3A_748 = arith.constant 0 : i32
    %dma_start3A_749 = arith.constant 0 : i32
    %dma_start3A_750 = tpu.memref_slice %arg6[%dma_start3A_741, %dma_start3A_748, %dma_start3A_749] : memref<32x8x3xf32, #tpu.memory_space<vmem>> -> memref<1x8x3xf32, #tpu.memory_space<vmem>>
    %dma_start3A_751 = tpu.memref_squeeze %dma_start3A_750 : memref<1x8x3xf32, #tpu.memory_space<vmem>> -> memref<8x3xf32, #tpu.memory_space<vmem>>
    %dma_start3A_752 = arith.constant 0 : i32
    %dma_start3A_753 = tpu.memref_slice %arg2[%multiple_of3A_740, %dma_start3A_752] : memref<100000x3xf32, #tpu.memory_space<hbm>> -> memref<8x3xf32, #tpu.memory_space<hbm>>
    tpu.enqueue_dma source(%dma_start3A_753 : memref<8x3xf32, #tpu.memory_space<hbm>>) target(%dma_start3A_751 : memref<8x3xf32, #tpu.memory_space<vmem>>) target_semaphore(%arg8 : memref<!tpu.dma_semaphore, #tpu.memory_space<semaphore_mem>>)
    %eq3A_754 = arith.constant 9 : i32
    %eq3A_755 = vector.broadcast %eq3A_754 : i32 to vector<16xi32>
    %eq3A_756 = arith.cmpi eq, %iota3A, %eq3A_755 : vector<16xi32>
    %jit3A_757 = arith.constant 0 : i32
    %broadcast_in_dim3A_758 = vector.broadcast %jit3A_757 : i32 to vector<16xi32>
    %select_n3A_759 = arith.select %eq3A_756, %gather3A_10, %broadcast_in_dim3A_758 : vector<16xi1>, vector<16xi32>
    %reduce_max3A_760 = arith.constant true
    %reduce_max3A_761 = vector.broadcast %reduce_max3A_760 : i1 to vector<16xi1>
    %reduce_max3A_762 = arith.constant -2147483648 : i32
    %reduce_max3A_763 = vector.broadcast %reduce_max3A_762 : i32 to vector<16xi32>
    %reduce_max3A_764 = arith.xori %select_n3A_759, %reduce_max3A_763 : vector<16xi32>
    %reduce_max3A_765 = tpu.scan <max>, %reduce_max3A_764 masked %reduce_max3A_761 : vector<16xi32>, vector<16xi1> -> vector<16xi32>
    %reduce_max3A_766 = arith.xori %reduce_max3A_765, %reduce_max3A_763 : vector<16xi32>
    %reduce_max3A_767 = vector.extract %reduce_max3A_766[15] : i32 from vector<16xi32>
    %and3A_768 = arith.constant -8 : i32
    %and3A_769 = arith.andi %reduce_max3A_767, %and3A_768 : i32
    %multiple_of3A_770 = tpu.assume_multiple %and3A_769, 8 : i32
    %dma_start3A_771 = arith.constant 25 : i32
    %dma_start3A_772 = arith.constant 0 : i32
    %dma_start3A_773 = arith.constant 0 : i32
    %dma_start3A_774 = tpu.memref_slice %arg6[%dma_start3A_771, %dma_start3A_772, %dma_start3A_773] : memref<32x8x3xf32, #tpu.memory_space<vmem>> -> memref<1x8x3xf32, #tpu.memory_space<vmem>>
    %dma_start3A_775 = tpu.memref_squeeze %dma_start3A_774 : memref<1x8x3xf32, #tpu.memory_space<vmem>> -> memref<8x3xf32, #tpu.memory_space<vmem>>
    %dma_start3A_776 = arith.constant 0 : i32
    %dma_start3A_777 = tpu.memref_slice %arg2[%multiple_of3A_770, %dma_start3A_776] : memref<100000x3xf32, #tpu.memory_space<hbm>> -> memref<8x3xf32, #tpu.memory_space<hbm>>
    %dma_start3A_778 = arith.constant 0 : i32
    %dma_start3A_779 = arith.constant 0 : i32
    %dma_start3A_780 = tpu.memref_slice %arg6[%dma_start3A_771, %dma_start3A_778, %dma_start3A_779] : memref<32x8x3xf32, #tpu.memory_space<vmem>> -> memref<1x8x3xf32, #tpu.memory_space<vmem>>
    %dma_start3A_781 = tpu.memref_squeeze %dma_start3A_780 : memref<1x8x3xf32, #tpu.memory_space<vmem>> -> memref<8x3xf32, #tpu.memory_space<vmem>>
    %dma_start3A_782 = arith.constant 0 : i32
    %dma_start3A_783 = tpu.memref_slice %arg2[%multiple_of3A_770, %dma_start3A_782] : memref<100000x3xf32, #tpu.memory_space<hbm>> -> memref<8x3xf32, #tpu.memory_space<hbm>>
    tpu.enqueue_dma source(%dma_start3A_783 : memref<8x3xf32, #tpu.memory_space<hbm>>) target(%dma_start3A_781 : memref<8x3xf32, #tpu.memory_space<vmem>>) target_semaphore(%arg8 : memref<!tpu.dma_semaphore, #tpu.memory_space<semaphore_mem>>)
    %eq3A_784 = arith.constant 10 : i32
    %eq3A_785 = vector.broadcast %eq3A_784 : i32 to vector<16xi32>
    %eq3A_786 = arith.cmpi eq, %iota3A, %eq3A_785 : vector<16xi32>
    %jit3A_787 = arith.constant 0 : i32
    %broadcast_in_dim3A_788 = vector.broadcast %jit3A_787 : i32 to vector<16xi32>
    %select_n3A_789 = arith.select %eq3A_786, %gather3A_10, %broadcast_in_dim3A_788 : vector<16xi1>, vector<16xi32>
    %reduce_max3A_790 = arith.constant true
    %reduce_max3A_791 = vector.broadcast %reduce_max3A_790 : i1 to vector<16xi1>
    %reduce_max3A_792 = arith.constant -2147483648 : i32
    %reduce_max3A_793 = vector.broadcast %reduce_max3A_792 : i32 to vector<16xi32>
    %reduce_max3A_794 = arith.xori %select_n3A_789, %reduce_max3A_793 : vector<16xi32>
    %reduce_max3A_795 = tpu.scan <max>, %reduce_max3A_794 masked %reduce_max3A_791 : vector<16xi32>, vector<16xi1> -> vector<16xi32>
    %reduce_max3A_796 = arith.xori %reduce_max3A_795, %reduce_max3A_793 : vector<16xi32>
    %reduce_max3A_797 = vector.extract %reduce_max3A_796[15] : i32 from vector<16xi32>
    %and3A_798 = arith.constant -8 : i32
    %and3A_799 = arith.andi %reduce_max3A_797, %and3A_798 : i32
    %multiple_of3A_800 = tpu.assume_multiple %and3A_799, 8 : i32
    %dma_start3A_801 = arith.constant 26 : i32
    %dma_start3A_802 = arith.constant 0 : i32
    %dma_start3A_803 = arith.constant 0 : i32
    %dma_start3A_804 = tpu.memref_slice %arg6[%dma_start3A_801, %dma_start3A_802, %dma_start3A_803] : memref<32x8x3xf32, #tpu.memory_space<vmem>> -> memref<1x8x3xf32, #tpu.memory_space<vmem>>
    %dma_start3A_805 = tpu.memref_squeeze %dma_start3A_804 : memref<1x8x3xf32, #tpu.memory_space<vmem>> -> memref<8x3xf32, #tpu.memory_space<vmem>>
    %dma_start3A_806 = arith.constant 0 : i32
    %dma_start3A_807 = tpu.memref_slice %arg2[%multiple_of3A_800, %dma_start3A_806] : memref<100000x3xf32, #tpu.memory_space<hbm>> -> memref<8x3xf32, #tpu.memory_space<hbm>>
    %dma_start3A_808 = arith.constant 0 : i32
    %dma_start3A_809 = arith.constant 0 : i32
    %dma_start3A_810 = tpu.memref_slice %arg6[%dma_start3A_801, %dma_start3A_808, %dma_start3A_809] : memref<32x8x3xf32, #tpu.memory_space<vmem>> -> memref<1x8x3xf32, #tpu.memory_space<vmem>>
    %dma_start3A_811 = tpu.memref_squeeze %dma_start3A_810 : memref<1x8x3xf32, #tpu.memory_space<vmem>> -> memref<8x3xf32, #tpu.memory_space<vmem>>
    %dma_start3A_812 = arith.constant 0 : i32
    %dma_start3A_813 = tpu.memref_slice %arg2[%multiple_of3A_800, %dma_start3A_812] : memref<100000x3xf32, #tpu.memory_space<hbm>> -> memref<8x3xf32, #tpu.memory_space<hbm>>
    tpu.enqueue_dma source(%dma_start3A_813 : memref<8x3xf32, #tpu.memory_space<hbm>>) target(%dma_start3A_811 : memref<8x3xf32, #tpu.memory_space<vmem>>) target_semaphore(%arg8 : memref<!tpu.dma_semaphore, #tpu.memory_space<semaphore_mem>>)
    %eq3A_814 = arith.constant 11 : i32
    %eq3A_815 = vector.broadcast %eq3A_814 : i32 to vector<16xi32>
    %eq3A_816 = arith.cmpi eq, %iota3A, %eq3A_815 : vector<16xi32>
    %jit3A_817 = arith.constant 0 : i32
    %broadcast_in_dim3A_818 = vector.broadcast %jit3A_817 : i32 to vector<16xi32>
    %select_n3A_819 = arith.select %eq3A_816, %gather3A_10, %broadcast_in_dim3A_818 : vector<16xi1>, vector<16xi32>
    %reduce_max3A_820 = arith.constant true
    %reduce_max3A_821 = vector.broadcast %reduce_max3A_820 : i1 to vector<16xi1>
    %reduce_max3A_822 = arith.constant -2147483648 : i32
    %reduce_max3A_823 = vector.broadcast %reduce_max3A_822 : i32 to vector<16xi32>
    %reduce_max3A_824 = arith.xori %select_n3A_819, %reduce_max3A_823 : vector<16xi32>
    %reduce_max3A_825 = tpu.scan <max>, %reduce_max3A_824 masked %reduce_max3A_821 : vector<16xi32>, vector<16xi1> -> vector<16xi32>
    %reduce_max3A_826 = arith.xori %reduce_max3A_825, %reduce_max3A_823 : vector<16xi32>
    %reduce_max3A_827 = vector.extract %reduce_max3A_826[15] : i32 from vector<16xi32>
    %and3A_828 = arith.constant -8 : i32
    %and3A_829 = arith.andi %reduce_max3A_827, %and3A_828 : i32
    %multiple_of3A_830 = tpu.assume_multiple %and3A_829, 8 : i32
    %dma_start3A_831 = arith.constant 27 : i32
    %dma_start3A_832 = arith.constant 0 : i32
    %dma_start3A_833 = arith.constant 0 : i32
    %dma_start3A_834 = tpu.memref_slice %arg6[%dma_start3A_831, %dma_start3A_832, %dma_start3A_833] : memref<32x8x3xf32, #tpu.memory_space<vmem>> -> memref<1x8x3xf32, #tpu.memory_space<vmem>>
    %dma_start3A_835 = tpu.memref_squeeze %dma_start3A_834 : memref<1x8x3xf32, #tpu.memory_space<vmem>> -> memref<8x3xf32, #tpu.memory_space<vmem>>
    %dma_start3A_836 = arith.constant 0 : i32
    %dma_start3A_837 = tpu.memref_slice %arg2[%multiple_of3A_830, %dma_start3A_836] : memref<100000x3xf32, #tpu.memory_space<hbm>> -> memref<8x3xf32, #tpu.memory_space<hbm>>
    %dma_start3A_838 = arith.constant 0 : i32
    %dma_start3A_839 = arith.constant 0 : i32
    %dma_start3A_840 = tpu.memref_slice %arg6[%dma_start3A_831, %dma_start3A_838, %dma_start3A_839] : memref<32x8x3xf32, #tpu.memory_space<vmem>> -> memref<1x8x3xf32, #tpu.memory_space<vmem>>
    %dma_start3A_841 = tpu.memref_squeeze %dma_start3A_840 : memref<1x8x3xf32, #tpu.memory_space<vmem>> -> memref<8x3xf32, #tpu.memory_space<vmem>>
    %dma_start3A_842 = arith.constant 0 : i32
    %dma_start3A_843 = tpu.memref_slice %arg2[%multiple_of3A_830, %dma_start3A_842] : memref<100000x3xf32, #tpu.memory_space<hbm>> -> memref<8x3xf32, #tpu.memory_space<hbm>>
    tpu.enqueue_dma source(%dma_start3A_843 : memref<8x3xf32, #tpu.memory_space<hbm>>) target(%dma_start3A_841 : memref<8x3xf32, #tpu.memory_space<vmem>>) target_semaphore(%arg8 : memref<!tpu.dma_semaphore, #tpu.memory_space<semaphore_mem>>)
    %eq3A_844 = arith.constant 12 : i32
    %eq3A_845 = vector.broadcast %eq3A_844 : i32 to vector<16xi32>
    %eq3A_846 = arith.cmpi eq, %iota3A, %eq3A_845 : vector<16xi32>
    %jit3A_847 = arith.constant 0 : i32
    %broadcast_in_dim3A_848 = vector.broadcast %jit3A_847 : i32 to vector<16xi32>
    %select_n3A_849 = arith.select %eq3A_846, %gather3A_10, %broadcast_in_dim3A_848 : vector<16xi1>, vector<16xi32>
    %reduce_max3A_850 = arith.constant true
    %reduce_max3A_851 = vector.broadcast %reduce_max3A_850 : i1 to vector<16xi1>
    %reduce_max3A_852 = arith.constant -2147483648 : i32
    %reduce_max3A_853 = vector.broadcast %reduce_max3A_852 : i32 to vector<16xi32>
    %reduce_max3A_854 = arith.xori %select_n3A_849, %reduce_max3A_853 : vector<16xi32>
    %reduce_max3A_855 = tpu.scan <max>, %reduce_max3A_854 masked %reduce_max3A_851 : vector<16xi32>, vector<16xi1> -> vector<16xi32>
    %reduce_max3A_856 = arith.xori %reduce_max3A_855, %reduce_max3A_853 : vector<16xi32>
    %reduce_max3A_857 = vector.extract %reduce_max3A_856[15] : i32 from vector<16xi32>
    %and3A_858 = arith.constant -8 : i32
    %and3A_859 = arith.andi %reduce_max3A_857, %and3A_858 : i32
    %multiple_of3A_860 = tpu.assume_multiple %and3A_859, 8 : i32
    %dma_start3A_861 = arith.constant 28 : i32
    %dma_start3A_862 = arith.constant 0 : i32
    %dma_start3A_863 = arith.constant 0 : i32
    %dma_start3A_864 = tpu.memref_slice %arg6[%dma_start3A_861, %dma_start3A_862, %dma_start3A_863] : memref<32x8x3xf32, #tpu.memory_space<vmem>> -> memref<1x8x3xf32, #tpu.memory_space<vmem>>
    %dma_start3A_865 = tpu.memref_squeeze %dma_start3A_864 : memref<1x8x3xf32, #tpu.memory_space<vmem>> -> memref<8x3xf32, #tpu.memory_space<vmem>>
    %dma_start3A_866 = arith.constant 0 : i32
    %dma_start3A_867 = tpu.memref_slice %arg2[%multiple_of3A_860, %dma_start3A_866] : memref<100000x3xf32, #tpu.memory_space<hbm>> -> memref<8x3xf32, #tpu.memory_space<hbm>>
    %dma_start3A_868 = arith.constant 0 : i32
    %dma_start3A_869 = arith.constant 0 : i32
    %dma_start3A_870 = tpu.memref_slice %arg6[%dma_start3A_861, %dma_start3A_868, %dma_start3A_869] : memref<32x8x3xf32, #tpu.memory_space<vmem>> -> memref<1x8x3xf32, #tpu.memory_space<vmem>>
    %dma_start3A_871 = tpu.memref_squeeze %dma_start3A_870 : memref<1x8x3xf32, #tpu.memory_space<vmem>> -> memref<8x3xf32, #tpu.memory_space<vmem>>
    %dma_start3A_872 = arith.constant 0 : i32
    %dma_start3A_873 = tpu.memref_slice %arg2[%multiple_of3A_860, %dma_start3A_872] : memref<100000x3xf32, #tpu.memory_space<hbm>> -> memref<8x3xf32, #tpu.memory_space<hbm>>
    tpu.enqueue_dma source(%dma_start3A_873 : memref<8x3xf32, #tpu.memory_space<hbm>>) target(%dma_start3A_871 : memref<8x3xf32, #tpu.memory_space<vmem>>) target_semaphore(%arg8 : memref<!tpu.dma_semaphore, #tpu.memory_space<semaphore_mem>>)
    %eq3A_874 = arith.constant 13 : i32
    %eq3A_875 = vector.broadcast %eq3A_874 : i32 to vector<16xi32>
    %eq3A_876 = arith.cmpi eq, %iota3A, %eq3A_875 : vector<16xi32>
    %jit3A_877 = arith.constant 0 : i32
    %broadcast_in_dim3A_878 = vector.broadcast %jit3A_877 : i32 to vector<16xi32>
    %select_n3A_879 = arith.select %eq3A_876, %gather3A_10, %broadcast_in_dim3A_878 : vector<16xi1>, vector<16xi32>
    %reduce_max3A_880 = arith.constant true
    %reduce_max3A_881 = vector.broadcast %reduce_max3A_880 : i1 to vector<16xi1>
    %reduce_max3A_882 = arith.constant -2147483648 : i32
    %reduce_max3A_883 = vector.broadcast %reduce_max3A_882 : i32 to vector<16xi32>
    %reduce_max3A_884 = arith.xori %select_n3A_879, %reduce_max3A_883 : vector<16xi32>
    %reduce_max3A_885 = tpu.scan <max>, %reduce_max3A_884 masked %reduce_max3A_881 : vector<16xi32>, vector<16xi1> -> vector<16xi32>
    %reduce_max3A_886 = arith.xori %reduce_max3A_885, %reduce_max3A_883 : vector<16xi32>
    %reduce_max3A_887 = vector.extract %reduce_max3A_886[15] : i32 from vector<16xi32>
    %and3A_888 = arith.constant -8 : i32
    %and3A_889 = arith.andi %reduce_max3A_887, %and3A_888 : i32
    %multiple_of3A_890 = tpu.assume_multiple %and3A_889, 8 : i32
    %dma_start3A_891 = arith.constant 29 : i32
    %dma_start3A_892 = arith.constant 0 : i32
    %dma_start3A_893 = arith.constant 0 : i32
    %dma_start3A_894 = tpu.memref_slice %arg6[%dma_start3A_891, %dma_start3A_892, %dma_start3A_893] : memref<32x8x3xf32, #tpu.memory_space<vmem>> -> memref<1x8x3xf32, #tpu.memory_space<vmem>>
    %dma_start3A_895 = tpu.memref_squeeze %dma_start3A_894 : memref<1x8x3xf32, #tpu.memory_space<vmem>> -> memref<8x3xf32, #tpu.memory_space<vmem>>
    %dma_start3A_896 = arith.constant 0 : i32
    %dma_start3A_897 = tpu.memref_slice %arg2[%multiple_of3A_890, %dma_start3A_896] : memref<100000x3xf32, #tpu.memory_space<hbm>> -> memref<8x3xf32, #tpu.memory_space<hbm>>
    %dma_start3A_898 = arith.constant 0 : i32
    %dma_start3A_899 = arith.constant 0 : i32
    %dma_start3A_900 = tpu.memref_slice %arg6[%dma_start3A_891, %dma_start3A_898, %dma_start3A_899] : memref<32x8x3xf32, #tpu.memory_space<vmem>> -> memref<1x8x3xf32, #tpu.memory_space<vmem>>
    %dma_start3A_901 = tpu.memref_squeeze %dma_start3A_900 : memref<1x8x3xf32, #tpu.memory_space<vmem>> -> memref<8x3xf32, #tpu.memory_space<vmem>>
    %dma_start3A_902 = arith.constant 0 : i32
    %dma_start3A_903 = tpu.memref_slice %arg2[%multiple_of3A_890, %dma_start3A_902] : memref<100000x3xf32, #tpu.memory_space<hbm>> -> memref<8x3xf32, #tpu.memory_space<hbm>>
    tpu.enqueue_dma source(%dma_start3A_903 : memref<8x3xf32, #tpu.memory_space<hbm>>) target(%dma_start3A_901 : memref<8x3xf32, #tpu.memory_space<vmem>>) target_semaphore(%arg8 : memref<!tpu.dma_semaphore, #tpu.memory_space<semaphore_mem>>)
    %eq3A_904 = arith.constant 14 : i32
    %eq3A_905 = vector.broadcast %eq3A_904 : i32 to vector<16xi32>
    %eq3A_906 = arith.cmpi eq, %iota3A, %eq3A_905 : vector<16xi32>
    %jit3A_907 = arith.constant 0 : i32
    %broadcast_in_dim3A_908 = vector.broadcast %jit3A_907 : i32 to vector<16xi32>
    %select_n3A_909 = arith.select %eq3A_906, %gather3A_10, %broadcast_in_dim3A_908 : vector<16xi1>, vector<16xi32>
    %reduce_max3A_910 = arith.constant true
    %reduce_max3A_911 = vector.broadcast %reduce_max3A_910 : i1 to vector<16xi1>
    %reduce_max3A_912 = arith.constant -2147483648 : i32
    %reduce_max3A_913 = vector.broadcast %reduce_max3A_912 : i32 to vector<16xi32>
    %reduce_max3A_914 = arith.xori %select_n3A_909, %reduce_max3A_913 : vector<16xi32>
    %reduce_max3A_915 = tpu.scan <max>, %reduce_max3A_914 masked %reduce_max3A_911 : vector<16xi32>, vector<16xi1> -> vector<16xi32>
    %reduce_max3A_916 = arith.xori %reduce_max3A_915, %reduce_max3A_913 : vector<16xi32>
    %reduce_max3A_917 = vector.extract %reduce_max3A_916[15] : i32 from vector<16xi32>
    %and3A_918 = arith.constant -8 : i32
    %and3A_919 = arith.andi %reduce_max3A_917, %and3A_918 : i32
    %multiple_of3A_920 = tpu.assume_multiple %and3A_919, 8 : i32
    %dma_start3A_921 = arith.constant 30 : i32
    %dma_start3A_922 = arith.constant 0 : i32
    %dma_start3A_923 = arith.constant 0 : i32
    %dma_start3A_924 = tpu.memref_slice %arg6[%dma_start3A_921, %dma_start3A_922, %dma_start3A_923] : memref<32x8x3xf32, #tpu.memory_space<vmem>> -> memref<1x8x3xf32, #tpu.memory_space<vmem>>
    %dma_start3A_925 = tpu.memref_squeeze %dma_start3A_924 : memref<1x8x3xf32, #tpu.memory_space<vmem>> -> memref<8x3xf32, #tpu.memory_space<vmem>>
    %dma_start3A_926 = arith.constant 0 : i32
    %dma_start3A_927 = tpu.memref_slice %arg2[%multiple_of3A_920, %dma_start3A_926] : memref<100000x3xf32, #tpu.memory_space<hbm>> -> memref<8x3xf32, #tpu.memory_space<hbm>>
    %dma_start3A_928 = arith.constant 0 : i32
    %dma_start3A_929 = arith.constant 0 : i32
    %dma_start3A_930 = tpu.memref_slice %arg6[%dma_start3A_921, %dma_start3A_928, %dma_start3A_929] : memref<32x8x3xf32, #tpu.memory_space<vmem>> -> memref<1x8x3xf32, #tpu.memory_space<vmem>>
    %dma_start3A_931 = tpu.memref_squeeze %dma_start3A_930 : memref<1x8x3xf32, #tpu.memory_space<vmem>> -> memref<8x3xf32, #tpu.memory_space<vmem>>
    %dma_start3A_932 = arith.constant 0 : i32
    %dma_start3A_933 = tpu.memref_slice %arg2[%multiple_of3A_920, %dma_start3A_932] : memref<100000x3xf32, #tpu.memory_space<hbm>> -> memref<8x3xf32, #tpu.memory_space<hbm>>
    tpu.enqueue_dma source(%dma_start3A_933 : memref<8x3xf32, #tpu.memory_space<hbm>>) target(%dma_start3A_931 : memref<8x3xf32, #tpu.memory_space<vmem>>) target_semaphore(%arg8 : memref<!tpu.dma_semaphore, #tpu.memory_space<semaphore_mem>>)
    %eq3A_934 = arith.constant 15 : i32
    %eq3A_935 = vector.broadcast %eq3A_934 : i32 to vector<16xi32>
    %eq3A_936 = arith.cmpi eq, %iota3A, %eq3A_935 : vector<16xi32>
    %jit3A_937 = arith.constant 0 : i32
    %broadcast_in_dim3A_938 = vector.broadcast %jit3A_937 : i32 to vector<16xi32>
    %select_n3A_939 = arith.select %eq3A_936, %gather3A_10, %broadcast_in_dim3A_938 : vector<16xi1>, vector<16xi32>
    %reduce_max3A_940 = arith.constant true
    %reduce_max3A_941 = vector.broadcast %reduce_max3A_940 : i1 to vector<16xi1>
    %reduce_max3A_942 = arith.constant -2147483648 : i32
    %reduce_max3A_943 = vector.broadcast %reduce_max3A_942 : i32 to vector<16xi32>
    %reduce_max3A_944 = arith.xori %select_n3A_939, %reduce_max3A_943 : vector<16xi32>
    %reduce_max3A_945 = tpu.scan <max>, %reduce_max3A_944 masked %reduce_max3A_941 : vector<16xi32>, vector<16xi1> -> vector<16xi32>
    %reduce_max3A_946 = arith.xori %reduce_max3A_945, %reduce_max3A_943 : vector<16xi32>
    %reduce_max3A_947 = vector.extract %reduce_max3A_946[15] : i32 from vector<16xi32>
    %and3A_948 = arith.constant -8 : i32
    %and3A_949 = arith.andi %reduce_max3A_947, %and3A_948 : i32
    %multiple_of3A_950 = tpu.assume_multiple %and3A_949, 8 : i32
    %dma_start3A_951 = arith.constant 31 : i32
    %dma_start3A_952 = arith.constant 0 : i32
    %dma_start3A_953 = arith.constant 0 : i32
    %dma_start3A_954 = tpu.memref_slice %arg6[%dma_start3A_951, %dma_start3A_952, %dma_start3A_953] : memref<32x8x3xf32, #tpu.memory_space<vmem>> -> memref<1x8x3xf32, #tpu.memory_space<vmem>>
    %dma_start3A_955 = tpu.memref_squeeze %dma_start3A_954 : memref<1x8x3xf32, #tpu.memory_space<vmem>> -> memref<8x3xf32, #tpu.memory_space<vmem>>
    %dma_start3A_956 = arith.constant 0 : i32
    %dma_start3A_957 = tpu.memref_slice %arg2[%multiple_of3A_950, %dma_start3A_956] : memref<100000x3xf32, #tpu.memory_space<hbm>> -> memref<8x3xf32, #tpu.memory_space<hbm>>
    %dma_start3A_958 = arith.constant 0 : i32
    %dma_start3A_959 = arith.constant 0 : i32
    %dma_start3A_960 = tpu.memref_slice %arg6[%dma_start3A_951, %dma_start3A_958, %dma_start3A_959] : memref<32x8x3xf32, #tpu.memory_space<vmem>> -> memref<1x8x3xf32, #tpu.memory_space<vmem>>
    %dma_start3A_961 = tpu.memref_squeeze %dma_start3A_960 : memref<1x8x3xf32, #tpu.memory_space<vmem>> -> memref<8x3xf32, #tpu.memory_space<vmem>>
    %dma_start3A_962 = arith.constant 0 : i32
    %dma_start3A_963 = tpu.memref_slice %arg2[%multiple_of3A_950, %dma_start3A_962] : memref<100000x3xf32, #tpu.memory_space<hbm>> -> memref<8x3xf32, #tpu.memory_space<hbm>>
    tpu.enqueue_dma source(%dma_start3A_963 : memref<8x3xf32, #tpu.memory_space<hbm>>) target(%dma_start3A_961 : memref<8x3xf32, #tpu.memory_space<vmem>>) target_semaphore(%arg8 : memref<!tpu.dma_semaphore, #tpu.memory_space<semaphore_mem>>)
    %dma_wait3A = arith.constant 0 : i32
    %dma_wait3A_964 = arith.constant 0 : i32
    %dma_wait3A_965 = arith.constant 0 : i32
    %dma_wait3A_966 = tpu.memref_slice %arg6[%dma_wait3A, %dma_wait3A_964, %dma_wait3A_965] : memref<32x8x3xf32, #tpu.memory_space<vmem>> -> memref<1x8x3xf32, #tpu.memory_space<vmem>>
    %dma_wait3A_967 = tpu.memref_squeeze %dma_wait3A_966 : memref<1x8x3xf32, #tpu.memory_space<vmem>> -> memref<8x3xf32, #tpu.memory_space<vmem>>
    %dma_wait3A_968 = arith.constant 0 : i32
    %dma_wait3A_969 = tpu.memref_slice %arg2[%multiple_of3A, %dma_wait3A_968] : memref<100000x3xf32, #tpu.memory_space<hbm>> -> memref<8x3xf32, #tpu.memory_space<hbm>>
    %dma_wait3A_970 = arith.constant 0 : i32
    %dma_wait3A_971 = arith.constant 0 : i32
    %dma_wait3A_972 = tpu.memref_slice %arg6[%dma_wait3A, %dma_wait3A_970, %dma_wait3A_971] : memref<32x8x3xf32, #tpu.memory_space<vmem>> -> memref<1x8x3xf32, #tpu.memory_space<vmem>>
    %dma_wait3A_973 = tpu.memref_squeeze %dma_wait3A_972 : memref<1x8x3xf32, #tpu.memory_space<vmem>> -> memref<8x3xf32, #tpu.memory_space<vmem>>
    %dma_wait3A_974 = arith.constant 0 : i32
    %dma_wait3A_975 = tpu.memref_slice %arg2[%multiple_of3A, %dma_wait3A_974] : memref<100000x3xf32, #tpu.memory_space<hbm>> -> memref<8x3xf32, #tpu.memory_space<hbm>>
    tpu.wait_dma2 semaphore(%arg8 : memref<!tpu.dma_semaphore, #tpu.memory_space<semaphore_mem>>) src(%dma_wait3A_975 : memref<8x3xf32, #tpu.memory_space<hbm>>) dst(%dma_wait3A_973 : memref<8x3xf32, #tpu.memory_space<vmem>>)
    %dma_wait3A_976 = arith.constant 1 : i32
    %dma_wait3A_977 = arith.constant 0 : i32
    %dma_wait3A_978 = arith.constant 0 : i32
    %dma_wait3A_979 = tpu.memref_slice %arg6[%dma_wait3A_976, %dma_wait3A_977, %dma_wait3A_978] : memref<32x8x3xf32, #tpu.memory_space<vmem>> -> memref<1x8x3xf32, #tpu.memory_space<vmem>>
    %dma_wait3A_980 = tpu.memref_squeeze %dma_wait3A_979 : memref<1x8x3xf32, #tpu.memory_space<vmem>> -> memref<8x3xf32, #tpu.memory_space<vmem>>
    %dma_wait3A_981 = arith.constant 0 : i32
    %dma_wait3A_982 = tpu.memref_slice %arg2[%multiple_of3A_50, %dma_wait3A_981] : memref<100000x3xf32, #tpu.memory_space<hbm>> -> memref<8x3xf32, #tpu.memory_space<hbm>>
    %dma_wait3A_983 = arith.constant 0 : i32
    %dma_wait3A_984 = arith.constant 0 : i32
    %dma_wait3A_985 = tpu.memref_slice %arg6[%dma_wait3A_976, %dma_wait3A_983, %dma_wait3A_984] : memref<32x8x3xf32, #tpu.memory_space<vmem>> -> memref<1x8x3xf32, #tpu.memory_space<vmem>>
    %dma_wait3A_986 = tpu.memref_squeeze %dma_wait3A_985 : memref<1x8x3xf32, #tpu.memory_space<vmem>> -> memref<8x3xf32, #tpu.memory_space<vmem>>
    %dma_wait3A_987 = arith.constant 0 : i32
    %dma_wait3A_988 = tpu.memref_slice %arg2[%multiple_of3A_50, %dma_wait3A_987] : memref<100000x3xf32, #tpu.memory_space<hbm>> -> memref<8x3xf32, #tpu.memory_space<hbm>>
    tpu.wait_dma2 semaphore(%arg8 : memref<!tpu.dma_semaphore, #tpu.memory_space<semaphore_mem>>) src(%dma_wait3A_988 : memref<8x3xf32, #tpu.memory_space<hbm>>) dst(%dma_wait3A_986 : memref<8x3xf32, #tpu.memory_space<vmem>>)
    %dma_wait3A_989 = arith.constant 2 : i32
    %dma_wait3A_990 = arith.constant 0 : i32
    %dma_wait3A_991 = arith.constant 0 : i32
    %dma_wait3A_992 = tpu.memref_slice %arg6[%dma_wait3A_989, %dma_wait3A_990, %dma_wait3A_991] : memref<32x8x3xf32, #tpu.memory_space<vmem>> -> memref<1x8x3xf32, #tpu.memory_space<vmem>>
    %dma_wait3A_993 = tpu.memref_squeeze %dma_wait3A_992 : memref<1x8x3xf32, #tpu.memory_space<vmem>> -> memref<8x3xf32, #tpu.memory_space<vmem>>
    %dma_wait3A_994 = arith.constant 0 : i32
    %dma_wait3A_995 = tpu.memref_slice %arg2[%multiple_of3A_80, %dma_wait3A_994] : memref<100000x3xf32, #tpu.memory_space<hbm>> -> memref<8x3xf32, #tpu.memory_space<hbm>>
    %dma_wait3A_996 = arith.constant 0 : i32
    %dma_wait3A_997 = arith.constant 0 : i32
    %dma_wait3A_998 = tpu.memref_slice %arg6[%dma_wait3A_989, %dma_wait3A_996, %dma_wait3A_997] : memref<32x8x3xf32, #tpu.memory_space<vmem>> -> memref<1x8x3xf32, #tpu.memory_space<vmem>>
    %dma_wait3A_999 = tpu.memref_squeeze %dma_wait3A_998 : memref<1x8x3xf32, #tpu.memory_space<vmem>> -> memref<8x3xf32, #tpu.memory_space<vmem>>
    %dma_wait3A_1000 = arith.constant 0 : i32
    %dma_wait3A_1001 = tpu.memref_slice %arg2[%multiple_of3A_80, %dma_wait3A_1000] : memref<100000x3xf32, #tpu.memory_space<hbm>> -> memref<8x3xf32, #tpu.memory_space<hbm>>
    tpu.wait_dma2 semaphore(%arg8 : memref<!tpu.dma_semaphore, #tpu.memory_space<semaphore_mem>>) src(%dma_wait3A_1001 : memref<8x3xf32, #tpu.memory_space<hbm>>) dst(%dma_wait3A_999 : memref<8x3xf32, #tpu.memory_space<vmem>>)
    %dma_wait3A_1002 = arith.constant 3 : i32
    %dma_wait3A_1003 = arith.constant 0 : i32
    %dma_wait3A_1004 = arith.constant 0 : i32
    %dma_wait3A_1005 = tpu.memref_slice %arg6[%dma_wait3A_1002, %dma_wait3A_1003, %dma_wait3A_1004] : memref<32x8x3xf32, #tpu.memory_space<vmem>> -> memref<1x8x3xf32, #tpu.memory_space<vmem>>
    %dma_wait3A_1006 = tpu.memref_squeeze %dma_wait3A_1005 : memref<1x8x3xf32, #tpu.memory_space<vmem>> -> memref<8x3xf32, #tpu.memory_space<vmem>>
    %dma_wait3A_1007 = arith.constant 0 : i32
    %dma_wait3A_1008 = tpu.memref_slice %arg2[%multiple_of3A_110, %dma_wait3A_1007] : memref<100000x3xf32, #tpu.memory_space<hbm>> -> memref<8x3xf32, #tpu.memory_space<hbm>>
    %dma_wait3A_1009 = arith.constant 0 : i32
    %dma_wait3A_1010 = arith.constant 0 : i32
    %dma_wait3A_1011 = tpu.memref_slice %arg6[%dma_wait3A_1002, %dma_wait3A_1009, %dma_wait3A_1010] : memref<32x8x3xf32, #tpu.memory_space<vmem>> -> memref<1x8x3xf32, #tpu.memory_space<vmem>>
    %dma_wait3A_1012 = tpu.memref_squeeze %dma_wait3A_1011 : memref<1x8x3xf32, #tpu.memory_space<vmem>> -> memref<8x3xf32, #tpu.memory_space<vmem>>
    %dma_wait3A_1013 = arith.constant 0 : i32
    %dma_wait3A_1014 = tpu.memref_slice %arg2[%multiple_of3A_110, %dma_wait3A_1013] : memref<100000x3xf32, #tpu.memory_space<hbm>> -> memref<8x3xf32, #tpu.memory_space<hbm>>
    tpu.wait_dma2 semaphore(%arg8 : memref<!tpu.dma_semaphore, #tpu.memory_space<semaphore_mem>>) src(%dma_wait3A_1014 : memref<8x3xf32, #tpu.memory_space<hbm>>) dst(%dma_wait3A_1012 : memref<8x3xf32, #tpu.memory_space<vmem>>)
    %dma_wait3A_1015 = arith.constant 4 : i32
    %dma_wait3A_1016 = arith.constant 0 : i32
    %dma_wait3A_1017 = arith.constant 0 : i32
    %dma_wait3A_1018 = tpu.memref_slice %arg6[%dma_wait3A_1015, %dma_wait3A_1016, %dma_wait3A_1017] : memref<32x8x3xf32, #tpu.memory_space<vmem>> -> memref<1x8x3xf32, #tpu.memory_space<vmem>>
    %dma_wait3A_1019 = tpu.memref_squeeze %dma_wait3A_1018 : memref<1x8x3xf32, #tpu.memory_space<vmem>> -> memref<8x3xf32, #tpu.memory_space<vmem>>
    %dma_wait3A_1020 = arith.constant 0 : i32
    %dma_wait3A_1021 = tpu.memref_slice %arg2[%multiple_of3A_140, %dma_wait3A_1020] : memref<100000x3xf32, #tpu.memory_space<hbm>> -> memref<8x3xf32, #tpu.memory_space<hbm>>
    %dma_wait3A_1022 = arith.constant 0 : i32
    %dma_wait3A_1023 = arith.constant 0 : i32
    %dma_wait3A_1024 = tpu.memref_slice %arg6[%dma_wait3A_1015, %dma_wait3A_1022, %dma_wait3A_1023] : memref<32x8x3xf32, #tpu.memory_space<vmem>> -> memref<1x8x3xf32, #tpu.memory_space<vmem>>
    %dma_wait3A_1025 = tpu.memref_squeeze %dma_wait3A_1024 : memref<1x8x3xf32, #tpu.memory_space<vmem>> -> memref<8x3xf32, #tpu.memory_space<vmem>>
    %dma_wait3A_1026 = arith.constant 0 : i32
    %dma_wait3A_1027 = tpu.memref_slice %arg2[%multiple_of3A_140, %dma_wait3A_1026] : memref<100000x3xf32, #tpu.memory_space<hbm>> -> memref<8x3xf32, #tpu.memory_space<hbm>>
    tpu.wait_dma2 semaphore(%arg8 : memref<!tpu.dma_semaphore, #tpu.memory_space<semaphore_mem>>) src(%dma_wait3A_1027 : memref<8x3xf32, #tpu.memory_space<hbm>>) dst(%dma_wait3A_1025 : memref<8x3xf32, #tpu.memory_space<vmem>>)
    %dma_wait3A_1028 = arith.constant 5 : i32
    %dma_wait3A_1029 = arith.constant 0 : i32
    %dma_wait3A_1030 = arith.constant 0 : i32
    %dma_wait3A_1031 = tpu.memref_slice %arg6[%dma_wait3A_1028, %dma_wait3A_1029, %dma_wait3A_1030] : memref<32x8x3xf32, #tpu.memory_space<vmem>> -> memref<1x8x3xf32, #tpu.memory_space<vmem>>
    %dma_wait3A_1032 = tpu.memref_squeeze %dma_wait3A_1031 : memref<1x8x3xf32, #tpu.memory_space<vmem>> -> memref<8x3xf32, #tpu.memory_space<vmem>>
    %dma_wait3A_1033 = arith.constant 0 : i32
    %dma_wait3A_1034 = tpu.memref_slice %arg2[%multiple_of3A_170, %dma_wait3A_1033] : memref<100000x3xf32, #tpu.memory_space<hbm>> -> memref<8x3xf32, #tpu.memory_space<hbm>>
    %dma_wait3A_1035 = arith.constant 0 : i32
    %dma_wait3A_1036 = arith.constant 0 : i32
    %dma_wait3A_1037 = tpu.memref_slice %arg6[%dma_wait3A_1028, %dma_wait3A_1035, %dma_wait3A_1036] : memref<32x8x3xf32, #tpu.memory_space<vmem>> -> memref<1x8x3xf32, #tpu.memory_space<vmem>>
    %dma_wait3A_1038 = tpu.memref_squeeze %dma_wait3A_1037 : memref<1x8x3xf32, #tpu.memory_space<vmem>> -> memref<8x3xf32, #tpu.memory_space<vmem>>
    %dma_wait3A_1039 = arith.constant 0 : i32
    %dma_wait3A_1040 = tpu.memref_slice %arg2[%multiple_of3A_170, %dma_wait3A_1039] : memref<100000x3xf32, #tpu.memory_space<hbm>> -> memref<8x3xf32, #tpu.memory_space<hbm>>
    tpu.wait_dma2 semaphore(%arg8 : memref<!tpu.dma_semaphore, #tpu.memory_space<semaphore_mem>>) src(%dma_wait3A_1040 : memref<8x3xf32, #tpu.memory_space<hbm>>) dst(%dma_wait3A_1038 : memref<8x3xf32, #tpu.memory_space<vmem>>)
    %dma_wait3A_1041 = arith.constant 6 : i32
    %dma_wait3A_1042 = arith.constant 0 : i32
    %dma_wait3A_1043 = arith.constant 0 : i32
    %dma_wait3A_1044 = tpu.memref_slice %arg6[%dma_wait3A_1041, %dma_wait3A_1042, %dma_wait3A_1043] : memref<32x8x3xf32, #tpu.memory_space<vmem>> -> memref<1x8x3xf32, #tpu.memory_space<vmem>>
    %dma_wait3A_1045 = tpu.memref_squeeze %dma_wait3A_1044 : memref<1x8x3xf32, #tpu.memory_space<vmem>> -> memref<8x3xf32, #tpu.memory_space<vmem>>
    %dma_wait3A_1046 = arith.constant 0 : i32
    %dma_wait3A_1047 = tpu.memref_slice %arg2[%multiple_of3A_200, %dma_wait3A_1046] : memref<100000x3xf32, #tpu.memory_space<hbm>> -> memref<8x3xf32, #tpu.memory_space<hbm>>
    %dma_wait3A_1048 = arith.constant 0 : i32
    %dma_wait3A_1049 = arith.constant 0 : i32
    %dma_wait3A_1050 = tpu.memref_slice %arg6[%dma_wait3A_1041, %dma_wait3A_1048, %dma_wait3A_1049] : memref<32x8x3xf32, #tpu.memory_space<vmem>> -> memref<1x8x3xf32, #tpu.memory_space<vmem>>
    %dma_wait3A_1051 = tpu.memref_squeeze %dma_wait3A_1050 : memref<1x8x3xf32, #tpu.memory_space<vmem>> -> memref<8x3xf32, #tpu.memory_space<vmem>>
    %dma_wait3A_1052 = arith.constant 0 : i32
    %dma_wait3A_1053 = tpu.memref_slice %arg2[%multiple_of3A_200, %dma_wait3A_1052] : memref<100000x3xf32, #tpu.memory_space<hbm>> -> memref<8x3xf32, #tpu.memory_space<hbm>>
    tpu.wait_dma2 semaphore(%arg8 : memref<!tpu.dma_semaphore, #tpu.memory_space<semaphore_mem>>) src(%dma_wait3A_1053 : memref<8x3xf32, #tpu.memory_space<hbm>>) dst(%dma_wait3A_1051 : memref<8x3xf32, #tpu.memory_space<vmem>>)
    %dma_wait3A_1054 = arith.constant 7 : i32
    %dma_wait3A_1055 = arith.constant 0 : i32
    %dma_wait3A_1056 = arith.constant 0 : i32
    %dma_wait3A_1057 = tpu.memref_slice %arg6[%dma_wait3A_1054, %dma_wait3A_1055, %dma_wait3A_1056] : memref<32x8x3xf32, #tpu.memory_space<vmem>> -> memref<1x8x3xf32, #tpu.memory_space<vmem>>
    %dma_wait3A_1058 = tpu.memref_squeeze %dma_wait3A_1057 : memref<1x8x3xf32, #tpu.memory_space<vmem>> -> memref<8x3xf32, #tpu.memory_space<vmem>>
    %dma_wait3A_1059 = arith.constant 0 : i32
    %dma_wait3A_1060 = tpu.memref_slice %arg2[%multiple_of3A_230, %dma_wait3A_1059] : memref<100000x3xf32, #tpu.memory_space<hbm>> -> memref<8x3xf32, #tpu.memory_space<hbm>>
    %dma_wait3A_1061 = arith.constant 0 : i32
    %dma_wait3A_1062 = arith.constant 0 : i32
    %dma_wait3A_1063 = tpu.memref_slice %arg6[%dma_wait3A_1054, %dma_wait3A_1061, %dma_wait3A_1062] : memref<32x8x3xf32, #tpu.memory_space<vmem>> -> memref<1x8x3xf32, #tpu.memory_space<vmem>>
    %dma_wait3A_1064 = tpu.memref_squeeze %dma_wait3A_1063 : memref<1x8x3xf32, #tpu.memory_space<vmem>> -> memref<8x3xf32, #tpu.memory_space<vmem>>
    %dma_wait3A_1065 = arith.constant 0 : i32
    %dma_wait3A_1066 = tpu.memref_slice %arg2[%multiple_of3A_230, %dma_wait3A_1065] : memref<100000x3xf32, #tpu.memory_space<hbm>> -> memref<8x3xf32, #tpu.memory_space<hbm>>
    tpu.wait_dma2 semaphore(%arg8 : memref<!tpu.dma_semaphore, #tpu.memory_space<semaphore_mem>>) src(%dma_wait3A_1066 : memref<8x3xf32, #tpu.memory_space<hbm>>) dst(%dma_wait3A_1064 : memref<8x3xf32, #tpu.memory_space<vmem>>)
    %dma_wait3A_1067 = arith.constant 8 : i32
    %dma_wait3A_1068 = arith.constant 0 : i32
    %dma_wait3A_1069 = arith.constant 0 : i32
    %dma_wait3A_1070 = tpu.memref_slice %arg6[%dma_wait3A_1067, %dma_wait3A_1068, %dma_wait3A_1069] : memref<32x8x3xf32, #tpu.memory_space<vmem>> -> memref<1x8x3xf32, #tpu.memory_space<vmem>>
    %dma_wait3A_1071 = tpu.memref_squeeze %dma_wait3A_1070 : memref<1x8x3xf32, #tpu.memory_space<vmem>> -> memref<8x3xf32, #tpu.memory_space<vmem>>
    %dma_wait3A_1072 = arith.constant 0 : i32
    %dma_wait3A_1073 = tpu.memref_slice %arg2[%multiple_of3A_260, %dma_wait3A_1072] : memref<100000x3xf32, #tpu.memory_space<hbm>> -> memref<8x3xf32, #tpu.memory_space<hbm>>
    %dma_wait3A_1074 = arith.constant 0 : i32
    %dma_wait3A_1075 = arith.constant 0 : i32
    %dma_wait3A_1076 = tpu.memref_slice %arg6[%dma_wait3A_1067, %dma_wait3A_1074, %dma_wait3A_1075] : memref<32x8x3xf32, #tpu.memory_space<vmem>> -> memref<1x8x3xf32, #tpu.memory_space<vmem>>
    %dma_wait3A_1077 = tpu.memref_squeeze %dma_wait3A_1076 : memref<1x8x3xf32, #tpu.memory_space<vmem>> -> memref<8x3xf32, #tpu.memory_space<vmem>>
    %dma_wait3A_1078 = arith.constant 0 : i32
    %dma_wait3A_1079 = tpu.memref_slice %arg2[%multiple_of3A_260, %dma_wait3A_1078] : memref<100000x3xf32, #tpu.memory_space<hbm>> -> memref<8x3xf32, #tpu.memory_space<hbm>>
    tpu.wait_dma2 semaphore(%arg8 : memref<!tpu.dma_semaphore, #tpu.memory_space<semaphore_mem>>) src(%dma_wait3A_1079 : memref<8x3xf32, #tpu.memory_space<hbm>>) dst(%dma_wait3A_1077 : memref<8x3xf32, #tpu.memory_space<vmem>>)
    %dma_wait3A_1080 = arith.constant 9 : i32
    %dma_wait3A_1081 = arith.constant 0 : i32
    %dma_wait3A_1082 = arith.constant 0 : i32
    %dma_wait3A_1083 = tpu.memref_slice %arg6[%dma_wait3A_1080, %dma_wait3A_1081, %dma_wait3A_1082] : memref<32x8x3xf32, #tpu.memory_space<vmem>> -> memref<1x8x3xf32, #tpu.memory_space<vmem>>
    %dma_wait3A_1084 = tpu.memref_squeeze %dma_wait3A_1083 : memref<1x8x3xf32, #tpu.memory_space<vmem>> -> memref<8x3xf32, #tpu.memory_space<vmem>>
    %dma_wait3A_1085 = arith.constant 0 : i32
    %dma_wait3A_1086 = tpu.memref_slice %arg2[%multiple_of3A_290, %dma_wait3A_1085] : memref<100000x3xf32, #tpu.memory_space<hbm>> -> memref<8x3xf32, #tpu.memory_space<hbm>>
    %dma_wait3A_1087 = arith.constant 0 : i32
    %dma_wait3A_1088 = arith.constant 0 : i32
    %dma_wait3A_1089 = tpu.memref_slice %arg6[%dma_wait3A_1080, %dma_wait3A_1087, %dma_wait3A_1088] : memref<32x8x3xf32, #tpu.memory_space<vmem>> -> memref<1x8x3xf32, #tpu.memory_space<vmem>>
    %dma_wait3A_1090 = tpu.memref_squeeze %dma_wait3A_1089 : memref<1x8x3xf32, #tpu.memory_space<vmem>> -> memref<8x3xf32, #tpu.memory_space<vmem>>
    %dma_wait3A_1091 = arith.constant 0 : i32
    %dma_wait3A_1092 = tpu.memref_slice %arg2[%multiple_of3A_290, %dma_wait3A_1091] : memref<100000x3xf32, #tpu.memory_space<hbm>> -> memref<8x3xf32, #tpu.memory_space<hbm>>
    tpu.wait_dma2 semaphore(%arg8 : memref<!tpu.dma_semaphore, #tpu.memory_space<semaphore_mem>>) src(%dma_wait3A_1092 : memref<8x3xf32, #tpu.memory_space<hbm>>) dst(%dma_wait3A_1090 : memref<8x3xf32, #tpu.memory_space<vmem>>)
    %dma_wait3A_1093 = arith.constant 10 : i32
    %dma_wait3A_1094 = arith.constant 0 : i32
    %dma_wait3A_1095 = arith.constant 0 : i32
    %dma_wait3A_1096 = tpu.memref_slice %arg6[%dma_wait3A_1093, %dma_wait3A_1094, %dma_wait3A_1095] : memref<32x8x3xf32, #tpu.memory_space<vmem>> -> memref<1x8x3xf32, #tpu.memory_space<vmem>>
    %dma_wait3A_1097 = tpu.memref_squeeze %dma_wait3A_1096 : memref<1x8x3xf32, #tpu.memory_space<vmem>> -> memref<8x3xf32, #tpu.memory_space<vmem>>
    %dma_wait3A_1098 = arith.constant 0 : i32
    %dma_wait3A_1099 = tpu.memref_slice %arg2[%multiple_of3A_320, %dma_wait3A_1098] : memref<100000x3xf32, #tpu.memory_space<hbm>> -> memref<8x3xf32, #tpu.memory_space<hbm>>
    %dma_wait3A_1100 = arith.constant 0 : i32
    %dma_wait3A_1101 = arith.constant 0 : i32
    %dma_wait3A_1102 = tpu.memref_slice %arg6[%dma_wait3A_1093, %dma_wait3A_1100, %dma_wait3A_1101] : memref<32x8x3xf32, #tpu.memory_space<vmem>> -> memref<1x8x3xf32, #tpu.memory_space<vmem>>
    %dma_wait3A_1103 = tpu.memref_squeeze %dma_wait3A_1102 : memref<1x8x3xf32, #tpu.memory_space<vmem>> -> memref<8x3xf32, #tpu.memory_space<vmem>>
    %dma_wait3A_1104 = arith.constant 0 : i32
    %dma_wait3A_1105 = tpu.memref_slice %arg2[%multiple_of3A_320, %dma_wait3A_1104] : memref<100000x3xf32, #tpu.memory_space<hbm>> -> memref<8x3xf32, #tpu.memory_space<hbm>>
    tpu.wait_dma2 semaphore(%arg8 : memref<!tpu.dma_semaphore, #tpu.memory_space<semaphore_mem>>) src(%dma_wait3A_1105 : memref<8x3xf32, #tpu.memory_space<hbm>>) dst(%dma_wait3A_1103 : memref<8x3xf32, #tpu.memory_space<vmem>>)
    %dma_wait3A_1106 = arith.constant 11 : i32
    %dma_wait3A_1107 = arith.constant 0 : i32
    %dma_wait3A_1108 = arith.constant 0 : i32
    %dma_wait3A_1109 = tpu.memref_slice %arg6[%dma_wait3A_1106, %dma_wait3A_1107, %dma_wait3A_1108] : memref<32x8x3xf32, #tpu.memory_space<vmem>> -> memref<1x8x3xf32, #tpu.memory_space<vmem>>
    %dma_wait3A_1110 = tpu.memref_squeeze %dma_wait3A_1109 : memref<1x8x3xf32, #tpu.memory_space<vmem>> -> memref<8x3xf32, #tpu.memory_space<vmem>>
    %dma_wait3A_1111 = arith.constant 0 : i32
    %dma_wait3A_1112 = tpu.memref_slice %arg2[%multiple_of3A_350, %dma_wait3A_1111] : memref<100000x3xf32, #tpu.memory_space<hbm>> -> memref<8x3xf32, #tpu.memory_space<hbm>>
    %dma_wait3A_1113 = arith.constant 0 : i32
    %dma_wait3A_1114 = arith.constant 0 : i32
    %dma_wait3A_1115 = tpu.memref_slice %arg6[%dma_wait3A_1106, %dma_wait3A_1113, %dma_wait3A_1114] : memref<32x8x3xf32, #tpu.memory_space<vmem>> -> memref<1x8x3xf32, #tpu.memory_space<vmem>>
    %dma_wait3A_1116 = tpu.memref_squeeze %dma_wait3A_1115 : memref<1x8x3xf32, #tpu.memory_space<vmem>> -> memref<8x3xf32, #tpu.memory_space<vmem>>
    %dma_wait3A_1117 = arith.constant 0 : i32
    %dma_wait3A_1118 = tpu.memref_slice %arg2[%multiple_of3A_350, %dma_wait3A_1117] : memref<100000x3xf32, #tpu.memory_space<hbm>> -> memref<8x3xf32, #tpu.memory_space<hbm>>
    tpu.wait_dma2 semaphore(%arg8 : memref<!tpu.dma_semaphore, #tpu.memory_space<semaphore_mem>>) src(%dma_wait3A_1118 : memref<8x3xf32, #tpu.memory_space<hbm>>) dst(%dma_wait3A_1116 : memref<8x3xf32, #tpu.memory_space<vmem>>)
    %dma_wait3A_1119 = arith.constant 12 : i32
    %dma_wait3A_1120 = arith.constant 0 : i32
    %dma_wait3A_1121 = arith.constant 0 : i32
    %dma_wait3A_1122 = tpu.memref_slice %arg6[%dma_wait3A_1119, %dma_wait3A_1120, %dma_wait3A_1121] : memref<32x8x3xf32, #tpu.memory_space<vmem>> -> memref<1x8x3xf32, #tpu.memory_space<vmem>>
    %dma_wait3A_1123 = tpu.memref_squeeze %dma_wait3A_1122 : memref<1x8x3xf32, #tpu.memory_space<vmem>> -> memref<8x3xf32, #tpu.memory_space<vmem>>
    %dma_wait3A_1124 = arith.constant 0 : i32
    %dma_wait3A_1125 = tpu.memref_slice %arg2[%multiple_of3A_380, %dma_wait3A_1124] : memref<100000x3xf32, #tpu.memory_space<hbm>> -> memref<8x3xf32, #tpu.memory_space<hbm>>
    %dma_wait3A_1126 = arith.constant 0 : i32
    %dma_wait3A_1127 = arith.constant 0 : i32
    %dma_wait3A_1128 = tpu.memref_slice %arg6[%dma_wait3A_1119, %dma_wait3A_1126, %dma_wait3A_1127] : memref<32x8x3xf32, #tpu.memory_space<vmem>> -> memref<1x8x3xf32, #tpu.memory_space<vmem>>
    %dma_wait3A_1129 = tpu.memref_squeeze %dma_wait3A_1128 : memref<1x8x3xf32, #tpu.memory_space<vmem>> -> memref<8x3xf32, #tpu.memory_space<vmem>>
    %dma_wait3A_1130 = arith.constant 0 : i32
    %dma_wait3A_1131 = tpu.memref_slice %arg2[%multiple_of3A_380, %dma_wait3A_1130] : memref<100000x3xf32, #tpu.memory_space<hbm>> -> memref<8x3xf32, #tpu.memory_space<hbm>>
    tpu.wait_dma2 semaphore(%arg8 : memref<!tpu.dma_semaphore, #tpu.memory_space<semaphore_mem>>) src(%dma_wait3A_1131 : memref<8x3xf32, #tpu.memory_space<hbm>>) dst(%dma_wait3A_1129 : memref<8x3xf32, #tpu.memory_space<vmem>>)
    %dma_wait3A_1132 = arith.constant 13 : i32
    %dma_wait3A_1133 = arith.constant 0 : i32
    %dma_wait3A_1134 = arith.constant 0 : i32
    %dma_wait3A_1135 = tpu.memref_slice %arg6[%dma_wait3A_1132, %dma_wait3A_1133, %dma_wait3A_1134] : memref<32x8x3xf32, #tpu.memory_space<vmem>> -> memref<1x8x3xf32, #tpu.memory_space<vmem>>
    %dma_wait3A_1136 = tpu.memref_squeeze %dma_wait3A_1135 : memref<1x8x3xf32, #tpu.memory_space<vmem>> -> memref<8x3xf32, #tpu.memory_space<vmem>>
    %dma_wait3A_1137 = arith.constant 0 : i32
    %dma_wait3A_1138 = tpu.memref_slice %arg2[%multiple_of3A_410, %dma_wait3A_1137] : memref<100000x3xf32, #tpu.memory_space<hbm>> -> memref<8x3xf32, #tpu.memory_space<hbm>>
    %dma_wait3A_1139 = arith.constant 0 : i32
    %dma_wait3A_1140 = arith.constant 0 : i32
    %dma_wait3A_1141 = tpu.memref_slice %arg6[%dma_wait3A_1132, %dma_wait3A_1139, %dma_wait3A_1140] : memref<32x8x3xf32, #tpu.memory_space<vmem>> -> memref<1x8x3xf32, #tpu.memory_space<vmem>>
    %dma_wait3A_1142 = tpu.memref_squeeze %dma_wait3A_1141 : memref<1x8x3xf32, #tpu.memory_space<vmem>> -> memref<8x3xf32, #tpu.memory_space<vmem>>
    %dma_wait3A_1143 = arith.constant 0 : i32
    %dma_wait3A_1144 = tpu.memref_slice %arg2[%multiple_of3A_410, %dma_wait3A_1143] : memref<100000x3xf32, #tpu.memory_space<hbm>> -> memref<8x3xf32, #tpu.memory_space<hbm>>
    tpu.wait_dma2 semaphore(%arg8 : memref<!tpu.dma_semaphore, #tpu.memory_space<semaphore_mem>>) src(%dma_wait3A_1144 : memref<8x3xf32, #tpu.memory_space<hbm>>) dst(%dma_wait3A_1142 : memref<8x3xf32, #tpu.memory_space<vmem>>)
    %dma_wait3A_1145 = arith.constant 14 : i32
    %dma_wait3A_1146 = arith.constant 0 : i32
    %dma_wait3A_1147 = arith.constant 0 : i32
    %dma_wait3A_1148 = tpu.memref_slice %arg6[%dma_wait3A_1145, %dma_wait3A_1146, %dma_wait3A_1147] : memref<32x8x3xf32, #tpu.memory_space<vmem>> -> memref<1x8x3xf32, #tpu.memory_space<vmem>>
    %dma_wait3A_1149 = tpu.memref_squeeze %dma_wait3A_1148 : memref<1x8x3xf32, #tpu.memory_space<vmem>> -> memref<8x3xf32, #tpu.memory_space<vmem>>
    %dma_wait3A_1150 = arith.constant 0 : i32
    %dma_wait3A_1151 = tpu.memref_slice %arg2[%multiple_of3A_440, %dma_wait3A_1150] : memref<100000x3xf32, #tpu.memory_space<hbm>> -> memref<8x3xf32, #tpu.memory_space<hbm>>
    %dma_wait3A_1152 = arith.constant 0 : i32
    %dma_wait3A_1153 = arith.constant 0 : i32
    %dma_wait3A_1154 = tpu.memref_slice %arg6[%dma_wait3A_1145, %dma_wait3A_1152, %dma_wait3A_1153] : memref<32x8x3xf32, #tpu.memory_space<vmem>> -> memref<1x8x3xf32, #tpu.memory_space<vmem>>
    %dma_wait3A_1155 = tpu.memref_squeeze %dma_wait3A_1154 : memref<1x8x3xf32, #tpu.memory_space<vmem>> -> memref<8x3xf32, #tpu.memory_space<vmem>>
    %dma_wait3A_1156 = arith.constant 0 : i32
    %dma_wait3A_1157 = tpu.memref_slice %arg2[%multiple_of3A_440, %dma_wait3A_1156] : memref<100000x3xf32, #tpu.memory_space<hbm>> -> memref<8x3xf32, #tpu.memory_space<hbm>>
    tpu.wait_dma2 semaphore(%arg8 : memref<!tpu.dma_semaphore, #tpu.memory_space<semaphore_mem>>) src(%dma_wait3A_1157 : memref<8x3xf32, #tpu.memory_space<hbm>>) dst(%dma_wait3A_1155 : memref<8x3xf32, #tpu.memory_space<vmem>>)
    %dma_wait3A_1158 = arith.constant 15 : i32
    %dma_wait3A_1159 = arith.constant 0 : i32
    %dma_wait3A_1160 = arith.constant 0 : i32
    %dma_wait3A_1161 = tpu.memref_slice %arg6[%dma_wait3A_1158, %dma_wait3A_1159, %dma_wait3A_1160] : memref<32x8x3xf32, #tpu.memory_space<vmem>> -> memref<1x8x3xf32, #tpu.memory_space<vmem>>
    %dma_wait3A_1162 = tpu.memref_squeeze %dma_wait3A_1161 : memref<1x8x3xf32, #tpu.memory_space<vmem>> -> memref<8x3xf32, #tpu.memory_space<vmem>>
    %dma_wait3A_1163 = arith.constant 0 : i32
    %dma_wait3A_1164 = tpu.memref_slice %arg2[%multiple_of3A_470, %dma_wait3A_1163] : memref<100000x3xf32, #tpu.memory_space<hbm>> -> memref<8x3xf32, #tpu.memory_space<hbm>>
    %dma_wait3A_1165 = arith.constant 0 : i32
    %dma_wait3A_1166 = arith.constant 0 : i32
    %dma_wait3A_1167 = tpu.memref_slice %arg6[%dma_wait3A_1158, %dma_wait3A_1165, %dma_wait3A_1166] : memref<32x8x3xf32, #tpu.memory_space<vmem>> -> memref<1x8x3xf32, #tpu.memory_space<vmem>>
    %dma_wait3A_1168 = tpu.memref_squeeze %dma_wait3A_1167 : memref<1x8x3xf32, #tpu.memory_space<vmem>> -> memref<8x3xf32, #tpu.memory_space<vmem>>
    %dma_wait3A_1169 = arith.constant 0 : i32
    %dma_wait3A_1170 = tpu.memref_slice %arg2[%multiple_of3A_470, %dma_wait3A_1169] : memref<100000x3xf32, #tpu.memory_space<hbm>> -> memref<8x3xf32, #tpu.memory_space<hbm>>
    tpu.wait_dma2 semaphore(%arg8 : memref<!tpu.dma_semaphore, #tpu.memory_space<semaphore_mem>>) src(%dma_wait3A_1170 : memref<8x3xf32, #tpu.memory_space<hbm>>) dst(%dma_wait3A_1168 : memref<8x3xf32, #tpu.memory_space<vmem>>)
    %dma_wait3A_1171 = arith.constant 16 : i32
    %dma_wait3A_1172 = arith.constant 0 : i32
    %dma_wait3A_1173 = arith.constant 0 : i32
    %dma_wait3A_1174 = tpu.memref_slice %arg6[%dma_wait3A_1171, %dma_wait3A_1172, %dma_wait3A_1173] : memref<32x8x3xf32, #tpu.memory_space<vmem>> -> memref<1x8x3xf32, #tpu.memory_space<vmem>>
    %dma_wait3A_1175 = tpu.memref_squeeze %dma_wait3A_1174 : memref<1x8x3xf32, #tpu.memory_space<vmem>> -> memref<8x3xf32, #tpu.memory_space<vmem>>
    %dma_wait3A_1176 = arith.constant 0 : i32
    %dma_wait3A_1177 = tpu.memref_slice %arg2[%multiple_of3A_500, %dma_wait3A_1176] : memref<100000x3xf32, #tpu.memory_space<hbm>> -> memref<8x3xf32, #tpu.memory_space<hbm>>
    %dma_wait3A_1178 = arith.constant 0 : i32
    %dma_wait3A_1179 = arith.constant 0 : i32
    %dma_wait3A_1180 = tpu.memref_slice %arg6[%dma_wait3A_1171, %dma_wait3A_1178, %dma_wait3A_1179] : memref<32x8x3xf32, #tpu.memory_space<vmem>> -> memref<1x8x3xf32, #tpu.memory_space<vmem>>
    %dma_wait3A_1181 = tpu.memref_squeeze %dma_wait3A_1180 : memref<1x8x3xf32, #tpu.memory_space<vmem>> -> memref<8x3xf32, #tpu.memory_space<vmem>>
    %dma_wait3A_1182 = arith.constant 0 : i32
    %dma_wait3A_1183 = tpu.memref_slice %arg2[%multiple_of3A_500, %dma_wait3A_1182] : memref<100000x3xf32, #tpu.memory_space<hbm>> -> memref<8x3xf32, #tpu.memory_space<hbm>>
    tpu.wait_dma2 semaphore(%arg8 : memref<!tpu.dma_semaphore, #tpu.memory_space<semaphore_mem>>) src(%dma_wait3A_1183 : memref<8x3xf32, #tpu.memory_space<hbm>>) dst(%dma_wait3A_1181 : memref<8x3xf32, #tpu.memory_space<vmem>>)
    %dma_wait3A_1184 = arith.constant 17 : i32
    %dma_wait3A_1185 = arith.constant 0 : i32
    %dma_wait3A_1186 = arith.constant 0 : i32
    %dma_wait3A_1187 = tpu.memref_slice %arg6[%dma_wait3A_1184, %dma_wait3A_1185, %dma_wait3A_1186] : memref<32x8x3xf32, #tpu.memory_space<vmem>> -> memref<1x8x3xf32, #tpu.memory_space<vmem>>
    %dma_wait3A_1188 = tpu.memref_squeeze %dma_wait3A_1187 : memref<1x8x3xf32, #tpu.memory_space<vmem>> -> memref<8x3xf32, #tpu.memory_space<vmem>>
    %dma_wait3A_1189 = arith.constant 0 : i32
    %dma_wait3A_1190 = tpu.memref_slice %arg2[%multiple_of3A_530, %dma_wait3A_1189] : memref<100000x3xf32, #tpu.memory_space<hbm>> -> memref<8x3xf32, #tpu.memory_space<hbm>>
    %dma_wait3A_1191 = arith.constant 0 : i32
    %dma_wait3A_1192 = arith.constant 0 : i32
    %dma_wait3A_1193 = tpu.memref_slice %arg6[%dma_wait3A_1184, %dma_wait3A_1191, %dma_wait3A_1192] : memref<32x8x3xf32, #tpu.memory_space<vmem>> -> memref<1x8x3xf32, #tpu.memory_space<vmem>>
    %dma_wait3A_1194 = tpu.memref_squeeze %dma_wait3A_1193 : memref<1x8x3xf32, #tpu.memory_space<vmem>> -> memref<8x3xf32, #tpu.memory_space<vmem>>
    %dma_wait3A_1195 = arith.constant 0 : i32
    %dma_wait3A_1196 = tpu.memref_slice %arg2[%multiple_of3A_530, %dma_wait3A_1195] : memref<100000x3xf32, #tpu.memory_space<hbm>> -> memref<8x3xf32, #tpu.memory_space<hbm>>
    tpu.wait_dma2 semaphore(%arg8 : memref<!tpu.dma_semaphore, #tpu.memory_space<semaphore_mem>>) src(%dma_wait3A_1196 : memref<8x3xf32, #tpu.memory_space<hbm>>) dst(%dma_wait3A_1194 : memref<8x3xf32, #tpu.memory_space<vmem>>)
    %dma_wait3A_1197 = arith.constant 18 : i32
    %dma_wait3A_1198 = arith.constant 0 : i32
    %dma_wait3A_1199 = arith.constant 0 : i32
    %dma_wait3A_1200 = tpu.memref_slice %arg6[%dma_wait3A_1197, %dma_wait3A_1198, %dma_wait3A_1199] : memref<32x8x3xf32, #tpu.memory_space<vmem>> -> memref<1x8x3xf32, #tpu.memory_space<vmem>>
    %dma_wait3A_1201 = tpu.memref_squeeze %dma_wait3A_1200 : memref<1x8x3xf32, #tpu.memory_space<vmem>> -> memref<8x3xf32, #tpu.memory_space<vmem>>
    %dma_wait3A_1202 = arith.constant 0 : i32
    %dma_wait3A_1203 = tpu.memref_slice %arg2[%multiple_of3A_560, %dma_wait3A_1202] : memref<100000x3xf32, #tpu.memory_space<hbm>> -> memref<8x3xf32, #tpu.memory_space<hbm>>
    %dma_wait3A_1204 = arith.constant 0 : i32
    %dma_wait3A_1205 = arith.constant 0 : i32
    %dma_wait3A_1206 = tpu.memref_slice %arg6[%dma_wait3A_1197, %dma_wait3A_1204, %dma_wait3A_1205] : memref<32x8x3xf32, #tpu.memory_space<vmem>> -> memref<1x8x3xf32, #tpu.memory_space<vmem>>
    %dma_wait3A_1207 = tpu.memref_squeeze %dma_wait3A_1206 : memref<1x8x3xf32, #tpu.memory_space<vmem>> -> memref<8x3xf32, #tpu.memory_space<vmem>>
    %dma_wait3A_1208 = arith.constant 0 : i32
    %dma_wait3A_1209 = tpu.memref_slice %arg2[%multiple_of3A_560, %dma_wait3A_1208] : memref<100000x3xf32, #tpu.memory_space<hbm>> -> memref<8x3xf32, #tpu.memory_space<hbm>>
    tpu.wait_dma2 semaphore(%arg8 : memref<!tpu.dma_semaphore, #tpu.memory_space<semaphore_mem>>) src(%dma_wait3A_1209 : memref<8x3xf32, #tpu.memory_space<hbm>>) dst(%dma_wait3A_1207 : memref<8x3xf32, #tpu.memory_space<vmem>>)
    %dma_wait3A_1210 = arith.constant 19 : i32
    %dma_wait3A_1211 = arith.constant 0 : i32
    %dma_wait3A_1212 = arith.constant 0 : i32
    %dma_wait3A_1213 = tpu.memref_slice %arg6[%dma_wait3A_1210, %dma_wait3A_1211, %dma_wait3A_1212] : memref<32x8x3xf32, #tpu.memory_space<vmem>> -> memref<1x8x3xf32, #tpu.memory_space<vmem>>
    %dma_wait3A_1214 = tpu.memref_squeeze %dma_wait3A_1213 : memref<1x8x3xf32, #tpu.memory_space<vmem>> -> memref<8x3xf32, #tpu.memory_space<vmem>>
    %dma_wait3A_1215 = arith.constant 0 : i32
    %dma_wait3A_1216 = tpu.memref_slice %arg2[%multiple_of3A_590, %dma_wait3A_1215] : memref<100000x3xf32, #tpu.memory_space<hbm>> -> memref<8x3xf32, #tpu.memory_space<hbm>>
    %dma_wait3A_1217 = arith.constant 0 : i32
    %dma_wait3A_1218 = arith.constant 0 : i32
    %dma_wait3A_1219 = tpu.memref_slice %arg6[%dma_wait3A_1210, %dma_wait3A_1217, %dma_wait3A_1218] : memref<32x8x3xf32, #tpu.memory_space<vmem>> -> memref<1x8x3xf32, #tpu.memory_space<vmem>>
    %dma_wait3A_1220 = tpu.memref_squeeze %dma_wait3A_1219 : memref<1x8x3xf32, #tpu.memory_space<vmem>> -> memref<8x3xf32, #tpu.memory_space<vmem>>
    %dma_wait3A_1221 = arith.constant 0 : i32
    %dma_wait3A_1222 = tpu.memref_slice %arg2[%multiple_of3A_590, %dma_wait3A_1221] : memref<100000x3xf32, #tpu.memory_space<hbm>> -> memref<8x3xf32, #tpu.memory_space<hbm>>
    tpu.wait_dma2 semaphore(%arg8 : memref<!tpu.dma_semaphore, #tpu.memory_space<semaphore_mem>>) src(%dma_wait3A_1222 : memref<8x3xf32, #tpu.memory_space<hbm>>) dst(%dma_wait3A_1220 : memref<8x3xf32, #tpu.memory_space<vmem>>)
    %dma_wait3A_1223 = arith.constant 20 : i32
    %dma_wait3A_1224 = arith.constant 0 : i32
    %dma_wait3A_1225 = arith.constant 0 : i32
    %dma_wait3A_1226 = tpu.memref_slice %arg6[%dma_wait3A_1223, %dma_wait3A_1224, %dma_wait3A_1225] : memref<32x8x3xf32, #tpu.memory_space<vmem>> -> memref<1x8x3xf32, #tpu.memory_space<vmem>>
    %dma_wait3A_1227 = tpu.memref_squeeze %dma_wait3A_1226 : memref<1x8x3xf32, #tpu.memory_space<vmem>> -> memref<8x3xf32, #tpu.memory_space<vmem>>
    %dma_wait3A_1228 = arith.constant 0 : i32
    %dma_wait3A_1229 = tpu.memref_slice %arg2[%multiple_of3A_620, %dma_wait3A_1228] : memref<100000x3xf32, #tpu.memory_space<hbm>> -> memref<8x3xf32, #tpu.memory_space<hbm>>
    %dma_wait3A_1230 = arith.constant 0 : i32
    %dma_wait3A_1231 = arith.constant 0 : i32
    %dma_wait3A_1232 = tpu.memref_slice %arg6[%dma_wait3A_1223, %dma_wait3A_1230, %dma_wait3A_1231] : memref<32x8x3xf32, #tpu.memory_space<vmem>> -> memref<1x8x3xf32, #tpu.memory_space<vmem>>
    %dma_wait3A_1233 = tpu.memref_squeeze %dma_wait3A_1232 : memref<1x8x3xf32, #tpu.memory_space<vmem>> -> memref<8x3xf32, #tpu.memory_space<vmem>>
    %dma_wait3A_1234 = arith.constant 0 : i32
    %dma_wait3A_1235 = tpu.memref_slice %arg2[%multiple_of3A_620, %dma_wait3A_1234] : memref<100000x3xf32, #tpu.memory_space<hbm>> -> memref<8x3xf32, #tpu.memory_space<hbm>>
    tpu.wait_dma2 semaphore(%arg8 : memref<!tpu.dma_semaphore, #tpu.memory_space<semaphore_mem>>) src(%dma_wait3A_1235 : memref<8x3xf32, #tpu.memory_space<hbm>>) dst(%dma_wait3A_1233 : memref<8x3xf32, #tpu.memory_space<vmem>>)
    %dma_wait3A_1236 = arith.constant 21 : i32
    %dma_wait3A_1237 = arith.constant 0 : i32
    %dma_wait3A_1238 = arith.constant 0 : i32
    %dma_wait3A_1239 = tpu.memref_slice %arg6[%dma_wait3A_1236, %dma_wait3A_1237, %dma_wait3A_1238] : memref<32x8x3xf32, #tpu.memory_space<vmem>> -> memref<1x8x3xf32, #tpu.memory_space<vmem>>
    %dma_wait3A_1240 = tpu.memref_squeeze %dma_wait3A_1239 : memref<1x8x3xf32, #tpu.memory_space<vmem>> -> memref<8x3xf32, #tpu.memory_space<vmem>>
    %dma_wait3A_1241 = arith.constant 0 : i32
    %dma_wait3A_1242 = tpu.memref_slice %arg2[%multiple_of3A_650, %dma_wait3A_1241] : memref<100000x3xf32, #tpu.memory_space<hbm>> -> memref<8x3xf32, #tpu.memory_space<hbm>>
    %dma_wait3A_1243 = arith.constant 0 : i32
    %dma_wait3A_1244 = arith.constant 0 : i32
    %dma_wait3A_1245 = tpu.memref_slice %arg6[%dma_wait3A_1236, %dma_wait3A_1243, %dma_wait3A_1244] : memref<32x8x3xf32, #tpu.memory_space<vmem>> -> memref<1x8x3xf32, #tpu.memory_space<vmem>>
    %dma_wait3A_1246 = tpu.memref_squeeze %dma_wait3A_1245 : memref<1x8x3xf32, #tpu.memory_space<vmem>> -> memref<8x3xf32, #tpu.memory_space<vmem>>
    %dma_wait3A_1247 = arith.constant 0 : i32
    %dma_wait3A_1248 = tpu.memref_slice %arg2[%multiple_of3A_650, %dma_wait3A_1247] : memref<100000x3xf32, #tpu.memory_space<hbm>> -> memref<8x3xf32, #tpu.memory_space<hbm>>
    tpu.wait_dma2 semaphore(%arg8 : memref<!tpu.dma_semaphore, #tpu.memory_space<semaphore_mem>>) src(%dma_wait3A_1248 : memref<8x3xf32, #tpu.memory_space<hbm>>) dst(%dma_wait3A_1246 : memref<8x3xf32, #tpu.memory_space<vmem>>)
    %dma_wait3A_1249 = arith.constant 22 : i32
    %dma_wait3A_1250 = arith.constant 0 : i32
    %dma_wait3A_1251 = arith.constant 0 : i32
    %dma_wait3A_1252 = tpu.memref_slice %arg6[%dma_wait3A_1249, %dma_wait3A_1250, %dma_wait3A_1251] : memref<32x8x3xf32, #tpu.memory_space<vmem>> -> memref<1x8x3xf32, #tpu.memory_space<vmem>>
    %dma_wait3A_1253 = tpu.memref_squeeze %dma_wait3A_1252 : memref<1x8x3xf32, #tpu.memory_space<vmem>> -> memref<8x3xf32, #tpu.memory_space<vmem>>
    %dma_wait3A_1254 = arith.constant 0 : i32
    %dma_wait3A_1255 = tpu.memref_slice %arg2[%multiple_of3A_680, %dma_wait3A_1254] : memref<100000x3xf32, #tpu.memory_space<hbm>> -> memref<8x3xf32, #tpu.memory_space<hbm>>
    %dma_wait3A_1256 = arith.constant 0 : i32
    %dma_wait3A_1257 = arith.constant 0 : i32
    %dma_wait3A_1258 = tpu.memref_slice %arg6[%dma_wait3A_1249, %dma_wait3A_1256, %dma_wait3A_1257] : memref<32x8x3xf32, #tpu.memory_space<vmem>> -> memref<1x8x3xf32, #tpu.memory_space<vmem>>
    %dma_wait3A_1259 = tpu.memref_squeeze %dma_wait3A_1258 : memref<1x8x3xf32, #tpu.memory_space<vmem>> -> memref<8x3xf32, #tpu.memory_space<vmem>>
    %dma_wait3A_1260 = arith.constant 0 : i32
    %dma_wait3A_1261 = tpu.memref_slice %arg2[%multiple_of3A_680, %dma_wait3A_1260] : memref<100000x3xf32, #tpu.memory_space<hbm>> -> memref<8x3xf32, #tpu.memory_space<hbm>>
    tpu.wait_dma2 semaphore(%arg8 : memref<!tpu.dma_semaphore, #tpu.memory_space<semaphore_mem>>) src(%dma_wait3A_1261 : memref<8x3xf32, #tpu.memory_space<hbm>>) dst(%dma_wait3A_1259 : memref<8x3xf32, #tpu.memory_space<vmem>>)
    %dma_wait3A_1262 = arith.constant 23 : i32
    %dma_wait3A_1263 = arith.constant 0 : i32
    %dma_wait3A_1264 = arith.constant 0 : i32
    %dma_wait3A_1265 = tpu.memref_slice %arg6[%dma_wait3A_1262, %dma_wait3A_1263, %dma_wait3A_1264] : memref<32x8x3xf32, #tpu.memory_space<vmem>> -> memref<1x8x3xf32, #tpu.memory_space<vmem>>
    %dma_wait3A_1266 = tpu.memref_squeeze %dma_wait3A_1265 : memref<1x8x3xf32, #tpu.memory_space<vmem>> -> memref<8x3xf32, #tpu.memory_space<vmem>>
    %dma_wait3A_1267 = arith.constant 0 : i32
    %dma_wait3A_1268 = tpu.memref_slice %arg2[%multiple_of3A_710, %dma_wait3A_1267] : memref<100000x3xf32, #tpu.memory_space<hbm>> -> memref<8x3xf32, #tpu.memory_space<hbm>>
    %dma_wait3A_1269 = arith.constant 0 : i32
    %dma_wait3A_1270 = arith.constant 0 : i32
    %dma_wait3A_1271 = tpu.memref_slice %arg6[%dma_wait3A_1262, %dma_wait3A_1269, %dma_wait3A_1270] : memref<32x8x3xf32, #tpu.memory_space<vmem>> -> memref<1x8x3xf32, #tpu.memory_space<vmem>>
    %dma_wait3A_1272 = tpu.memref_squeeze %dma_wait3A_1271 : memref<1x8x3xf32, #tpu.memory_space<vmem>> -> memref<8x3xf32, #tpu.memory_space<vmem>>
    %dma_wait3A_1273 = arith.constant 0 : i32
    %dma_wait3A_1274 = tpu.memref_slice %arg2[%multiple_of3A_710, %dma_wait3A_1273] : memref<100000x3xf32, #tpu.memory_space<hbm>> -> memref<8x3xf32, #tpu.memory_space<hbm>>
    tpu.wait_dma2 semaphore(%arg8 : memref<!tpu.dma_semaphore, #tpu.memory_space<semaphore_mem>>) src(%dma_wait3A_1274 : memref<8x3xf32, #tpu.memory_space<hbm>>) dst(%dma_wait3A_1272 : memref<8x3xf32, #tpu.memory_space<vmem>>)
    %dma_wait3A_1275 = arith.constant 24 : i32
    %dma_wait3A_1276 = arith.constant 0 : i32
    %dma_wait3A_1277 = arith.constant 0 : i32
    %dma_wait3A_1278 = tpu.memref_slice %arg6[%dma_wait3A_1275, %dma_wait3A_1276, %dma_wait3A_1277] : memref<32x8x3xf32, #tpu.memory_space<vmem>> -> memref<1x8x3xf32, #tpu.memory_space<vmem>>
    %dma_wait3A_1279 = tpu.memref_squeeze %dma_wait3A_1278 : memref<1x8x3xf32, #tpu.memory_space<vmem>> -> memref<8x3xf32, #tpu.memory_space<vmem>>
    %dma_wait3A_1280 = arith.constant 0 : i32
    %dma_wait3A_1281 = tpu.memref_slice %arg2[%multiple_of3A_740, %dma_wait3A_1280] : memref<100000x3xf32, #tpu.memory_space<hbm>> -> memref<8x3xf32, #tpu.memory_space<hbm>>
    %dma_wait3A_1282 = arith.constant 0 : i32
    %dma_wait3A_1283 = arith.constant 0 : i32
    %dma_wait3A_1284 = tpu.memref_slice %arg6[%dma_wait3A_1275, %dma_wait3A_1282, %dma_wait3A_1283] : memref<32x8x3xf32, #tpu.memory_space<vmem>> -> memref<1x8x3xf32, #tpu.memory_space<vmem>>
    %dma_wait3A_1285 = tpu.memref_squeeze %dma_wait3A_1284 : memref<1x8x3xf32, #tpu.memory_space<vmem>> -> memref<8x3xf32, #tpu.memory_space<vmem>>
    %dma_wait3A_1286 = arith.constant 0 : i32
    %dma_wait3A_1287 = tpu.memref_slice %arg2[%multiple_of3A_740, %dma_wait3A_1286] : memref<100000x3xf32, #tpu.memory_space<hbm>> -> memref<8x3xf32, #tpu.memory_space<hbm>>
    tpu.wait_dma2 semaphore(%arg8 : memref<!tpu.dma_semaphore, #tpu.memory_space<semaphore_mem>>) src(%dma_wait3A_1287 : memref<8x3xf32, #tpu.memory_space<hbm>>) dst(%dma_wait3A_1285 : memref<8x3xf32, #tpu.memory_space<vmem>>)
    %dma_wait3A_1288 = arith.constant 25 : i32
    %dma_wait3A_1289 = arith.constant 0 : i32
    %dma_wait3A_1290 = arith.constant 0 : i32
    %dma_wait3A_1291 = tpu.memref_slice %arg6[%dma_wait3A_1288, %dma_wait3A_1289, %dma_wait3A_1290] : memref<32x8x3xf32, #tpu.memory_space<vmem>> -> memref<1x8x3xf32, #tpu.memory_space<vmem>>
    %dma_wait3A_1292 = tpu.memref_squeeze %dma_wait3A_1291 : memref<1x8x3xf32, #tpu.memory_space<vmem>> -> memref<8x3xf32, #tpu.memory_space<vmem>>
    %dma_wait3A_1293 = arith.constant 0 : i32
    %dma_wait3A_1294 = tpu.memref_slice %arg2[%multiple_of3A_770, %dma_wait3A_1293] : memref<100000x3xf32, #tpu.memory_space<hbm>> -> memref<8x3xf32, #tpu.memory_space<hbm>>
    %dma_wait3A_1295 = arith.constant 0 : i32
    %dma_wait3A_1296 = arith.constant 0 : i32
    %dma_wait3A_1297 = tpu.memref_slice %arg6[%dma_wait3A_1288, %dma_wait3A_1295, %dma_wait3A_1296] : memref<32x8x3xf32, #tpu.memory_space<vmem>> -> memref<1x8x3xf32, #tpu.memory_space<vmem>>
    %dma_wait3A_1298 = tpu.memref_squeeze %dma_wait3A_1297 : memref<1x8x3xf32, #tpu.memory_space<vmem>> -> memref<8x3xf32, #tpu.memory_space<vmem>>
    %dma_wait3A_1299 = arith.constant 0 : i32
    %dma_wait3A_1300 = tpu.memref_slice %arg2[%multiple_of3A_770, %dma_wait3A_1299] : memref<100000x3xf32, #tpu.memory_space<hbm>> -> memref<8x3xf32, #tpu.memory_space<hbm>>
    tpu.wait_dma2 semaphore(%arg8 : memref<!tpu.dma_semaphore, #tpu.memory_space<semaphore_mem>>) src(%dma_wait3A_1300 : memref<8x3xf32, #tpu.memory_space<hbm>>) dst(%dma_wait3A_1298 : memref<8x3xf32, #tpu.memory_space<vmem>>)
    %dma_wait3A_1301 = arith.constant 26 : i32
    %dma_wait3A_1302 = arith.constant 0 : i32
    %dma_wait3A_1303 = arith.constant 0 : i32
    %dma_wait3A_1304 = tpu.memref_slice %arg6[%dma_wait3A_1301, %dma_wait3A_1302, %dma_wait3A_1303] : memref<32x8x3xf32, #tpu.memory_space<vmem>> -> memref<1x8x3xf32, #tpu.memory_space<vmem>>
    %dma_wait3A_1305 = tpu.memref_squeeze %dma_wait3A_1304 : memref<1x8x3xf32, #tpu.memory_space<vmem>> -> memref<8x3xf32, #tpu.memory_space<vmem>>
    %dma_wait3A_1306 = arith.constant 0 : i32
    %dma_wait3A_1307 = tpu.memref_slice %arg2[%multiple_of3A_800, %dma_wait3A_1306] : memref<100000x3xf32, #tpu.memory_space<hbm>> -> memref<8x3xf32, #tpu.memory_space<hbm>>
    %dma_wait3A_1308 = arith.constant 0 : i32
    %dma_wait3A_1309 = arith.constant 0 : i32
    %dma_wait3A_1310 = tpu.memref_slice %arg6[%dma_wait3A_1301, %dma_wait3A_1308, %dma_wait3A_1309] : memref<32x8x3xf32, #tpu.memory_space<vmem>> -> memref<1x8x3xf32, #tpu.memory_space<vmem>>
    %dma_wait3A_1311 = tpu.memref_squeeze %dma_wait3A_1310 : memref<1x8x3xf32, #tpu.memory_space<vmem>> -> memref<8x3xf32, #tpu.memory_space<vmem>>
    %dma_wait3A_1312 = arith.constant 0 : i32
    %dma_wait3A_1313 = tpu.memref_slice %arg2[%multiple_of3A_800, %dma_wait3A_1312] : memref<100000x3xf32, #tpu.memory_space<hbm>> -> memref<8x3xf32, #tpu.memory_space<hbm>>
    tpu.wait_dma2 semaphore(%arg8 : memref<!tpu.dma_semaphore, #tpu.memory_space<semaphore_mem>>) src(%dma_wait3A_1313 : memref<8x3xf32, #tpu.memory_space<hbm>>) dst(%dma_wait3A_1311 : memref<8x3xf32, #tpu.memory_space<vmem>>)
    %dma_wait3A_1314 = arith.constant 27 : i32
    %dma_wait3A_1315 = arith.constant 0 : i32
    %dma_wait3A_1316 = arith.constant 0 : i32
    %dma_wait3A_1317 = tpu.memref_slice %arg6[%dma_wait3A_1314, %dma_wait3A_1315, %dma_wait3A_1316] : memref<32x8x3xf32, #tpu.memory_space<vmem>> -> memref<1x8x3xf32, #tpu.memory_space<vmem>>
    %dma_wait3A_1318 = tpu.memref_squeeze %dma_wait3A_1317 : memref<1x8x3xf32, #tpu.memory_space<vmem>> -> memref<8x3xf32, #tpu.memory_space<vmem>>
    %dma_wait3A_1319 = arith.constant 0 : i32
    %dma_wait3A_1320 = tpu.memref_slice %arg2[%multiple_of3A_830, %dma_wait3A_1319] : memref<100000x3xf32, #tpu.memory_space<hbm>> -> memref<8x3xf32, #tpu.memory_space<hbm>>
    %dma_wait3A_1321 = arith.constant 0 : i32
    %dma_wait3A_1322 = arith.constant 0 : i32
    %dma_wait3A_1323 = tpu.memref_slice %arg6[%dma_wait3A_1314, %dma_wait3A_1321, %dma_wait3A_1322] : memref<32x8x3xf32, #tpu.memory_space<vmem>> -> memref<1x8x3xf32, #tpu.memory_space<vmem>>
    %dma_wait3A_1324 = tpu.memref_squeeze %dma_wait3A_1323 : memref<1x8x3xf32, #tpu.memory_space<vmem>> -> memref<8x3xf32, #tpu.memory_space<vmem>>
    %dma_wait3A_1325 = arith.constant 0 : i32
    %dma_wait3A_1326 = tpu.memref_slice %arg2[%multiple_of3A_830, %dma_wait3A_1325] : memref<100000x3xf32, #tpu.memory_space<hbm>> -> memref<8x3xf32, #tpu.memory_space<hbm>>
    tpu.wait_dma2 semaphore(%arg8 : memref<!tpu.dma_semaphore, #tpu.memory_space<semaphore_mem>>) src(%dma_wait3A_1326 : memref<8x3xf32, #tpu.memory_space<hbm>>) dst(%dma_wait3A_1324 : memref<8x3xf32, #tpu.memory_space<vmem>>)
    %dma_wait3A_1327 = arith.constant 28 : i32
    %dma_wait3A_1328 = arith.constant 0 : i32
    %dma_wait3A_1329 = arith.constant 0 : i32
    %dma_wait3A_1330 = tpu.memref_slice %arg6[%dma_wait3A_1327, %dma_wait3A_1328, %dma_wait3A_1329] : memref<32x8x3xf32, #tpu.memory_space<vmem>> -> memref<1x8x3xf32, #tpu.memory_space<vmem>>
    %dma_wait3A_1331 = tpu.memref_squeeze %dma_wait3A_1330 : memref<1x8x3xf32, #tpu.memory_space<vmem>> -> memref<8x3xf32, #tpu.memory_space<vmem>>
    %dma_wait3A_1332 = arith.constant 0 : i32
    %dma_wait3A_1333 = tpu.memref_slice %arg2[%multiple_of3A_860, %dma_wait3A_1332] : memref<100000x3xf32, #tpu.memory_space<hbm>> -> memref<8x3xf32, #tpu.memory_space<hbm>>
    %dma_wait3A_1334 = arith.constant 0 : i32
    %dma_wait3A_1335 = arith.constant 0 : i32
    %dma_wait3A_1336 = tpu.memref_slice %arg6[%dma_wait3A_1327, %dma_wait3A_1334, %dma_wait3A_1335] : memref<32x8x3xf32, #tpu.memory_space<vmem>> -> memref<1x8x3xf32, #tpu.memory_space<vmem>>
    %dma_wait3A_1337 = tpu.memref_squeeze %dma_wait3A_1336 : memref<1x8x3xf32, #tpu.memory_space<vmem>> -> memref<8x3xf32, #tpu.memory_space<vmem>>
    %dma_wait3A_1338 = arith.constant 0 : i32
    %dma_wait3A_1339 = tpu.memref_slice %arg2[%multiple_of3A_860, %dma_wait3A_1338] : memref<100000x3xf32, #tpu.memory_space<hbm>> -> memref<8x3xf32, #tpu.memory_space<hbm>>
    tpu.wait_dma2 semaphore(%arg8 : memref<!tpu.dma_semaphore, #tpu.memory_space<semaphore_mem>>) src(%dma_wait3A_1339 : memref<8x3xf32, #tpu.memory_space<hbm>>) dst(%dma_wait3A_1337 : memref<8x3xf32, #tpu.memory_space<vmem>>)
    %dma_wait3A_1340 = arith.constant 29 : i32
    %dma_wait3A_1341 = arith.constant 0 : i32
    %dma_wait3A_1342 = arith.constant 0 : i32
    %dma_wait3A_1343 = tpu.memref_slice %arg6[%dma_wait3A_1340, %dma_wait3A_1341, %dma_wait3A_1342] : memref<32x8x3xf32, #tpu.memory_space<vmem>> -> memref<1x8x3xf32, #tpu.memory_space<vmem>>
    %dma_wait3A_1344 = tpu.memref_squeeze %dma_wait3A_1343 : memref<1x8x3xf32, #tpu.memory_space<vmem>> -> memref<8x3xf32, #tpu.memory_space<vmem>>
    %dma_wait3A_1345 = arith.constant 0 : i32
    %dma_wait3A_1346 = tpu.memref_slice %arg2[%multiple_of3A_890, %dma_wait3A_1345] : memref<100000x3xf32, #tpu.memory_space<hbm>> -> memref<8x3xf32, #tpu.memory_space<hbm>>
    %dma_wait3A_1347 = arith.constant 0 : i32
    %dma_wait3A_1348 = arith.constant 0 : i32
    %dma_wait3A_1349 = tpu.memref_slice %arg6[%dma_wait3A_1340, %dma_wait3A_1347, %dma_wait3A_1348] : memref<32x8x3xf32, #tpu.memory_space<vmem>> -> memref<1x8x3xf32, #tpu.memory_space<vmem>>
    %dma_wait3A_1350 = tpu.memref_squeeze %dma_wait3A_1349 : memref<1x8x3xf32, #tpu.memory_space<vmem>> -> memref<8x3xf32, #tpu.memory_space<vmem>>
    %dma_wait3A_1351 = arith.constant 0 : i32
    %dma_wait3A_1352 = tpu.memref_slice %arg2[%multiple_of3A_890, %dma_wait3A_1351] : memref<100000x3xf32, #tpu.memory_space<hbm>> -> memref<8x3xf32, #tpu.memory_space<hbm>>
    tpu.wait_dma2 semaphore(%arg8 : memref<!tpu.dma_semaphore, #tpu.memory_space<semaphore_mem>>) src(%dma_wait3A_1352 : memref<8x3xf32, #tpu.memory_space<hbm>>) dst(%dma_wait3A_1350 : memref<8x3xf32, #tpu.memory_space<vmem>>)
    %dma_wait3A_1353 = arith.constant 30 : i32
    %dma_wait3A_1354 = arith.constant 0 : i32
    %dma_wait3A_1355 = arith.constant 0 : i32
    %dma_wait3A_1356 = tpu.memref_slice %arg6[%dma_wait3A_1353, %dma_wait3A_1354, %dma_wait3A_1355] : memref<32x8x3xf32, #tpu.memory_space<vmem>> -> memref<1x8x3xf32, #tpu.memory_space<vmem>>
    %dma_wait3A_1357 = tpu.memref_squeeze %dma_wait3A_1356 : memref<1x8x3xf32, #tpu.memory_space<vmem>> -> memref<8x3xf32, #tpu.memory_space<vmem>>
    %dma_wait3A_1358 = arith.constant 0 : i32
    %dma_wait3A_1359 = tpu.memref_slice %arg2[%multiple_of3A_920, %dma_wait3A_1358] : memref<100000x3xf32, #tpu.memory_space<hbm>> -> memref<8x3xf32, #tpu.memory_space<hbm>>
    %dma_wait3A_1360 = arith.constant 0 : i32
    %dma_wait3A_1361 = arith.constant 0 : i32
    %dma_wait3A_1362 = tpu.memref_slice %arg6[%dma_wait3A_1353, %dma_wait3A_1360, %dma_wait3A_1361] : memref<32x8x3xf32, #tpu.memory_space<vmem>> -> memref<1x8x3xf32, #tpu.memory_space<vmem>>
    %dma_wait3A_1363 = tpu.memref_squeeze %dma_wait3A_1362 : memref<1x8x3xf32, #tpu.memory_space<vmem>> -> memref<8x3xf32, #tpu.memory_space<vmem>>
    %dma_wait3A_1364 = arith.constant 0 : i32
    %dma_wait3A_1365 = tpu.memref_slice %arg2[%multiple_of3A_920, %dma_wait3A_1364] : memref<100000x3xf32, #tpu.memory_space<hbm>> -> memref<8x3xf32, #tpu.memory_space<hbm>>
    tpu.wait_dma2 semaphore(%arg8 : memref<!tpu.dma_semaphore, #tpu.memory_space<semaphore_mem>>) src(%dma_wait3A_1365 : memref<8x3xf32, #tpu.memory_space<hbm>>) dst(%dma_wait3A_1363 : memref<8x3xf32, #tpu.memory_space<vmem>>)
    %dma_wait3A_1366 = arith.constant 31 : i32
    %dma_wait3A_1367 = arith.constant 0 : i32
    %dma_wait3A_1368 = arith.constant 0 : i32
    %dma_wait3A_1369 = tpu.memref_slice %arg6[%dma_wait3A_1366, %dma_wait3A_1367, %dma_wait3A_1368] : memref<32x8x3xf32, #tpu.memory_space<vmem>> -> memref<1x8x3xf32, #tpu.memory_space<vmem>>
    %dma_wait3A_1370 = tpu.memref_squeeze %dma_wait3A_1369 : memref<1x8x3xf32, #tpu.memory_space<vmem>> -> memref<8x3xf32, #tpu.memory_space<vmem>>
    %dma_wait3A_1371 = arith.constant 0 : i32
    %dma_wait3A_1372 = tpu.memref_slice %arg2[%multiple_of3A_950, %dma_wait3A_1371] : memref<100000x3xf32, #tpu.memory_space<hbm>> -> memref<8x3xf32, #tpu.memory_space<hbm>>
    %dma_wait3A_1373 = arith.constant 0 : i32
    %dma_wait3A_1374 = arith.constant 0 : i32
    %dma_wait3A_1375 = tpu.memref_slice %arg6[%dma_wait3A_1366, %dma_wait3A_1373, %dma_wait3A_1374] : memref<32x8x3xf32, #tpu.memory_space<vmem>> -> memref<1x8x3xf32, #tpu.memory_space<vmem>>
    %dma_wait3A_1376 = tpu.memref_squeeze %dma_wait3A_1375 : memref<1x8x3xf32, #tpu.memory_space<vmem>> -> memref<8x3xf32, #tpu.memory_space<vmem>>
    %dma_wait3A_1377 = arith.constant 0 : i32
    %dma_wait3A_1378 = tpu.memref_slice %arg2[%multiple_of3A_950, %dma_wait3A_1377] : memref<100000x3xf32, #tpu.memory_space<hbm>> -> memref<8x3xf32, #tpu.memory_space<hbm>>
    tpu.wait_dma2 semaphore(%arg8 : memref<!tpu.dma_semaphore, #tpu.memory_space<semaphore_mem>>) src(%dma_wait3A_1378 : memref<8x3xf32, #tpu.memory_space<hbm>>) dst(%dma_wait3A_1376 : memref<8x3xf32, #tpu.memory_space<vmem>>)
    %add3A_1379 = arith.constant 0 : i32
    %add3A_1380 = vector.broadcast %add3A_1379 : i32 to vector<16xi32>
    %add3A_1381 = arith.addi %iota3A, %add3A_1380 : vector<16xi32>
    %and3A_1382 = arith.constant 7 : i32
    %and3A_1383 = vector.broadcast %and3A_1382 : i32 to vector<16xi32>
    %and3A_1384 = arith.andi %gather3A, %and3A_1383 : vector<16xi32>
    %broadcast_in_dim3A_1385 = arith.constant 0 : i32
    %broadcast_in_dim3A_1386 = vector.broadcast %broadcast_in_dim3A_1385 : i32 to vector<16xi32>
    %gather3A_1387 = tpu.vector_load_idx %arg6[%add3A_1381, %and3A_1384, %broadcast_in_dim3A_1386] : memref<32x8x3xf32, #tpu.memory_space<vmem>>[vector<16xi32>, vector<16xi32>, vector<16xi32>], vector<16xf32>,
    tpu.vector_store_idx %arg7[%add3A_1381, %broadcast_in_dim3A_1386], %gather3A_1387 : memref<32x3xf32, #tpu.memory_space<vmem>>[vector<16xi32>, vector<16xi32>], vector<16xf32>,
    %broadcast_in_dim3A_1388 = arith.constant 1 : i32
    %broadcast_in_dim3A_1389 = vector.broadcast %broadcast_in_dim3A_1388 : i32 to vector<16xi32>
    %gather3A_1390 = tpu.vector_load_idx %arg6[%add3A_1381, %and3A_1384, %broadcast_in_dim3A_1389] : memref<32x8x3xf32, #tpu.memory_space<vmem>>[vector<16xi32>, vector<16xi32>, vector<16xi32>], vector<16xf32>,
    tpu.vector_store_idx %arg7[%add3A_1381, %broadcast_in_dim3A_1389], %gather3A_1390 : memref<32x3xf32, #tpu.memory_space<vmem>>[vector<16xi32>, vector<16xi32>], vector<16xf32>,
    %broadcast_in_dim3A_1391 = arith.constant 2 : i32
    %broadcast_in_dim3A_1392 = vector.broadcast %broadcast_in_dim3A_1391 : i32 to vector<16xi32>
    %gather3A_1393 = tpu.vector_load_idx %arg6[%add3A_1381, %and3A_1384, %broadcast_in_dim3A_1392] : memref<32x8x3xf32, #tpu.memory_space<vmem>>[vector<16xi32>, vector<16xi32>, vector<16xi32>], vector<16xf32>,
    tpu.vector_store_idx %arg7[%add3A_1381, %broadcast_in_dim3A_1392], %gather3A_1393 : memref<32x3xf32, #tpu.memory_space<vmem>>[vector<16xi32>, vector<16xi32>], vector<16xf32>,
    %add3A_1394 = arith.constant 16 : i32
    %add3A_1395 = vector.broadcast %add3A_1394 : i32 to vector<16xi32>
    %add3A_1396 = arith.addi %iota3A, %add3A_1395 : vector<16xi32>
    %and3A_1397 = arith.constant 7 : i32
    %and3A_1398 = vector.broadcast %and3A_1397 : i32 to vector<16xi32>
    %and3A_1399 = arith.andi %gather3A_10, %and3A_1398 : vector<16xi32>
    %broadcast_in_dim3A_1400 = arith.constant 0 : i32
    %broadcast_in_dim3A_1401 = vector.broadcast %broadcast_in_dim3A_1400 : i32 to vector<16xi32>
    %gather3A_1402 = tpu.vector_load_idx %arg6[%add3A_1396, %and3A_1399, %broadcast_in_dim3A_1401] : memref<32x8x3xf32, #tpu.memory_space<vmem>>[vector<16xi32>, vector<16xi32>, vector<16xi32>], vector<16xf32>,
    tpu.vector_store_idx %arg7[%add3A_1396, %broadcast_in_dim3A_1401], %gather3A_1402 : memref<32x3xf32, #tpu.memory_space<vmem>>[vector<16xi32>, vector<16xi32>], vector<16xf32>,
    %broadcast_in_dim3A_1403 = arith.constant 1 : i32
    %broadcast_in_dim3A_1404 = vector.broadcast %broadcast_in_dim3A_1403 : i32 to vector<16xi32>
    %gather3A_1405 = tpu.vector_load_idx %arg6[%add3A_1396, %and3A_1399, %broadcast_in_dim3A_1404] : memref<32x8x3xf32, #tpu.memory_space<vmem>>[vector<16xi32>, vector<16xi32>, vector<16xi32>], vector<16xf32>,
    tpu.vector_store_idx %arg7[%add3A_1396, %broadcast_in_dim3A_1404], %gather3A_1405 : memref<32x3xf32, #tpu.memory_space<vmem>>[vector<16xi32>, vector<16xi32>], vector<16xf32>,
    %broadcast_in_dim3A_1406 = arith.constant 2 : i32
    %broadcast_in_dim3A_1407 = vector.broadcast %broadcast_in_dim3A_1406 : i32 to vector<16xi32>
    %gather3A_1408 = tpu.vector_load_idx %arg6[%add3A_1396, %and3A_1399, %broadcast_in_dim3A_1407] : memref<32x8x3xf32, #tpu.memory_space<vmem>>[vector<16xi32>, vector<16xi32>, vector<16xi32>], vector<16xf32>,
    tpu.vector_store_idx %arg7[%add3A_1396, %broadcast_in_dim3A_1407], %gather3A_1408 : memref<32x3xf32, #tpu.memory_space<vmem>>[vector<16xi32>, vector<16xi32>], vector<16xf32>,
    "tpu.region"() ({
      %run_scoped3A = tpu.sem_alloc : memref<!tpu.dma_semaphore, #tpu.memory_space<semaphore_mem>>
      %dma_start3A_1409 = arith.constant 0 : i32
      %dma_start3A_1410 = tpu.memref_slice %arg4[%mul3A_2, %dma_start3A_1409] : memref<1024x3xf32, #tpu.memory_space<hbm>> -> memref<32x3xf32, #tpu.memory_space<hbm>>
      %dma_start3A_1411 = arith.constant 0 : i32
      %dma_start3A_1412 = tpu.memref_slice %arg4[%mul3A_2, %dma_start3A_1411] : memref<1024x3xf32, #tpu.memory_space<hbm>> -> memref<32x3xf32, #tpu.memory_space<hbm>>
      tpu.enqueue_dma source(%arg7 : memref<32x3xf32, #tpu.memory_space<vmem>>) target(%dma_start3A_1412 : memref<32x3xf32, #tpu.memory_space<hbm>>) target_semaphore(%run_scoped3A : memref<!tpu.dma_semaphore, #tpu.memory_space<semaphore_mem>>)
      %dma_wait3A_1413 = arith.constant 0 : i32
      %dma_wait3A_1414 = tpu.memref_slice %arg4[%mul3A_2, %dma_wait3A_1413] : memref<1024x3xf32, #tpu.memory_space<hbm>> -> memref<32x3xf32, #tpu.memory_space<hbm>>
      %dma_wait3A_1415 = arith.constant 0 : i32
      %dma_wait3A_1416 = tpu.memref_slice %arg4[%mul3A_2, %dma_wait3A_1415] : memref<1024x3xf32, #tpu.memory_space<hbm>> -> memref<32x3xf32, #tpu.memory_space<hbm>>
      tpu.wait_dma2 semaphore(%run_scoped3A : memref<!tpu.dma_semaphore, #tpu.memory_space<semaphore_mem>>) src(%arg7 : memref<32x3xf32, #tpu.memory_space<vmem>>) dst(%dma_wait3A_1416 : memref<32x3xf32, #tpu.memory_space<hbm>>)
      tpu.yield
    }) : () -> ()
    return
  }
}

module attributes {stable_mosaic.version = 14 : i64} {
  func.func @_argmax_body(%arg0: i32, %arg1: memref<1024x16xf32, #tpu.memory_space<vmem>>, %arg2: memref<16x2048xf32, #tpu.memory_space<vmem>>, %arg3: memref<1024x1xf32, #tpu.memory_space<vmem>>, %arg4: memref<1x2048xf32, #tpu.memory_space<vmem>>, %arg5: memref<1xf32, #tpu.memory_space<smem>>, %arg6: memref<1024x1xi32, #tpu.memory_space<vmem>>, %arg7: memref<1024x1xf32, #tpu.memory_space<vmem>>, %arg8: memref<1024x1xf32, #tpu.memory_space<vmem>>) attributes {dimension_semantics = [#tpu.dimension_semantics<arbitrary>], iteration_bounds = array<i64: 49>, scalar_prefetch = 0 : i64, scratch_operands = 2 : i64, tpu.core_type = #tpu.core_type<tc>, window_params = [{pipeline_mode = #tpu.pipeline_mode<synchronous>, transform_indices = @transform_0, window_bounds = array<i64: 1024, 16>}, {transform_indices = @transform_1, window_bounds = array<i64: 16, 2048>}, {pipeline_mode = #tpu.pipeline_mode<synchronous>, transform_indices = @transform_2, window_bounds = array<i64: 1024, 1>}, {transform_indices = @transform_3, window_bounds = array<i64: 1, 2048>}, {transform_indices = @transform_4, window_bounds = array<i64: 1>}, {pipeline_mode = #tpu.pipeline_mode<synchronous>, transform_indices = @transform_5, window_bounds = array<i64: 1024, 1>}]} {
    %eq3A = arith.constant 0 : i32
    %eq3A_0 = arith.cmpi eq, %arg0, %eq3A : i32
    %convert_element_type3A = arith.extui %eq3A_0 : i1 to i32
    %cond3A = arith.constant 0 : i32
    %cond3A_1 = arith.cmpi ne, %convert_element_type3A, %cond3A : i32
    scf.if %cond3A_1 {
      %broadcast_in_dim3A_66 = arith.constant 0xFF800000 : f32
      %broadcast_in_dim3A_67 = vector.broadcast %broadcast_in_dim3A_66 : f32 to vector<1024x1xf32>
      %swap3A_68 = arith.constant 0 : index
      %swap3A_69 = arith.constant 0 : index
      %swap3A_70 = vector.load %arg7[%swap3A_68, %swap3A_69] : memref<1024x1xf32, #tpu.memory_space<vmem>>, vector<1024x1xf32>
      tpu.vector_store %arg7[%swap3A_68, %swap3A_69], %broadcast_in_dim3A_67 {strides = array<i32>} : memref<1024x1xf32, #tpu.memory_space<vmem>>, vector<1024x1xf32>,
      %broadcast_in_dim3A_71 = arith.constant 0.000000e+00 : f32
      %broadcast_in_dim3A_72 = vector.broadcast %broadcast_in_dim3A_71 : f32 to vector<1024x1xf32>
      %swap3A_73 = arith.constant 0 : index
      %swap3A_74 = arith.constant 0 : index
      %swap3A_75 = vector.load %arg8[%swap3A_73, %swap3A_74] : memref<1024x1xf32, #tpu.memory_space<vmem>>, vector<1024x1xf32>
      tpu.vector_store %arg8[%swap3A_73, %swap3A_74], %broadcast_in_dim3A_72 {strides = array<i32>} : memref<1024x1xf32, #tpu.memory_space<vmem>>, vector<1024x1xf32>,
    } else {
    }
    %get3A = arith.constant 0 : index
    %get3A_2 = arith.constant 0 : index
    %get3A_3 = vector.load %arg1[%get3A, %get3A_2] : memref<1024x16xf32, #tpu.memory_space<vmem>>, vector<1024x16xf32>
    %iota3A = tpu.iota {dimensions = array<i32: 1>} : vector<1x2048xi32>
    %mul3A = arith.constant 2048 : i32
    %mul3A_4 = arith.muli %arg0, %mul3A : i32
    %add3A = vector.broadcast %mul3A_4 : i32 to vector<1x2048xi32>
    %add3A_5 = arith.addi %iota3A, %add3A : vector<1x2048xi32>
    %lt3A = arith.constant 100000 : i32
    %lt3A_6 = vector.broadcast %lt3A : i32 to vector<1x2048xi32>
    %lt3A_7 = arith.cmpi slt, %add3A_5, %lt3A_6 : vector<1x2048xi32>
    %get3A_8 = arith.constant 0 : index
    %get3A_9 = arith.constant 0 : index
    %get3A_10 = vector.load %arg2[%get3A_8, %get3A_9] : memref<16x2048xf32, #tpu.memory_space<vmem>>, vector<16x2048xf32>
    %jit3A = arith.constant 0.000000e+00 : f32
    %broadcast_in_dim3A = vector.shape_cast %lt3A_7 : vector<1x2048xi1> to vector<1x2048xi1>
    %broadcast_in_dim3A_11 = vector.broadcast %broadcast_in_dim3A : vector<1x2048xi1> to vector<16x2048xi1>
    %broadcast_in_dim3A_12 = vector.broadcast %jit3A : f32 to vector<16x2048xf32>
    %select_n3A = arith.select %broadcast_in_dim3A_11, %get3A_10, %broadcast_in_dim3A_12 : vector<16x2048xi1>, vector<16x2048xf32>
    %get3A_13 = arith.constant 0 : index
    %get3A_14 = arith.constant 0 : index
    %get3A_15 = vector.load %arg4[%get3A_13, %get3A_14] : memref<1x2048xf32, #tpu.memory_space<vmem>>, vector<1x2048xf32>
    %jit3A_16 = arith.constant 0x7F800000 : f32
    %broadcast_in_dim3A_17 = vector.broadcast %jit3A_16 : f32 to vector<1x2048xf32>
    %select_n3A_18 = arith.select %lt3A_7, %get3A_15, %broadcast_in_dim3A_17 : vector<1x2048xi1>, vector<1x2048xf32>
    %dot_general3A = arith.constant dense<0.000000e+00> : vector<1024x2048xf32>
    %dot_general3A_19 = tpu.matmul %get3A_3, %select_n3A, %dot_general3A {dimension_numbers = #tpu.dot_dimension_numbers<[1], [0], [0], [1], [0, 0, 1, 1], [], []>, transpose_lhs_hint = false} : vector<1024x16xf32>, vector<16x2048xf32>, vector<1024x2048xf32> -> vector<1024x2048xf32>
    %get3A_20 = arith.constant 0 : index
    %get3A_21 = arith.constant 0 : index
    %get3A_22 = vector.load %arg3[%get3A_20, %get3A_21] : memref<1024x1xf32, #tpu.memory_space<vmem>>, vector<1024x1xf32>
    %mul3A_23 = arith.constant 2.000000e+00 : f32
    %mul3A_24 = vector.broadcast %mul3A_23 : f32 to vector<1024x2048xf32>
    %mul3A_25 = arith.mulf %mul3A_24, %dot_general3A_19 : vector<1024x2048xf32>
    %sub3A = vector.broadcast %get3A_22 : vector<1024x1xf32> to vector<1024x2048xf32>
    %sub3A_26 = arith.subf %sub3A, %mul3A_25 : vector<1024x2048xf32>
    %add3A_27 = vector.broadcast %select_n3A_18 : vector<1x2048xf32> to vector<1024x2048xf32>
    %add3A_28 = arith.addf %sub3A_26, %add3A_27 : vector<1024x2048xf32>
    %get3A_29 = arith.constant 0 : index
    %get3A_30 = memref.load %arg5[%get3A_29] : memref<1xf32, #tpu.memory_space<smem>>
    %mul3A_31 = vector.broadcast %get3A_30 : f32 to vector<1024x2048xf32>
    %mul3A_32 = arith.mulf %add3A_28, %mul3A_31 : vector<1024x2048xf32>
    %reduce_max3A = arith.constant dense<0xFF800000> : vector<1024xf32>
    %reduce_max3A_33 = vector.multi_reduction <maximumf>, %mul3A_32, %reduce_max3A [1] : vector<1024x2048xf32> to vector<1024xf32>
    %broadcast_in_dim3A_34 = vector.shape_cast %reduce_max3A_33 : vector<1024xf32> to vector<1024x1xf32>
    %convert_element_type3A_35 = arith.sitofp %add3A_5 : vector<1x2048xi32> to vector<1x2048xf32>
    %eq3A_36 = vector.broadcast %broadcast_in_dim3A_34 : vector<1024x1xf32> to vector<1024x2048xf32>
    %eq3A_37 = arith.cmpf oeq, %mul3A_32, %eq3A_36 : vector<1024x2048xf32>
    %jit3A_38 = arith.constant 1.07374182E+9 : f32
    %broadcast_in_dim3A_39 = vector.shape_cast %convert_element_type3A_35 : vector<1x2048xf32> to vector<1x2048xf32>
    %broadcast_in_dim3A_40 = vector.broadcast %broadcast_in_dim3A_39 : vector<1x2048xf32> to vector<1024x2048xf32>
    %broadcast_in_dim3A_41 = vector.broadcast %jit3A_38 : f32 to vector<1024x2048xf32>
    %select_n3A_42 = arith.select %eq3A_37, %broadcast_in_dim3A_40, %broadcast_in_dim3A_41 : vector<1024x2048xi1>, vector<1024x2048xf32>
    %reduce_min3A = arith.constant dense<0x7F800000> : vector<1024xf32>
    %reduce_min3A_43 = vector.multi_reduction <minimumf>, %select_n3A_42, %reduce_min3A [1] : vector<1024x2048xf32> to vector<1024xf32>
    %broadcast_in_dim3A_44 = vector.shape_cast %reduce_min3A_43 : vector<1024xf32> to vector<1024x1xf32>
    %get3A_45 = arith.constant 0 : index
    %get3A_46 = arith.constant 0 : index
    %get3A_47 = vector.load %arg7[%get3A_45, %get3A_46] : memref<1024x1xf32, #tpu.memory_space<vmem>>, vector<1024x1xf32>
    %gt3A = arith.cmpf ogt, %broadcast_in_dim3A_34, %get3A_47 : vector<1024x1xf32>
    %get3A_48 = arith.constant 0 : index
    %get3A_49 = arith.constant 0 : index
    %get3A_50 = vector.load %arg7[%get3A_48, %get3A_49] : memref<1024x1xf32, #tpu.memory_space<vmem>>, vector<1024x1xf32>
    %select_n3A_51 = arith.select %gt3A, %broadcast_in_dim3A_34, %get3A_50 : vector<1024x1xi1>, vector<1024x1xf32>
    %swap3A = arith.constant 0 : index
    %swap3A_52 = arith.constant 0 : index
    %swap3A_53 = vector.load %arg7[%swap3A, %swap3A_52] : memref<1024x1xf32, #tpu.memory_space<vmem>>, vector<1024x1xf32>
    tpu.vector_store %arg7[%swap3A, %swap3A_52], %select_n3A_51 {strides = array<i32>} : memref<1024x1xf32, #tpu.memory_space<vmem>>, vector<1024x1xf32>,
    %get3A_54 = arith.constant 0 : index
    %get3A_55 = arith.constant 0 : index
    %get3A_56 = vector.load %arg8[%get3A_54, %get3A_55] : memref<1024x1xf32, #tpu.memory_space<vmem>>, vector<1024x1xf32>
    %select_n3A_57 = arith.select %gt3A, %broadcast_in_dim3A_44, %get3A_56 : vector<1024x1xi1>, vector<1024x1xf32>
    %swap3A_58 = arith.constant 0 : index
    %swap3A_59 = arith.constant 0 : index
    %swap3A_60 = vector.load %arg8[%swap3A_58, %swap3A_59] : memref<1024x1xf32, #tpu.memory_space<vmem>>, vector<1024x1xf32>
    tpu.vector_store %arg8[%swap3A_58, %swap3A_59], %select_n3A_57 {strides = array<i32>} : memref<1024x1xf32, #tpu.memory_space<vmem>>, vector<1024x1xf32>,
    %eq3A_61 = arith.constant 48 : i32
    %eq3A_62 = arith.cmpi eq, %arg0, %eq3A_61 : i32
    %convert_element_type3A_63 = arith.extui %eq3A_62 : i1 to i32
    %cond3A_64 = arith.constant 0 : i32
    %cond3A_65 = arith.cmpi ne, %convert_element_type3A_63, %cond3A_64 : i32
    scf.if %cond3A_65 {
      %get3A_66 = arith.constant 0 : index
      %get3A_67 = arith.constant 0 : index
      %get3A_68 = vector.load %arg8[%get3A_66, %get3A_67] : memref<1024x1xf32, #tpu.memory_space<vmem>>, vector<1024x1xf32>
      %convert_element_type3A_69 = arith.fptosi %get3A_68 : vector<1024x1xf32> to vector<1024x1xi32>
      %swap3A_70 = arith.constant 0 : index
      %swap3A_71 = arith.constant 0 : index
      %swap3A_72 = vector.load %arg6[%swap3A_70, %swap3A_71] : memref<1024x1xi32, #tpu.memory_space<vmem>>, vector<1024x1xi32>
      tpu.vector_store %arg6[%swap3A_70, %swap3A_71], %convert_element_type3A_69 {strides = array<i32>} : memref<1024x1xi32, #tpu.memory_space<vmem>>, vector<1024x1xi32>,
    } else {
    }
    return
  }
  func.func @transform_0(%arg0: i32) -> (i32, i32) {
    %c0_i32 = arith.constant 0 : i32
    %c0_i32_0 = arith.constant 0 : i32
    %c0_i32_1 = arith.constant 0 : i32
    return %c0_i32, %c0_i32_0 : i32, i32
  }
  func.func @transform_1(%arg0: i32) -> (i32, i32) {
    %c0_i32 = arith.constant 0 : i32
    %c0_i32_0 = arith.constant 0 : i32
    return %c0_i32, %arg0 : i32, i32
  }
  func.func @transform_2(%arg0: i32) -> (i32, i32) {
    %c0_i32 = arith.constant 0 : i32
    %c0_i32_0 = arith.constant 0 : i32
    %c0_i32_1 = arith.constant 0 : i32
    return %c0_i32, %c0_i32_0 : i32, i32
  }
  func.func @transform_3(%arg0: i32) -> (i32, i32) {
    %c0_i32 = arith.constant 0 : i32
    %c0_i32_0 = arith.constant 0 : i32
    return %c0_i32, %arg0 : i32, i32
  }
  func.func @transform_4(%arg0: i32) -> i32 {
    %c0_i32 = arith.constant 0 : i32
    %c0_i32_0 = arith.constant 0 : i32
    return %c0_i32 : i32
  }
  func.func @transform_5(%arg0: i32) -> (i32, i32) {
    %c0_i32 = arith.constant 0 : i32
    %c0_i32_0 = arith.constant 0 : i32
    %c0_i32_1 = arith.constant 0 : i32
    return %c0_i32, %c0_i32_0 : i32, i32
  }
}

</mosaic_0001>

<sc_bundles>
// kernel: kernel.4.cloned.1.call-start
scs
__scs_entry_jumppad:
0x0: {  	(pc) =	sbr.rel $0x88, $3  }
0x1: {  	(tag) =	ssettag $0x0;
	lr =	simm.s32 $0x1  }
0x2: {  	[smem:$0x3F9D] =	sst lr;
	_ =	strace $0xD0000000  }
0x3: {  	_ = 	snop  }
0x4: {  	_ = 	snop  }
0x5: {  	_ = 	snop  }
0x6: {  	_ = 	snop  }
0x7: {  	_ = 	snop  }
__scs_overlays_trampoline_lowered:
0x8: {  	[smem:$0x3FAC] =	sst s0  }
0x9: {  	[smem:$0x3FAD] =	sst s1  }
0xa: {  	[smem:$0x3FAE] =	sst s2  }
0xb: {  	[smem:$0x3FAF] =	sst s3  }
0xc: {  	[smem:$0x3FB0] =	sst s4  }
0xd: {  	[smem:$0x3FB1] =	sst s5  }
0xe: {  	[smem:$0x3FB2] =	sst s6  }
0xf: {  	[smem:$0x3FB3] =	sst s7  }
0x10: {  	[smem:$0x3FB4] =	sst s8  }
0x11: {  	[smem:$0x3FB5] =	sst s9;
	s0 =	simm.s32 @!p0 $0x0  }
0x12: {  	s1 =	sld [smem:$0x3F9B];
	s0 =	simm.s32 @p0 $0x1  }
0x13: {  	[smem:$0x3FB6] =	sst s0;
	s0 =	simm.s32 @!p1 $0x0  }
0x14: {  	s2 =	sld [smem:$0x3F9A];
	s0 =	simm.s32 @p1 $0x1  }
0x15: {  	[smem:$0x3FB7] =	sst s0;
	s0 =	simm.s32 @!p2 $0x0  }
0x16: {  	s3 =	sld [smem:$0x3FDB];
	s0 =	simm.s32 @p2 $0x1  }
0x17: {  	s4 =	simm.s32 $0x1BF5;
	[smem:$0x3FB9] =	sst s0  }
0x18: {  	s0 =	sld [smem:$0x3F9C];
	_ =	swait.ge [sflag:s4], $0x0  }
0x19: {  	s7 =	sld [smem:$0x3F9D]  }
0x1a: {  	s8 =	sadd.s32 $0xFFFFE003, lr  }
0x1b: {  	s9 =	sadd.s32 $0xFFFFFEF7, lr;
	s5 =	simm.s32 $0xFFFFFFFF;
	p2 =	slt.u32 s8, $0xFFFFF086  }
0x1c: {  	p1 =	slt.u32 s9, $0xF7A;
	s5 =	simm.s32 @!p2 $0x0  }
0x1d: {  	s5 =	simm.s32 @p1 $0x1;
	p0 =	seq.s32 s7, s2  }
0x1e: {  	s7 =	smul.u32 @!p0 $0xF7A, s2;
	p2 =	seq.s32 @!p0 s5, $0x0  }
0x1f: {  	s9 =	smul.u32 $0xF7A, s1;
	s8 =	simm.s32 @!p0 $0x1BF5;
	p2 =	por !p2, p0  }
0x20: {  	[sflag:s8] =	ssyncset.s32 @!p0 $0xFFFFF086;
	s6 =	sadd.s32 @!p0 s3, s7;
	s7 =	simm.s32 @!p0 $0x108  }
0x21: {  	s3 =	sadd.s32 s3, s9;
	s6 =	sadd.s32 @!p0 $0x88, s6;
	s7 =	simm.s32 @p2 $0x1082  }
0x22: {  	[simem:s7], [sflag:s8] =	dma.local @!p0 [hbm:s6], $0xF7A  }
0x23: {  	s9 =	sor.u32 $0xD0000000, s2;
	s6 =	simm.s32 $0x108;
	_ =	swait.ge @!p0 [sflag:s8], $0x0  }
0x24: {  	s3 =	sadd.s32 $0x88, s3;
	s6 =	simm.s32 @!p1 $0x1082;
	[sflag:s4] =	ssyncset.s32 $0xFFFFF086  }
0x25: {  	[simem:s6], [sflag:s4] =	dma.local [hbm:s3], $0xF7A  }
0x26: {  	[smem:$0x3F9D] =	sst s1;
	(tag) =	ssettag s2;
	_ =	strace s9  }
0x27: {  	s1 =	sld [smem:$0x3FAD]  }
0x28: {  	s2 =	sld [smem:$0x3FAE]  }
0x29: {  	s4 =	sld [smem:$0x3FB0]  }
0x2a: {  	p0 =	seq.s32 s5, $0x0;
	s5 =	sld [smem:$0x3FB1]  }
0x2b: {  	s6 =	sld [smem:$0x3FB2]  }
0x2c: {  	s7 =	sld [smem:$0x3FB3]  }
0x2d: {  	s3 =	simm.s32 $0x108;
	s8 =	sld [smem:$0x3FB4]  }
0x2e: {  	s3 =	simm.s32 @!p0 $0x1082;
	s9 =	sld [smem:$0x3FB5]  }
0x2f: {  	lr =	sadd.s32 s0, s3;
	s0 =	sld [smem:$0x3FAC]  }
0x30: {  	s3 =	sld [smem:$0x3FAF]  }
0x31: {  	[smem:$0x3FB8] =	sst s10  }
0x32: {  	s10 =	sld [smem:$0x3FB6];
	_ =	sdelay $0x3  }
0x33: {  	p0 =	seq.s32 s10, $0x1;
	s10 =	sld [smem:$0x3FB8];
	_ =	sdelay $0x3  }
0x34: {  	[smem:$0x3FB8] =	sst s10  }
0x35: {  	s10 =	sld [smem:$0x3FB7];
	_ =	sdelay $0x3  }
0x36: {  	p1 =	seq.s32 s10, $0x1;
	s10 =	sld [smem:$0x3FB8];
	_ =	sdelay $0x3  }
0x37: {  	[smem:$0x3FB8] =	sst s10  }
0x38: {  	s10 =	sld [smem:$0x3FB9]  }
0x39: {  	_ = 	snop;
	(pc) =	sbr.ind lr, $3  }
0x3a: {  	_ = 	snop  }
0x3b: {  	_ = 	snop  }
0x3c: {  	p2 =	seq.s32 s10, $0x1;
	s10 =	sld [smem:$0x3FB8]  }
0x3d: {  	_ =	shalt  }
0x3e: {  	_ =	shalt  }
0x3f: {  	_ =	shalt  }
0x40: {  	_ =	shalt  }
0x41: {  	_ =	shalt  }
0x42: {  	_ =	shalt  }
0x43: {  	_ =	shalt  }
0x44: {  	_ =	shalt  }
0x45: {  	_ =	shalt  }
0x46: {  	_ =	shalt  }
0x47: {  	_ =	shalt  }
0x48: {  	_ =	shalt  }
0x49: {  	_ =	shalt  }
0x4a: {  	_ =	shalt  }
0x4b: {  	_ =	shalt  }
0x4c: {  	_ =	shalt  }
0x4d: {  	_ =	shalt  }
0x4e: {  	_ =	shalt  }
0x4f: {  	_ =	shalt  }
0x50: {  	_ =	shalt  }
0x51: {  	_ =	shalt  }
0x52: {  	_ =	shalt  }
0x53: {  	_ =	shalt  }
0x54: {  	_ =	shalt  }
0x55: {  	_ =	shalt  }
0x56: {  	_ =	shalt  }
0x57: {  	_ =	shalt  }
0x58: {  	_ =	shalt  }
0x59: {  	_ =	shalt  }
0x5a: {  	_ =	shalt  }
0x5b: {  	_ =	shalt  }
0x5c: {  	_ =	shalt  }
0x5d: {  	_ =	shalt  }
0x5e: {  	_ =	shalt  }
0x5f: {  	_ =	shalt  }
0x60: {  	_ =	shalt  }
0x61: {  	_ =	shalt  }
0x62: {  	_ =	shalt  }
0x63: {  	_ =	shalt  }
0x64: {  	_ =	shalt  }
0x65: {  	_ =	shalt  }
0x66: {  	_ =	shalt  }
0x67: {  	_ =	shalt  }
0x68: {  	_ =	shalt  }
0x69: {  	_ =	shalt  }
0x6a: {  	_ =	shalt  }
0x6b: {  	_ =	shalt  }
0x6c: {  	_ =	shalt  }
0x6d: {  	_ =	shalt  }
0x6e: {  	_ =	shalt  }
0x6f: {  	_ =	shalt  }
0x70: {  	_ =	shalt  }
0x71: {  	_ =	shalt  }
0x72: {  	_ =	shalt  }
0x73: {  	_ =	shalt  }
0x74: {  	_ =	shalt  }
0x75: {  	_ =	shalt  }
0x76: {  	_ =	shalt  }
0x77: {  	_ =	shalt  }
0x78: {  	_ =	shalt  }
0x79: {  	_ =	shalt  }
0x7a: {  	_ =	shalt  }
0x7b: {  	_ =	shalt  }
0x7c: {  	_ =	shalt  }
0x7d: {  	_ =	shalt  }
0x7e: {  	_ =	shalt  }
0x7f: {  	_ =	shalt  }
0x80: {  	_ =	shalt  }
0x81: {  	_ =	shalt  }
0x82: {  	_ =	shalt  }
0x83: {  	_ =	shalt  }
0x84: {  	_ =	shalt  }
0x85: {  	_ =	shalt  }
0x86: {  	_ =	shalt  }
0x87: {  	_ =	shalt  }
.Lfunc_end0:
.L_simem_size_0:
called_computation_lowered:
.L_overlay_start_0:
0x88: {  	s2 =	sld [smem:$0x3FD9]  }
0x89: {  	s3 =	sld [smem:$0x3FFE];
	_ =	sdelay $0x1  }
0x8a: {  	s1 =	srdreg.scid  }
0x8b: {  	s0 =	sand.u32 $0x1, s1  }
0x8c: {  	s16 =	sshll.u32 s0, $0xA;
	s2 =	sadd.s32 s3, s2  }
0x8d: {  	s2 =	sadd.s32 s2, s16  }
0x8e: {  	[smem:$0x3FC4] =	sst s2  }
0x8f: {  	_ = 	snop  }
0x90: {  	(tm) =	ssettm $0x1  }
0x91: {  	s17 =	sld [smem:$0x3FFB];
	_ =	sdelay $0x3  }
0x92: {  	_ =	strace s17  }
0x93: {  	s2 =	sld [smem:$0x3FFC];
	_ =	sdelay $0x3  }
0x94: {  	_ =	strace s2  }
0x95: {  	s2 =	sld [smem:$0x3FFD];
	_ =	sdelay $0x3  }
0x96: {  	_ =	strace s2  }
0x97: {  	_ =	strace $0x8FFFFFFF  }
0x98: {  	s18 =	sld [smem:$0x3FDB];
	_ =	sdelay $0x1  }
0x99: {  	s19 =	simm.s32 $_scs_section_size  }
0x9a: {  	s4 =	simm.s32 $_size__tile_overlayer_lowered;
	s5 =	simm.s32 $_tile_overlayer_lowered  }
0x9b: {  	s22 =	simm.s32 $0x1BFF;
	s21 =	sshll.u32 s5, $0x1;
	s2 =	sadd.s32 s19, s18  }
0x9c: {  	s6 =	simm.s32 $0x0;
	s20 =	sshll.u32 s4, $0x1;
	s4 =	sadd.s32 s21, s2  }
0x9d: {  	[timem:s6], [sflag:s22] =	dma.local [hbm:s4], s20  }
0x9e: {  	_ =	swait.ge [sflag:s22], s20  }
0x9f: {  	s3 =	ssub.s32 $0x0, s20;
	[sflag:s22] =	ssyncset.done $0x0  }
0xa0: {  	[sflag:s22] =	ssyncadd.s32 s3;
	_ =	sdelay $0x1  }
0xa1: {  	s23 =	simm.s32 $0x1B8B  }
0xa2: {  	_ =	swait.ge [sflag:s23], $0x1  }
0xa3: {  	[sflag:s23] =	ssyncset.done $0x0  }
0xa4: {  	s25 =	simm.s32 $0x1B8E;
	s24 =	sld [smem:$0x3FFE];
	[sflag:s23] =	ssyncadd.s32 $0xFFFFFFFF  }
0xa5: {  	s26 =	simm.s32 $execute0_lowered;
	[smem:$0x3FD2] =	sst s25  }
0xa6: {  	s4 =	sshll.u32 s26, $0x1;
	_ =	strace $0x80000046;
	[dreg:$0x1] =	wrdreg $0xFFFFFFFF  }
0xa7: {  	s28 =	simm.s32 $_size_execute0_lowered;
	s2 =	sadd.s32 s2, s4;
	[dreg:$0x0] =	wrdreg $0x0  }
0xa8: {  	s4 =	sshll.u32 s28, $0x1;
	[dreg:$0x2] =	wrdreg s2  }
0xa9: {  	[dreg:$0x3] =	wrdreg s4  }
0xaa: {  	[dreg:$0x4] =	wrdreg $0xC0  }
0xab: {  	_ =	task [dreg:s6], $0x5FFFF  }
0xac: {  	[dreg:$0x1] =	wrdreg $0xFFFFFFFF  }
0xad: {  	[dreg:$0x0] =	wrdreg $0x60  }
0xae: {  	[dreg:$0x2] =	wrdreg s24  }
0xaf: {  	[dreg:$0x3] =	wrdreg $0x9  }
0xb0: {  	_ =	task.clear_ibuf [dreg:s6], $0x4FFFF;
	_ =	strace $0x90000046  }
0xb1: {  	s29 =	simm.s32 $0x9;
	_ =	strace $0x80000048  }
0xb2: {  	_ =	swait.ge [sflag:s29], $0x1  }
0xb3: {  	[sflag:s29] =	ssyncadd.s32 $0xFFFFFFFF  }
0xb4: {  	_ =	strace $0x90000048  }
0xb5: {  	_ =	sfence  }
0xb6: {  	s30 =	sld [smem:$0x0];
	_ =	sdelay $0x2  }
0xb7: {  	s31 =	sshll.u32 s1, $0xD;
	s1 =	sshrl.u32 s1, $0x2  }
0xb8: {  	s3 =	sand.u32 $0x4000, s31;
	s1 =	sadd.s32 s1, s30  }
0xb9: {  	s0 =	sor.u32 s3, s0;
	s1 =	sshll.u32 s1, $0x11  }
0xba: {  	s0 =	sor.u32 s1, s0  }
0xbb: {  	s0 =	sadd.s32 $0x8F2B, s0  }
0xbc: {  	[sflag:s0] =	ssyncadd.remote.s32 $0x1  }
0xbd: {  	_ =	sfence.sel $0xFFFF  }
0xbe: {  	[dreg:$0x0] =	wrdreg $0xFFFFFFFF;
	(pc) =	sbr.abs _section_cstart, $3  }
0xbf: {  	[dreg:$0x1] =	wrdreg $0xFFFFFFFF  }
0xc0: {  	_ =	task.clear_ibuf [dreg:s6], $0x2FFFF;
	_ =	strace $0x9FFFFFFF  }
0xc1: {  	(tm) =	ssettm $0x7FFFFFFF  }
tec
execute0_lowered:
.L_overlay_start_1:
0x0: {  	(tag) =	ssettag $0x1  }
0x1: {  	s4 =	rddreg [dreg:$0x0];
	s2 =	simm.s32 $0x0  }
0x2: {  	s11 =	simm.s32 $0x1400;
	[smem:$0x7FF] =	sst s2  }
0x3: {  	s12 =	simm.s32 $0x1800;
	_ =	strace $0x80000047;
	[dreg:$0x4] =	wrdreg s11  }
0x4: {  	s13 =	simm.s32 $0x1C00;
	[dreg:$0x5] =	wrdreg s12  }
0x5: {  	s14 =	simm.s32 $0x2000;
	[dreg:$0x6] =	wrdreg s13  }
0x6: {  	s15 =	simm.s32 $0x2400;
	[dreg:$0x7] =	wrdreg s14  }
0x7: {  	s16 =	simm.s32 $0x2800;
	[dreg:$0x8] =	wrdreg s15  }
0x8: {  	s17 =	simm.s32 $0x2C00;
	[dreg:$0x9] =	wrdreg s16  }
0x9: {  	s18 =	simm.s32 $0x3000;
	[dreg:$0xa] =	wrdreg s17  }
0xa: {  	s19 =	simm.s32 $0x3400;
	[dreg:$0xb] =	wrdreg s18  }
0xb: {  	s20 =	simm.s32 $0x3800;
	[dreg:$0xc] =	wrdreg s19  }
0xc: {  	s21 =	simm.s32 $0x3C00;
	[dreg:$0xd] =	wrdreg s20  }
0xd: {  	s22 =	simm.s32 $0x4000;
	[dreg:$0xe] =	wrdreg s21  }
0xe: {  	s23 =	simm.s32 $0x4400;
	[dreg:$0xf] =	wrdreg s22  }
0xf: {  	s24 =	simm.s32 $0x4800;
	[dreg:$0x10] =	wrdreg s23  }
0x10: {  	s25 =	simm.s32 $0x4C00;
	[dreg:$0x11] =	wrdreg s24  }
0x11: {  	s26 =	simm.s32 $0x5000;
	[dreg:$0x12] =	wrdreg s25  }
0x12: {  	s28 =	simm.s32 $0x5400;
	[dreg:$0x13] =	wrdreg s26  }
0x13: {  	s29 =	simm.s32 $0x5800;
	[dreg:$0x14] =	wrdreg s28  }
0x14: {  	s30 =	simm.s32 $0x5C00;
	[dreg:$0x15] =	wrdreg s29  }
0x15: {  	s1 =	stileid.u32;
	s31 =	simm.s32 $0x6000;
	[dreg:$0x16] =	wrdreg s30  }
0x16: {  	s7 =	sshll.u32 s1, $0xA;
	s1 =	simm.s32 $0x6400;
	[dreg:$0x17] =	wrdreg s31  }
0x17: {  	s3 =	simm.s32 $0x6800;
	[dreg:$0x18] =	wrdreg s1  }
0x18: {  	s5 =	simm.s32 $0x6C00;
	[dreg:$0x19] =	wrdreg s3  }
0x19: {  	s6 =	simm.s32 $0x7000;
	[dreg:$0x1a] =	wrdreg s5  }
0x1a: {  	[dreg:$0x1b] =	wrdreg s6;
	s11 =	simm.s32 $0x8000  }
0x1b: {  	s0 =	srdreg.scid;
	s12 =	simm.s32 $0x8400;
	[dreg:$0x1f] =	wrdreg s11  }
0x1c: {  	s8 =	sand.u32 $0x1, s0;
	s13 =	simm.s32 $0x8800;
	[smem:$0x7FB] =	sst s12  }
0x1d: {  	s9 =	sshll.u32 s8, $0x9;
	s14 =	simm.s32 $0x8C00;
	[smem:$0x7FC] =	sst s13  }
0x1e: {  	s0 =	sor.u32 s9, s7;
	s7 =	simm.s32 $0x7400;
	[smem:$0x7FD] =	sst s14  }
0x1f: {  	s9 =	simm.s32 $0x7800;
	s0 =	sadd.s32 s0, s4;
	[dreg:$0x1c] =	wrdreg s7  }
0x20: {  	[dreg:$0x1d] =	wrdreg s9;
	s10 =	sadd.s32 $0x187000, s0  }
0x21: {  	s0 =	sadd.s32 $0x18B000, s0;
	[dreg:$0x2] =	wrdreg s10  }
0x22: {  	v2 =	vlaneseq.u32;
	[dreg:$0x3] =	wrdreg s0;
	s10 =	simm.s32 $0x7C00  }
0x23: {  	v0 =	vmul.u32 $0x80, v2;
	[dreg:$0x1e] =	wrdreg s10  }
0x24: {  	s3 =	simm.s32 $0x2;
	s1 =	rddreg [dreg:$0x2]  }
0x25: {  	[tilespmem:s2], [sflag:$0x2] =	stream.linear.gather [hbm4b:s1+s2], $0x1000, $0x38;
	[tilespmem:$0xA000] =	vst v63  }
0x26: {  	_ =	swait.ge [sflag:s3], $0x1000  }
0x27: {  	[sflag:s3] =	ssyncset.done $0x0  }
0x28: {  	[sflag:s3] =	ssyncadd.s32 $0xFFFFF000  }
0x29: {  	v3 =	vld.idx.msk [tilespmem:v0+s2+$0x0], $0xffff;
	_ =	sdelay $0x3  }
0x2a: {  	vm0 =	vmmov $0x1  }
0x2b: {  	vm1 =	vcmask $0x308;
	v1 =	vnsel vm0, $0x0, v3  }
0x2c: {  	vm2 =	vcmask $0x70C;
	v4 =	vsel vm1, $0x0, v3;
	v1 =	vxor.u32 $0x80000000, v1  }
0x2d: {  	v4 =	vxor.u32 $0x80000000, v4;
	(xrf0) =	vmax.scan.msk.u32 $0xffff, v1;
	v1 =	vsel vm2, $0x0, v3  }
0x2e: {  	(xrf0) =	vmax.scan.msk.u32 $0xffff, v4;
	v1 =	vxor.u32 $0x80000000, v1  }
0x2f: {  	vm3 =	vcmask $0xB10;
	(xrf0) =	vmax.scan.msk.u32 $0xffff, v1  }
0x30: {  	vm4 =	vcmask $0xF14;
	v1 =	vsel vm3, $0x0, v3  }
0x31: {  	v4 =	vsel vm4, $0x0, v3;
	v1 =	vxor.u32 $0x80000000, v1  }
0x32: {  	v4 =	vxor.u32 $0x80000000, v4  }
0x33: {  	v5, _, _ =	vpop (xrf0)  }
0x34: {  	vm5 =	vcmask $0x1318;
	(xrf0) =	vmax.scan.msk.u32 $0xffff, v1;
	(v2sf) =	vpush v5, $0xF;
	v1, _, _ =	vpop (xrf0)  }
0x35: {  	vm6 =	vcmask $0x171C;
	vm7 =	vcmask $0x1B20;
	(xrf0) =	vmax.scan.msk.u32 $0xffff, v4;
	(v2sf) =	vpush v1, $0xF;
	v4, _, _ =	vpop (xrf0)  }
0x36: {  	v1 =	vsel vm5, $0x0, v3;
	(v2sf) =	vpush v4, $0xF;
	v4 =	vsel vm7, $0x0, v3  }
0x37: {  	v5 =	vsel vm6, $0x0, v3;
	v1 =	vxor.u32 $0x80000000, v1;
	v4 =	vxor.u32 $0x80000000, v4  }
0x38: {  	v5 =	vxor.u32 $0x80000000, v5;
	(xrf0) =	vmax.scan.msk.u32 $0xffff, v1  }
0x39: {  	vm9 =	vcmask $0x2328;
	(xrf0) =	vmax.scan.msk.u32 $0xffff, v5  }
0x3a: {  	vm8 =	vcmask $0x1F24;
	v6 =	vsel vm9, $0x0, v3;
	(xrf0) =	vmax.scan.msk.u32 $0xffff, v4;
	v4, _, _ =	vpop (xrf0)  }
0x3b: {  	v6 =	vxor.u32 $0x80000000, v6;
	v5 =	vsel vm8, $0x0, v3;
	(v2sf) =	vpush v4, $0xF;
	v4, _, _ =	vpop (xrf0)  }
0x3c: {  	vm10 =	vcmask $0x272C;
	v5 =	vxor.u32 $0x80000000, v5;
	(v2sf) =	vpush v4, $0xF  }
0x3d: {  	vm11 =	vcmask $0x2B30;
	(xrf0) =	vmax.scan.msk.u32 $0xffff, v5;
	v4 =	vsel vm10, $0x0, v3  }
0x3e: {  	v5 =	vsel vm11, $0x0, v3;
	(xrf0) =	vmax.scan.msk.u32 $0xffff, v6;
	v4 =	vxor.u32 $0x80000000, v4;
	v6, _, _ =	vpop (xrf0)  }
0x3f: {  	v5 =	vxor.u32 $0x80000000, v5;
	(v2sf) =	vpush v6, $0xF  }
0x40: {  	vm12 =	vcmask $0x2F34  }
0x41: {  	vm13 =	vcmask $0x3338;
	vm14 =	vcmask $0x373C;
	v7 =	vsel vm12, $0x0, v3;
	(xrf0) =	vmax.scan.msk.u32 $0xffff, v4;
	v4, _, _ =	vpop (xrf0)  }
0x42: {  	v7 =	vxor.u32 $0x80000000, v7;
	v1 =	vor.u32 $0x800, v0;
	v6 =	vsel vm13, $0x0, v3;
	(xrf0) =	vmax.scan.msk.u32 $0xffff, v5;
	v5, _, _ =	vpop (xrf0)  }
0x43: {  	v8 =	vsel vm14, $0x0, v3;
	v6 =	vxor.u32 $0x80000000, v6;
	(xrf0) =	vmax.scan.msk.u32 $0xffff, v7;
	(v2sf) =	vpush v5, $0xF;
	s15 =	spop (v2sf)  }
0x44: {  	s4 =	sadd.s32 $0x600, s4;
	v5 =	vxor.u32 $0x80000000, v8;
	(xrf0) =	vmax.scan.msk.u32 $0xffff, v6;
	(v2sf) =	vpush v4, $0xF;
	s0 =	sshll.u32 s15, $0x4;
	s16 =	spop (v2sf)  }
0x45: {  	s7 =	simm.s32 $0x1000;
	v7, _, _ =	vpop (xrf0);
	(xrf0) =	vmax.scan.msk.u32 $0xffff, v5;
	s0 =	sand.u32 $0x1FFFFF80, s0;
	s1 =	sshll.u32 s16, $0x4  }
0x46: {  	v4, _, _ =	vpop (xrf0);
	s5 =	spop (v2sf);
	s0 =	sadd.s32 s4, s0;
	s1 =	sand.u32 $0x1FFFFF80, s1  }
0x47: {  	v6 =	vld.idx.msk [tilespmem:v1+s2+$0x0], $0xffff;
	v5, _, _ =	vpop (xrf0);
	[tilespmem:s7], [sflag:$0x1] =	stream.linear.gather [hbm4b:s0+s2], $0x400, $0x38  }
0x48: {  	s17 =	rddreg [dreg:$0x4];
	(v2sf) =	vpush v7, $0xF;
	v8, _, _ =	vpop (xrf0);
	s18 =	sshll.u32 s5, $0x4;
	s1 =	sadd.s32 s4, s1  }
0x49: {  	v9, _, _ =	vpop (xrf0);
	[tilespmem:s17], [sflag:$0x1] =	stream.linear.gather [hbm4b:s1+s2], $0x400, $0x38;
	[tilespmem:$0xA000] =	vst v63  }
0x4a: {  	s19 =	rddreg [dreg:$0x5];
	s0 =	sand.u32 $0x1FFFFF80, s18;
	v10, _, _ =	vpop (xrf0);
	s21 =	spop (v2sf)  }
0x4b: {  	s0 =	sadd.s32 s4, s0;
	v7, _, _ =	vpop (xrf0);
	s3 =	sshll.u32 s21, $0x4;
	s6 =	spop (v2sf)  }
0x4c: {  	(v2sf) =	vpush v7, $0xF;
	[tilespmem:s19], [sflag:$0x1] =	stream.linear.gather [hbm4b:s0+s2], $0x400, $0x38;
	[tilespmem:$0xA000] =	vst v63  }
0x4d: {  	vm15 =	vmmov $0x7fff;
	s20 =	rddreg [dreg:$0x6];
	(v2sf) =	vpush v10, $0xF;
	s23 =	sshll.u32 s6, $0x4;
	s3 =	sand.u32 $0x1FFFFF80, s3  }
0x4e: {  	v7 =	vsel vm15, $0x0, v3;
	s24 =	spop (v2sf);
	s3 =	sadd.s32 s4, s3;
	s5 =	sand.u32 $0x1FFFFF80, s23  }
0x4f: {  	v7 =	vxor.u32 $0x80000000, v7;
	(v2sf) =	vpush v4, $0xF;
	[tilespmem:s20], [sflag:$0x1] =	stream.linear.gather [hbm4b:s3+s2], $0x400, $0x38;
	[tilespmem:$0xA000] =	vst v63  }
0x50: {  	s22 =	rddreg [dreg:$0x7];
	(xrf0) =	vmax.scan.msk.u32 $0xffff, v7;
	s26 =	sadd.s32 s4, s5;
	s29 =	sshll.u32 s24, $0x4  }
0x51: {  	(v2sf) =	vpush v5, $0xF;
	[tilespmem:s22], [sflag:$0x1] =	stream.linear.gather [hbm4b:s26+s2], $0x400, $0x38;
	[tilespmem:$0xA000] =	vst v63  }
0x52: {  	s3 =	sand.u32 $0x1FFFFF80, s29;
	s25 =	spop (v2sf)  }
0x53: {  	s28 =	rddreg [dreg:$0x8];
	s3 =	sadd.s32 s4, s3;
	s30 =	spop (v2sf)  }
0x54: {  	[tilespmem:s28], [sflag:$0x1] =	stream.linear.gather [hbm4b:s3+s2], $0x400, $0x38;
	[tilespmem:$0xA000] =	vst v63  }
0x55: {  	s5 =	sshll.u32 s30, $0x4  }
0x56: {  	s31 =	rddreg [dreg:$0x9];
	v4, _, _ =	vpop (xrf0);
	s9 =	sshll.u32 s25, $0x4;
	s5 =	sand.u32 $0x1FFFFF80, s5  }
0x57: {  	(v2sf) =	vpush v4, $0xF;
	s13 =	spop (v2sf);
	s14 =	sand.u32 $0x1FFFFF80, s9;
	s10 =	sadd.s32 s4, s5  }
0x58: {  	(v2sf) =	vpush v8, $0xF;
	[tilespmem:s31], [sflag:$0x1] =	stream.linear.gather [hbm4b:s10+s2], $0x400, $0x38;
	[tilespmem:$0xA000] =	vst v63  }
0x59: {  	s11 =	rddreg [dreg:$0xa];
	v4 =	vnsel vm0, $0x0, v6;
	s6 =	sadd.s32 s4, s14;
	s5 =	sshll.u32 s13, $0x4  }
0x5a: {  	v5 =	vsel vm1, $0x0, v6;
	v4 =	vxor.u32 $0x80000000, v4;
	[tilespmem:s11], [sflag:$0x1] =	stream.linear.gather [hbm4b:s6+s2], $0x400, $0x38;
	[tilespmem:$0xA000] =	vst v63  }
0x5b: {  	(xrf0) =	vmax.scan.msk.u32 $0xffff, v4;
	v4 =	vxor.u32 $0x80000000, v5;
	s5 =	sand.u32 $0x1FFFFF80, s5;
	s15 =	spop (v2sf)  }
0x5c: {  	s12 =	rddreg [dreg:$0xb];
	(xrf0) =	vmax.scan.msk.u32 $0xffff, v4;
	s5 =	sadd.s32 s4, s5;
	s16 =	spop (v2sf)  }
0x5d: {  	v4 =	vsel vm2, $0x0, v6;
	(v2sf) =	vpush v9, $0xF;
	[tilespmem:s12], [sflag:$0x1] =	stream.linear.gather [hbm4b:s5+s2], $0x400, $0x38;
	[tilespmem:$0xA000] =	vst v63  }
0x5e: {  	v5 =	vsel vm3, $0x0, v6;
	v4 =	vxor.u32 $0x80000000, v4;
	s17 =	spop (v2sf)  }
0x5f: {  	v7 =	vsel vm4, $0x0, v6;
	v5 =	vxor.u32 $0x80000000, v5;
	(xrf0) =	vmax.scan.msk.u32 $0xffff, v4;
	s19 =	sshll.u32 s17, $0x4  }
0x60: {  	v4 =	vxor.u32 $0x80000000, v7;
	(xrf0) =	vmax.scan.msk.u32 $0xffff, v5;
	s20 =	spop (v2sf);
	s5 =	sand.u32 $0x1FFFFF80, s19  }
0x61: {  	s18 =	rddreg [dreg:$0xc];
	v7 =	vsel vm5, $0x0, v6;
	(xrf0) =	vmax.scan.msk.u32 $0xffff, v4;
	s22 =	sshll.u32 s20, $0x4;
	s5 =	sadd.s32 s4, s5  }
0x62: {  	v4 =	vxor.u32 $0x80000000, v7;
	[tilespmem:s18], [sflag:$0x1] =	stream.linear.gather [hbm4b:s5+s2], $0x400, $0x38;
	[tilespmem:$0xA000] =	vst v63  }
0x63: {  	v5, _, _ =	vpop (xrf0);
	s5 =	sand.u32 $0x1FFFFF80, s22  }
0x64: {  	s21 =	rddreg [dreg:$0xd];
	(xrf0) =	vmax.scan.msk.u32 $0xffff, v4;
	(v2sf) =	vpush v5, $0xF;
	s5 =	sadd.s32 s4, s5  }
0x65: {  	v4, _, _ =	vpop (xrf0);
	[tilespmem:s21], [sflag:$0x1] =	stream.linear.gather [hbm4b:s5+s2], $0x400, $0x38;
	[tilespmem:$0xA000] =	vst v63  }
0x66: {  	(v2sf) =	vpush v4, $0xF;
	s23 =	spop (v2sf)  }
0x67: {  	s24 =	spop (v2sf)  }
0x68: {  	s1 =	sshll.u32 s24, $0x4  }
0x69: {  	s29 =	rddreg [dreg:$0x10];
	s1 =	sand.u32 $0x1FFFFF80, s1  }
0x6a: {  	s25 =	rddreg [dreg:$0xe];
	v4, _, _ =	vpop (xrf0);
	s1 =	sadd.s32 s4, s1  }
0x6b: {  	v5, _, _ =	vpop (xrf0);
	[tilespmem:s25], [sflag:$0x1] =	stream.linear.gather [hbm4b:s1+s2], $0x400, $0x38;
	[tilespmem:$0xA000] =	vst v63  }
0x6c: {  	s28 =	rddreg [dreg:$0xf];
	s26 =	spop (v2sf);
	(v2sf) =	vpush v4, $0xF;
	v4, _, _ =	vpop (xrf0)  }
0x6d: {  	s30 =	rddreg [dreg:$0x11];
	s1 =	sshll.u32 s26, $0x4;
	v7, _, _ =	vpop (xrf0)  }
0x6e: {  	s31 =	rddreg [dreg:$0x12];
	s3 =	sshll.u32 s16, $0x4;
	s1 =	sand.u32 $0x1FFFFF80, s1;
	(v2sf) =	vpush v7, $0xF  }
0x6f: {  	s0 =	sshll.u32 s15, $0x4;
	s3 =	sand.u32 $0x1FFFFF80, s3;
	s1 =	sadd.s32 s4, s1;
	(v2sf) =	vpush v4, $0xF;
	v4 =	vsel vm6, $0x0, v6  }
0x70: {  	[tilespmem:s28], [sflag:$0x1] =	stream.linear.gather [hbm4b:s1+s2], $0x400, $0x38;
	v4 =	vxor.u32 $0x80000000, v4;
	[tilespmem:$0xA000] =	vst v63  }
0x71: {  	s0 =	sand.u32 $0x1FFFFF80, s0;
	s3 =	sadd.s32 s4, s3;
	s9 =	sshll.u32 s23, $0x4;
	(xrf0) =	vmax.scan.msk.u32 $0xffff, v4  }
0x72: {  	(v2sf) =	vpush v5, $0xF;
	[tilespmem:s29], [sflag:$0x1] =	stream.linear.gather [hbm4b:s3+s2], $0x400, $0x38;
	[tilespmem:$0xA000] =	vst v63  }
0x73: {  	s0 =	sadd.s32 s4, s0;
	s10 =	sand.u32 $0x1FFFFF80, s9;
	s11 =	spop (v2sf);
	v4 =	vsel vm7, $0x0, v6  }
0x74: {  	v4 =	vxor.u32 $0x80000000, v4;
	[tilespmem:s30], [sflag:$0x1] =	stream.linear.gather [hbm4b:s0+s2], $0x400, $0x38;
	[tilespmem:$0xA000] =	vst v63  }
0x75: {  	s1 =	sshll.u32 s11, $0x4;
	s13 =	spop (v2sf);
	(xrf0) =	vmax.scan.msk.u32 $0xffff, v4;
	s0 =	sadd.s32 s4, s10  }
0x76: {  	v4 =	vsel vm8, $0x0, v6;
	[tilespmem:s31], [sflag:$0x1] =	stream.linear.gather [hbm4b:s0+s2], $0x400, $0x38;
	[tilespmem:$0xA000] =	vst v63  }
0x77: {  	s1 =	sand.u32 $0x1FFFFF80, s1;
	v4 =	vxor.u32 $0x80000000, v4;
	s0 =	sshll.u32 s13, $0x4  }
0x78: {  	s12 =	rddreg [dreg:$0x13];
	s1 =	sadd.s32 s4, s1;
	s0 =	sand.u32 $0x1FFFFF80, s0;
	v5, _, _ =	vpop (xrf0);
	(xrf0) =	vmax.scan.msk.u32 $0xffff, v4  }
0x79: {  	[tilespmem:s12], [sflag:$0x1] =	stream.linear.gather [hbm4b:s1+s2], $0x400, $0x38;
	(v2sf) =	vpush v5, $0xF;
	[tilespmem:$0xA000] =	vst v63  }
0x7a: {  	s14 =	rddreg [dreg:$0x14];
	v4 =	vsel vm9, $0x0, v6;
	s0 =	sadd.s32 s4, s0  }
0x7b: {  	v4 =	vxor.u32 $0x80000000, v4;
	v5, _, _ =	vpop (xrf0);
	[tilespmem:s14], [sflag:$0x1] =	stream.linear.gather [hbm4b:s0+s2], $0x400, $0x38;
	[tilespmem:$0xA000] =	vst v63  }
0x7c: {  	(xrf0) =	vmax.scan.msk.u32 $0xffff, v4;
	(v2sf) =	vpush v5, $0xF;
	s15 =	spop (v2sf)  }
0x7d: {  	s1 =	sshll.u32 s15, $0x4  }
0x7e: {  	s17 =	spop (v2sf);
	s1 =	sand.u32 $0x1FFFFF80, s1  }
0x7f: {  	s16 =	rddreg [dreg:$0x15];
	v5, _, _ =	vpop (xrf0);
	s18 =	spop (v2sf);
	s1 =	sadd.s32 s4, s1  }
0x80: {  	v4 =	vsel vm10, $0x0, v6;
	(v2sf) =	vpush v5, $0xF;
	[tilespmem:s16], [sflag:$0x1] =	stream.linear.gather [hbm4b:s1+s2], $0x400, $0x38;
	[tilespmem:$0xA000] =	vst v63  }
0x81: {  	v4 =	vxor.u32 $0x80000000, v4;
	s19 =	spop (v2sf)  }
0x82: {  	(xrf0) =	vmax.scan.msk.u32 $0xffff, v4;
	v4 =	vsel vm11, $0x0, v6;
	v5, _, _ =	vpop (xrf0);
	s1 =	sshll.u32 s19, $0x4  }
0x83: {  	s20 =	rddreg [dreg:$0x16];
	v4 =	vxor.u32 $0x80000000, v4;
	s3 =	sshll.u32 s18, $0x4;
	(v2sf) =	vpush v5, $0xF;
	s1 =	sand.u32 $0x1FFFFF80, s1  }
0x84: {  	s0 =	sshll.u32 s17, $0x4;
	(xrf0) =	vmax.scan.msk.u32 $0xffff, v4;
	s3 =	sand.u32 $0x1FFFFF80, s3;
	s1 =	sadd.s32 s4, s1  }
0x85: {  	[tilespmem:s20], [sflag:$0x1] =	stream.linear.gather [hbm4b:s1+s2], $0x400, $0x38;
	[tilespmem:$0xA000] =	vst v63  }
0x86: {  	s21 =	rddreg [dreg:$0x17];
	s0 =	sand.u32 $0x1FFFFF80, s0;
	v4 =	vsel vm12, $0x0, v6;
	s3 =	sadd.s32 s4, s3  }
0x87: {  	v4 =	vxor.u32 $0x80000000, v4;
	[tilespmem:s21], [sflag:$0x1] =	stream.linear.gather [hbm4b:s3+s2], $0x400, $0x38;
	[tilespmem:$0xA000] =	vst v63  }
0x88: {  	s22 =	rddreg [dreg:$0x18];
	s0 =	sadd.s32 s4, s0;
	v5, _, _ =	vpop (xrf0);
	(xrf0) =	vmax.scan.msk.u32 $0xffff, v4;
	s23 =	spop (v2sf)  }
0x89: {  	v4 =	vsel vm13, $0x0, v6;
	(v2sf) =	vpush v5, $0xF;
	[tilespmem:s22], [sflag:$0x1] =	stream.linear.gather [hbm4b:s0+s2], $0x400, $0x38;
	[tilespmem:$0xA000] =	vst v63  }
0x8a: {  	v4 =	vxor.u32 $0x80000000, v4;
	v5, _, _ =	vpop (xrf0);
	s25 =	sshll.u32 s23, $0x4  }
0x8b: {  	(xrf0) =	vmax.scan.msk.u32 $0xffff, v4;
	s1 =	sand.u32 $0x1FFFFF80, s25;
	s26 =	spop (v2sf);
	(v2sf) =	vpush v5, $0xF  }
0x8c: {  	s24 =	rddreg [dreg:$0x19];
	s1 =	sadd.s32 s4, s1;
	s29 =	sshll.u32 s26, $0x4  }
0x8d: {  	[tilespmem:s24], [sflag:$0x1] =	stream.linear.gather [hbm4b:s1+s2], $0x400, $0x38;
	[tilespmem:$0xA000] =	vst v63  }
0x8e: {  	v5, _, _ =	vpop (xrf0);
	s1 =	sand.u32 $0x1FFFFF80, s29  }
0x8f: {  	s28 =	rddreg [dreg:$0x1a];
	v4 =	vsel vm14, $0x0, v6;
	s1 =	sadd.s32 s4, s1;
	s30 =	spop (v2sf);
	(v2sf) =	vpush v5, $0xF  }
0x90: {  	v4 =	vxor.u32 $0x80000000, v4;
	[tilespmem:s28], [sflag:$0x1] =	stream.linear.gather [hbm4b:s1+s2], $0x400, $0x38;
	[tilespmem:$0xA000] =	vst v63  }
0x91: {  	(xrf0) =	vmax.scan.msk.u32 $0xffff, v4;
	v4 =	vsel vm15, $0x0, v6;
	v5, _, _ =	vpop (xrf0);
	s3 =	sshll.u32 s30, $0x4  }
0x92: {  	v4 =	vxor.u32 $0x80000000, v4;
	s1 =	sand.u32 $0x1FFFFF80, s3;
	s5 =	spop (v2sf);
	(v2sf) =	vpush v5, $0xF  }
0x93: {  	s31 =	rddreg [dreg:$0x1b];
	(xrf0) =	vmax.scan.msk.u32 $0xffff, v4;
	s1 =	sadd.s32 s4, s1;
	s9 =	sshll.u32 s5, $0x4  }
0x94: {  	[tilespmem:s31], [sflag:$0x1] =	stream.linear.gather [hbm4b:s1+s2], $0x400, $0x38;
	[tilespmem:$0xA000] =	vst v63  }
0x95: {  	s1 =	sand.u32 $0x1FFFFF80, s9  }
0x96: {  	s6 =	rddreg [dreg:$0x1c];
	s1 =	sadd.s32 s4, s1  }
0x97: {  	v4, _, _ =	vpop (xrf0);
	[tilespmem:s6], [sflag:$0x1] =	stream.linear.gather [hbm4b:s1+s2], $0x400, $0x38;
	[tilespmem:$0xA000] =	vst v63  }
0x98: {  	s10 =	spop (v2sf);
	(v2sf) =	vpush v4, $0xF  }
0x99: {  	v4, _, _ =	vpop (xrf0);
	s12 =	sshll.u32 s10, $0x4  }
0x9a: {  	s1 =	sand.u32 $0x1FFFFF80, s12;
	s13 =	spop (v2sf);
	(v2sf) =	vpush v4, $0xF  }
0x9b: {  	s11 =	rddreg [dreg:$0x1d];
	s1 =	sadd.s32 s4, s1;
	s15 =	sshll.u32 s13, $0x4  }
0x9c: {  	[tilespmem:s11], [sflag:$0x1] =	stream.linear.gather [hbm4b:s1+s2], $0x400, $0x38;
	[tilespmem:$0xA000] =	vst v63  }
0x9d: {  	s1 =	sand.u32 $0x1FFFFF80, s15  }
0x9e: {  	s14 =	rddreg [dreg:$0x1e];
	s1 =	sadd.s32 s4, s1;
	s16 =	spop (v2sf)  }
0x9f: {  	[tilespmem:s14], [sflag:$0x1] =	stream.linear.gather [hbm4b:s1+s2], $0x400, $0x38;
	[tilespmem:$0xA000] =	vst v63  }
0xa0: {  	s18 =	sshll.u32 s16, $0x4  }
0xa1: {  	s17 =	rddreg [dreg:$0x1f];
	s1 =	sand.u32 $0x1FFFFF80, s18;
	s19 =	spop (v2sf)  }
0xa2: {  	s20 =	sld [smem:$0x7FB];
	s1 =	sadd.s32 s4, s1;
	s21 =	sshll.u32 s19, $0x4  }
0xa3: {  	[tilespmem:s17], [sflag:$0x1] =	stream.linear.gather [hbm4b:s1+s2], $0x400, $0x38;
	[tilespmem:$0xA000] =	vst v63  }
0xa4: {  	s1 =	sand.u32 $0x1FFFFF80, s21  }
0xa5: {  	s1 =	sadd.s32 s4, s1  }
0xa6: {  	[tilespmem:s20], [sflag:$0x1] =	stream.linear.gather [hbm4b:s1+s2], $0x400, $0x38;
	[tilespmem:$0xA000] =	vst v63  }
0xa7: {  	s22 =	spop (v2sf)  }
0xa8: {  	s23 =	sld [smem:$0x7FC];
	s24 =	sshll.u32 s22, $0x4  }
0xa9: {  	s1 =	sand.u32 $0x1FFFFF80, s24;
	s25 =	spop (v2sf)  }
0xaa: {  	s26 =	sld [smem:$0x7FD];
	s1 =	sadd.s32 s4, s1;
	s28 =	sshll.u32 s25, $0x4  }
0xab: {  	[tilespmem:s23], [sflag:$0x1] =	stream.linear.gather [hbm4b:s1+s2], $0x400, $0x38;
	[tilespmem:$0xA000] =	vst v63  }
0xac: {  	s1 =	sand.u32 $0x1FFFFF80, s28  }
0xad: {  	s6 =	simm.s32 $0x1;
	s1 =	sadd.s32 s4, s1  }
0xae: {  	[tilespmem:s26], [sflag:$0x1] =	stream.linear.gather [hbm4b:s1+s2], $0x400, $0x38;
	[tilespmem:$0xA000] =	vst v63  }
0xaf: {  	_ =	swait.ge [sflag:s6], $0x400  }
0xb0: {  	[sflag:s6] =	ssyncset.done $0x0  }
0xb1: {  	[sflag:s6] =	ssyncadd.s32 $0xFFFFFC00  }
0xb2: {  	_ =	swait.ge [sflag:s6], $0x400  }
0xb3: {  	[sflag:s6] =	ssyncset.done $0x0  }
0xb4: {  	[sflag:s6] =	ssyncadd.s32 $0xFFFFFC00  }
0xb5: {  	_ =	swait.ge [sflag:s6], $0x400  }
0xb6: {  	[sflag:s6] =	ssyncset.done $0x0  }
0xb7: {  	[sflag:s6] =	ssyncadd.s32 $0xFFFFFC00  }
0xb8: {  	_ =	swait.ge [sflag:s6], $0x400  }
0xb9: {  	[sflag:s6] =	ssyncset.done $0x0  }
0xba: {  	[sflag:s6] =	ssyncadd.s32 $0xFFFFFC00  }
0xbb: {  	_ =	swait.ge [sflag:s6], $0x400  }
0xbc: {  	[sflag:s6] =	ssyncset.done $0x0  }
0xbd: {  	[sflag:s6] =	ssyncadd.s32 $0xFFFFFC00  }
0xbe: {  	_ =	swait.ge [sflag:s6], $0x400  }
0xbf: {  	[sflag:s6] =	ssyncset.done $0x0  }
0xc0: {  	[sflag:s6] =	ssyncadd.s32 $0xFFFFFC00  }
0xc1: {  	_ =	swait.ge [sflag:s6], $0x400  }
0xc2: {  	[sflag:s6] =	ssyncset.done $0x0  }
0xc3: {  	[sflag:s6] =	ssyncadd.s32 $0xFFFFFC00  }
0xc4: {  	_ =	swait.ge [sflag:s6], $0x400  }
0xc5: {  	[sflag:s6] =	ssyncset.done $0x0  }
0xc6: {  	[sflag:s6] =	ssyncadd.s32 $0xFFFFFC00  }
0xc7: {  	_ =	swait.ge [sflag:s6], $0x400  }
0xc8: {  	[sflag:s6] =	ssyncset.done $0x0  }
0xc9: {  	[sflag:s6] =	ssyncadd.s32 $0xFFFFFC00  }
0xca: {  	_ =	swait.ge [sflag:s6], $0x400  }
0xcb: {  	[sflag:s6] =	ssyncset.done $0x0  }
0xcc: {  	[sflag:s6] =	ssyncadd.s32 $0xFFFFFC00  }
0xcd: {  	_ =	swait.ge [sflag:s6], $0x400  }
0xce: {  	[sflag:s6] =	ssyncset.done $0x0  }
0xcf: {  	[sflag:s6] =	ssyncadd.s32 $0xFFFFFC00  }
0xd0: {  	_ =	swait.ge [sflag:s6], $0x400  }
0xd1: {  	[sflag:s6] =	ssyncset.done $0x0  }
0xd2: {  	[sflag:s6] =	ssyncadd.s32 $0xFFFFFC00  }
0xd3: {  	_ =	swait.ge [sflag:s6], $0x400  }
0xd4: {  	[sflag:s6] =	ssyncset.done $0x0  }
0xd5: {  	[sflag:s6] =	ssyncadd.s32 $0xFFFFFC00  }
0xd6: {  	_ =	swait.ge [sflag:s6], $0x400  }
0xd7: {  	[sflag:s6] =	ssyncset.done $0x0  }
0xd8: {  	[sflag:s6] =	ssyncadd.s32 $0xFFFFFC00  }
0xd9: {  	_ =	swait.ge [sflag:s6], $0x400  }
0xda: {  	[sflag:s6] =	ssyncset.done $0x0  }
0xdb: {  	[sflag:s6] =	ssyncadd.s32 $0xFFFFFC00  }
0xdc: {  	_ =	swait.ge [sflag:s6], $0x400  }
0xdd: {  	[sflag:s6] =	ssyncset.done $0x0  }
0xde: {  	[sflag:s6] =	ssyncadd.s32 $0xFFFFFC00  }
0xdf: {  	_ =	swait.ge [sflag:s6], $0x400  }
0xe0: {  	[sflag:s6] =	ssyncset.done $0x0  }
0xe1: {  	[sflag:s6] =	ssyncadd.s32 $0xFFFFFC00  }
0xe2: {  	_ =	swait.ge [sflag:s6], $0x400  }
0xe3: {  	[sflag:s6] =	ssyncset.done $0x0  }
0xe4: {  	[sflag:s6] =	ssyncadd.s32 $0xFFFFFC00  }
0xe5: {  	_ =	swait.ge [sflag:s6], $0x400  }
0xe6: {  	[sflag:s6] =	ssyncset.done $0x0  }
0xe7: {  	[sflag:s6] =	ssyncadd.s32 $0xFFFFFC00  }
0xe8: {  	_ =	swait.ge [sflag:s6], $0x400  }
0xe9: {  	[sflag:s6] =	ssyncset.done $0x0  }
0xea: {  	[sflag:s6] =	ssyncadd.s32 $0xFFFFFC00  }
0xeb: {  	_ =	swait.ge [sflag:s6], $0x400  }
0xec: {  	[sflag:s6] =	ssyncset.done $0x0  }
0xed: {  	[sflag:s6] =	ssyncadd.s32 $0xFFFFFC00  }
0xee: {  	_ =	swait.ge [sflag:s6], $0x400  }
0xef: {  	[sflag:s6] =	ssyncset.done $0x0  }
0xf0: {  	[sflag:s6] =	ssyncadd.s32 $0xFFFFFC00  }
0xf1: {  	_ =	swait.ge [sflag:s6], $0x400  }
0xf2: {  	[sflag:s6] =	ssyncset.done $0x0  }
0xf3: {  	[sflag:s6] =	ssyncadd.s32 $0xFFFFFC00  }
0xf4: {  	_ =	swait.ge [sflag:s6], $0x400  }
0xf5: {  	[sflag:s6] =	ssyncset.done $0x0  }
0xf6: {  	[sflag:s6] =	ssyncadd.s32 $0xFFFFFC00  }
0xf7: {  	_ =	swait.ge [sflag:s6], $0x400  }
0xf8: {  	[sflag:s6] =	ssyncset.done $0x0  }
0xf9: {  	[sflag:s6] =	ssyncadd.s32 $0xFFFFFC00  }
0xfa: {  	_ =	swait.ge [sflag:s6], $0x400  }
0xfb: {  	[sflag:s6] =	ssyncset.done $0x0  }
0xfc: {  	[sflag:s6] =	ssyncadd.s32 $0xFFFFFC00  }
0xfd: {  	_ =	swait.ge [sflag:s6], $0x400  }
0xfe: {  	[sflag:s6] =	ssyncset.done $0x0  }
0xff: {  	[sflag:s6] =	ssyncadd.s32 $0xFFFFFC00  }
0x100: {  	_ =	swait.ge [sflag:s6], $0x400  }
0x101: {  	[sflag:s6] =	ssyncset.done $0x0  }
0x102: {  	[sflag:s6] =	ssyncadd.s32 $0xFFFFFC00  }
0x103: {  	_ =	swait.ge [sflag:s6], $0x400  }
0x104: {  	[sflag:s6] =	ssyncset.done $0x0  }
0x105: {  	[sflag:s6] =	ssyncadd.s32 $0xFFFFFC00  }
0x106: {  	_ =	swait.ge [sflag:s6], $0x400  }
0x107: {  	[sflag:s6] =	ssyncset.done $0x0  }
0x108: {  	v2 =	vmul.u32 $0x400, v2;
	v3 =	vshll.u32 v3, $0x7;
	[sflag:s6] =	ssyncadd.s32 $0xFFFFFC00  }
0x109: {  	v7 =	vand.u32 $0x380, v3;
	_ =	swait.ge [sflag:s6], $0x400  }
0x10a: {  	v4 =	vor.u32 v2, v7;
	[sflag:s6] =	ssyncset.done $0x0  }
0x10b: {  	[sflag:s6] =	ssyncadd.s32 $0xFFFFFC00  }
0x10c: {  	_ =	swait.ge [sflag:s6], $0x400  }
0x10d: {  	[sflag:s6] =	ssyncset.done $0x0  }
0x10e: {  	[sflag:s6] =	ssyncadd.s32 $0xFFFFFC00  }
0x10f: {  	v3 =	vor.u32 $0x1, v2;
	v4 =	vld.idx.msk [tilespmem:v4+s7+$0x0], $0xffff  }
0x110: {  	v8 =	vor.u32 v3, v7;
	_ =	sdelay $0x2  }
0x111: {  	s29 =	simm.s32 $0x9000  }
0x112: {  	[tilespmem:v0+s29+$0x0] =	vst.idx.msk $0xffff, v4  }
0x113: {  	v5 =	vor.u32 $0x2, v2;
	v4 =	vor.u32 $0x1, v0;
	v8 =	vld.idx.msk [tilespmem:v8+s7+$0x0], $0xffff  }
0x114: {  	v9 =	vor.u32 v5, v7;
	_ =	sdelay $0x3  }
0x115: {  	v10 =	vshll.u32 v6, $0x7;
	[tilespmem:v4+s29+$0x0] =	vst.idx.msk $0xffff, v8  }
0x116: {  	v13 =	vand.u32 $0x380, v10;
	v6 =	vor.u32 $0x2, v0;
	v7 =	vor.u32 $0x4000, v2;
	v8 =	vld.idx.msk [tilespmem:v9+s7+$0x0], $0xffff  }
0x117: {  	v9 =	vor.u32 v7, v13;
	_ =	sdelay $0x1  }
0x118: {  	s30 =	ssub.s32 $0x2, s8  }
0x119: {  	s31 =	sshrl.u32 s30, $0x1  }
0x11a: {  	s0 =	ssub.s32 s30, s31;
	[tilespmem:v6+s29+$0x0] =	vst.idx.msk $0xffff, v8  }
0x11b: {  	s0 =	smax.u32 s0, $0x1;
	v8 =	vor.u32 $0x4001, v2;
	v9 =	vld.idx.msk [tilespmem:v9+s7+$0x0], $0xffff  }
0x11c: {  	p0 =	sne.s32 s0, $0x1;
	v12 =	vor.u32 v8, v13  }
.Ltmp0:
0x11d: {  	_ = 	snop;
	(pc) =	sbr.rel @!p0 .LBB2_3-.Ltmp0, $3  }
0x11e: {  	_ =	sdelay $0x1  }
0x11f: {  	v10 =	vor.u32 $0x4002, v2;
	[tilespmem:v1+s29+$0x0] =	vst.idx.msk $0xffff, v9  }
0x120: {  	v11 =	vor.u32 $0x801, v0;
	s15 =	sadd.s32 $0xFFFFFFFF, s0;
	s0 =	simm.s32 $0x1000;
	v13 =	vor.u32 v10, v13;
	v9 =	vor.u32 $0x802, v0;
	v12 =	vld.idx.msk [tilespmem:v12+s7+$0x0], $0xffff  }
0x121: {  	s17 =	simm.s32 $0x9000;
	s16 =	simm.s32 $0x1000  }
.LBB2_2:
0x122: {  	_ =	sdelay $0x3  }
0x123: {  	[tilespmem:v11+s17+$0x0] =	vst.idx.msk $0xffff, v12  }
0x124: {  	v12 =	vld.idx.msk [tilespmem:v13+s16+$0x0], $0xffff;
	_ =	sdelay $0x4  }
0x125: {  	s0 =	rddreg [dreg:$0x3];
	s1 =	simm.s32 $0x2;
	[tilespmem:v9+s17+$0x0] =	vst.idx.msk $0xffff, v12  }
0x126: {  	[hbm4b:s0+s2] =	stream.linear.scatter [tilespmem:s17], [sflag:$0x2], $0x1000, $0x38;
	[tilespmem:$0xA000] =	vst v63  }
0x127: {  	_ =	swait.ge [sflag:s1], $0x1000  }
0x128: {  	[sflag:s1] =	ssyncset.done $0x0  }
0x129: {  	s31 =	rddreg [dreg:$0x2];
	[sflag:s1] =	ssyncadd.s32 $0xFFFFF000  }
0x12a: {  	[tilespmem:s2], [sflag:$0x2] =	stream.linear.gather [hbm4b:s31+s2], $0x1000, $0x38;
	[tilespmem:$0xA000] =	vst v63  }
0x12b: {  	_ =	swait.ge [sflag:s1], $0x1000  }
0x12c: {  	[sflag:s1] =	ssyncset.done $0x0  }
0x12d: {  	[sflag:s1] =	ssyncadd.s32 $0xFFFFF000  }
0x12e: {  	s3 =	sld [smem:$0x7FC];
	v12 =	vld.idx.msk [tilespmem:v0+s2+$0x0], $0xffff  }
0x12f: {  	s5 =	sld [smem:$0x7FB]  }
0x130: {  	s7 =	rddreg [dreg:$0x1f]  }
0x131: {  	s8 =	rddreg [dreg:$0x1e]  }
0x132: {  	s9 =	rddreg [dreg:$0x1d]  }
0x133: {  	s10 =	rddreg [dreg:$0x1c];
	v13 =	vnsel vm0, $0x0, v12  }
0x134: {  	s11 =	rddreg [dreg:$0x1b];
	v14 =	vsel vm1, $0x0, v12;
	v13 =	vxor.u32 $0x80000000, v13  }
0x135: {  	s12 =	rddreg [dreg:$0x1a];
	v15 =	vsel vm2, $0x0, v12;
	v14 =	vxor.u32 $0x80000000, v14;
	(xrf0) =	vmax.scan.msk.u32 $0xffff, v13  }
0x136: {  	s18 =	rddreg [dreg:$0x19];
	v16 =	vsel vm3, $0x0, v12;
	v15 =	vxor.u32 $0x80000000, v15;
	(xrf0) =	vmax.scan.msk.u32 $0xffff, v14  }
0x137: {  	s19 =	rddreg [dreg:$0x17];
	v13 =	vxor.u32 $0x80000000, v16;
	(xrf0) =	vmax.scan.msk.u32 $0xffff, v15  }
0x138: {  	s20 =	rddreg [dreg:$0x16];
	(xrf0) =	vmax.scan.msk.u32 $0xffff, v13  }
0x139: {  	s21 =	rddreg [dreg:$0x15];
	v17 =	vsel vm4, $0x0, v12  }
0x13a: {  	s22 =	rddreg [dreg:$0x14];
	v18 =	vsel vm5, $0x0, v12;
	v57 =	vxor.u32 $0x80000000, v17  }
0x13b: {  	s23 =	rddreg [dreg:$0x13];
	v59 =	vsel vm7, $0x0, v12;
	v58 =	vxor.u32 $0x80000000, v18;
	(xrf0) =	vmax.scan.msk.u32 $0xffff, v57;
	v22, _, _ =	vpop (xrf0)  }
0x13c: {  	s24 =	rddreg [dreg:$0x12];
	v19 =	vsel vm8, $0x0, v12;
	v14 =	vsel vm6, $0x0, v12;
	(xrf0) =	vmax.scan.msk.u32 $0xffff, v58;
	(v2sf) =	vpush v22, $0xF;
	v26, _, _ =	vpop (xrf0)  }
0x13d: {  	s29 =	rddreg [dreg:$0xd];
	v14 =	vxor.u32 $0x80000000, v14;
	v13 =	vsel vm9, $0x0, v12;
	(v2sf) =	vpush v26, $0xF;
	v28, _, _ =	vpop (xrf0)  }
0x13e: {  	s30 =	rddreg [dreg:$0xc];
	v15 =	vxor.u32 $0x80000000, v59;
	v13 =	vxor.u32 $0x80000000, v13;
	(xrf0) =	vmax.scan.msk.u32 $0xffff, v14;
	(v2sf) =	vpush v28, $0xF;
	v30, _, _ =	vpop (xrf0)  }
0x13f: {  	s31 =	rddreg [dreg:$0xb];
	v60 =	vxor.u32 $0x80000000, v19;
	(xrf0) =	vmax.scan.msk.u32 $0xffff, v15;
	(v2sf) =	vpush v30, $0xF  }
0x140: {  	s0 =	rddreg [dreg:$0x7];
	(xrf0) =	vmax.scan.msk.u32 $0xffff, v60  }
0x141: {  	s1 =	sld [smem:$0x7FD];
	v61 =	vsel vm10, $0x0, v12;
	(xrf0) =	vmax.scan.msk.u32 $0xffff, v13;
	v13, _, _ =	vpop (xrf0)  }
0x142: {  	[smem:$0x7F7] =	sst s7;
	v20 =	vsel vm11, $0x0, v12;
	v62 =	vxor.u32 $0x80000000, v61;
	(v2sf) =	vpush v13, $0xF;
	v13, _, _ =	vpop (xrf0)  }
0x143: {  	[smem:$0x7F6] =	sst s8;
	v24 =	vsel vm12, $0x0, v12;
	v63 =	vxor.u32 $0x80000000, v20;
	(xrf0) =	vmax.scan.msk.u32 $0xffff, v62;
	(v2sf) =	vpush v13, $0xF  }
0x144: {  	[smem:$0x7F5] =	sst s9;
	v23 =	vsel vm13, $0x0, v12;
	v14 =	vxor.u32 $0x80000000, v24;
	(xrf0) =	vmax.scan.msk.u32 $0xffff, v63;
	v31, _, _ =	vpop (xrf0)  }
0x145: {  	[smem:$0x7F4] =	sst s10;
	v21 =	vsel vm14, $0x0, v12;
	v25 =	vxor.u32 $0x80000000, v23;
	(xrf0) =	vmax.scan.msk.u32 $0xffff, v14;
	v13, _, _ =	vpop (xrf0)  }
0x146: {  	[smem:$0x7F3] =	sst s11;
	v15 =	vxor.u32 $0x80000000, v21;
	(xrf0) =	vmax.scan.msk.u32 $0xffff, v25;
	(v2sf) =	vpush v13, $0xF  }
0x147: {  	[smem:$0x7F2] =	sst s12;
	v13, _, _ =	vpop (xrf0);
	(xrf0) =	vmax.scan.msk.u32 $0xffff, v15  }
0x148: {  	s7 =	rddreg [dreg:$0x4];
	(v2sf) =	vpush v31, $0xF;
	v14, _, _ =	vpop (xrf0)  }
0x149: {  	[smem:$0x7F9] =	sst s3;
	v15, _, _ =	vpop (xrf0);
	(v2sf) =	vpush v13, $0xF  }
0x14a: {  	[smem:$0x7F8] =	sst s5;
	v13, _, _ =	vpop (xrf0)  }
0x14b: {  	s3 =	rddreg [dreg:$0x6];
	v27 =	vsel vm15, $0x0, v12;
	v32, _, _ =	vpop (xrf0);
	s5 =	spop (v2sf)  }
0x14c: {  	[smem:$0x7FA] =	sst s1;
	v29 =	vxor.u32 $0x80000000, v27;
	v17, _, _ =	vpop (xrf0);
	s5 =	sshll.u32 s5, $0x4;
	s9 =	spop (v2sf)  }
0x14d: {  	s1 =	rddreg [dreg:$0x8];
	(xrf0) =	vmax.scan.msk.u32 $0xffff, v29;
	v33, _, _ =	vpop (xrf0);
	s5 =	sand.u32 $0x1FFFFF80, s5;
	s10 =	spop (v2sf)  }
0x14e: {  	(v2sf) =	vpush v33, $0xF;
	s9 =	sshll.u32 s9, $0x4;
	s5 =	sadd.s32 s4, s5;
	s11 =	spop (v2sf)  }
0x14f: {  	(v2sf) =	vpush v17, $0xF;
	s9 =	sand.u32 $0x1FFFFF80, s9;
	s10 =	sshll.u32 s10, $0x4;
	s11 =	sshll.u32 s11, $0x4  }
0x150: {  	(v2sf) =	vpush v14, $0xF;
	v14 =	vld.idx.msk [tilespmem:v1+s2+$0x0], $0xffff;
	[tilespmem:s16], [sflag:$0x1] =	stream.linear.gather [hbm4b:s5+s2], $0x400, $0x38  }
0x151: {  	s8 =	spop (v2sf);
	s5 =	sadd.s32 s4, s9;
	s13 =	sand.u32 $0x1FFFFF80, s10  }
0x152: {  	s14 =	spop (v2sf);
	s8 =	sshll.u32 s8, $0x4;
	s9 =	sadd.s32 s4, s13  }
0x153: {  	v34, _, _ =	vpop (xrf0);
	(v2sf) =	vpush v15, $0xF;
	[tilespmem:s7], [sflag:$0x1] =	stream.linear.gather [hbm4b:s5+s2], $0x400, $0x38;
	[tilespmem:$0xA000] =	vst v63  }
0x154: {  	(v2sf) =	vpush v34, $0xF;
	s13 =	rddreg [dreg:$0x5];
	s10 =	sshll.u32 s14, $0x4;
	s5 =	sand.u32 $0x1FFFFF80, s11  }
0x155: {  	s8 =	sand.u32 $0x1FFFFF80, s8;
	s12 =	spop (v2sf);
	(v2sf) =	vpush v13, $0xF;
	v13 =	vnsel vm0, $0x0, v14;
	s7 =	sand.u32 $0x1FFFFF80, s10  }
0x156: {  	v15 =	vsel vm1, $0x0, v14;
	v13 =	vxor.u32 $0x80000000, v13;
	[tilespmem:s13], [sflag:$0x1] =	stream.linear.gather [hbm4b:s9+s2], $0x400, $0x38;
	[tilespmem:$0xA000] =	vst v63  }
0x157: {  	s5 =	sadd.s32 s4, s5;
	s14 =	spop (v2sf);
	v15 =	vxor.u32 $0x80000000, v15;
	s7 =	sadd.s32 s4, s7;
	(xrf0) =	vmax.scan.msk.u32 $0xffff, v13  }
0x158: {  	v35 =	vsel vm2, $0x0, v14;
	s11 =	spop (v2sf);
	s13 =	sshll.u32 s14, $0x4;
	s14 =	sshll.u32 s12, $0x4;
	(xrf0) =	vmax.scan.msk.u32 $0xffff, v15  }
0x159: {  	v36 =	vsel vm3, $0x0, v14;
	v17 =	vxor.u32 $0x80000000, v35;
	(v2sf) =	vpush v32, $0xF;
	[tilespmem:s3], [sflag:$0x1] =	stream.linear.gather [hbm4b:s5+s2], $0x400, $0x38;
	[tilespmem:$0xA000] =	vst v63  }
0x15a: {  	v13 =	vxor.u32 $0x80000000, v36;
	s9 =	sshll.u32 s11, $0x4;
	s11 =	sadd.s32 s4, s8;
	s12 =	sand.u32 $0x1FFFFF80, s14;
	(xrf0) =	vmax.scan.msk.u32 $0xffff, v17  }
0x15b: {  	v37 =	vsel vm4, $0x0, v14;
	s10 =	sand.u32 $0x1FFFFF80, s13;
	s5 =	sadd.s32 s4, s12;
	s9 =	sand.u32 $0x1FFFFF80, s9;
	(xrf0) =	vmax.scan.msk.u32 $0xffff, v13  }
0x15c: {  	v38 =	vxor.u32 $0x80000000, v37;
	[tilespmem:s0], [sflag:$0x1] =	stream.linear.gather [hbm4b:s11+s2], $0x400, $0x38;
	[tilespmem:$0xA000] =	vst v63  }
0x15d: {  	v15 =	vsel vm5, $0x0, v14;
	s10 =	sadd.s32 s4, s10;
	s11 =	rddreg [dreg:$0x9];
	(xrf0) =	vmax.scan.msk.u32 $0xffff, v38;
	s8 =	spop (v2sf)  }
0x15e: {  	v15 =	vxor.u32 $0x80000000, v15;
	[tilespmem:s1], [sflag:$0x1] =	stream.linear.gather [hbm4b:s7+s2], $0x400, $0x38;
	[tilespmem:$0xA000] =	vst v63  }
0x15f: {  	v40 =	vsel vm6, $0x0, v14;
	(xrf0) =	vmax.scan.msk.u32 $0xffff, v15;
	s1 =	sadd.s32 s4, s9;
	s3 =	spop (v2sf);
	s8 =	sshll.u32 s8, $0x4  }
0x160: {  	v41 =	vsel vm7, $0x0, v14;
	v42 =	vxor.u32 $0x80000000, v40;
	[tilespmem:s11], [sflag:$0x1] =	stream.linear.gather [hbm4b:s10+s2], $0x400, $0x38;
	[tilespmem:$0xA000] =	vst v63  }
0x161: {  	v13 =	vxor.u32 $0x80000000, v41;
	v50, _, _ =	vpop (xrf0);
	(xrf0) =	vmax.scan.msk.u32 $0xffff, v42;
	s0 =	sand.u32 $0x1FFFFF80, s8;
	s3 =	sshll.u32 s3, $0x4;
	s13 =	spop (v2sf)  }
0x162: {  	v39 =	vsel vm14, $0x0, v14;
	v43 =	vsel vm8, $0x0, v14;
	v54, _, _ =	vpop (xrf0);
	(xrf0) =	vmax.scan.msk.u32 $0xffff, v13;
	(v2sf) =	vpush v50, $0xF;
	s7 =	sshll.u32 s13, $0x4;
	s13 =	rddreg [dreg:$0xa];
	s14 =	spop (v2sf)  }
0x163: {  	v44 =	vsel vm9, $0x0, v14;
	v47 =	vsel vm10, $0x0, v14;
	v45 =	vxor.u32 $0x80000000, v43;
	[tilespmem:s13], [sflag:$0x1] =	stream.linear.gather [hbm4b:s5+s2], $0x400, $0x38;
	[tilespmem:$0xA000] =	vst v63  }
0x164: {  	v48 =	vsel vm11, $0x0, v14;
	v49 =	vsel vm12, $0x0, v14;
	v46 =	vxor.u32 $0x80000000, v44;
	v55, _, _ =	vpop (xrf0);
	(xrf0) =	vmax.scan.msk.u32 $0xffff, v45;
	s7 =	sand.u32 $0x1FFFFF80, s7;
	s12 =	spop (v2sf);
	s9 =	sshll.u32 s14, $0x4  }
0x165: {  	v15 =	vxor.u32 $0x80000000, v47;
	v13 =	vsel vm13, $0x0, v14;
	(v2sf) =	vpush v54, $0xF;
	[tilespmem:s31], [sflag:$0x1] =	stream.linear.gather [hbm4b:s1+s2], $0x400, $0x38;
	[tilespmem:$0xA000] =	vst v63  }
0x166: {  	v53 =	vsel vm15, $0x0, v14;
	v56 =	vxor.u32 $0x80000000, v13;
	v13 =	vshll.u32 v14, $0x7;
	v14, _, _ =	vpop (xrf0);
	(xrf0) =	vmax.scan.msk.u32 $0xffff, v46;
	s7 =	sadd.s32 s4, s7;
	s8 =	sshll.u32 s12, $0x4;
	s14 =	spop (v2sf)  }
0x167: {  	v57, _, _ =	vpop (xrf0);
	(v2sf) =	vpush v55, $0xF;
	[tilespmem:s30], [sflag:$0x1] =	stream.linear.gather [hbm4b:s7+s2], $0x400, $0x38;
	[tilespmem:$0xA000] =	vst v63  }
0x168: {  	(xrf0) =	vmax.scan.msk.u32 $0xffff, v15;
	v15, _, _ =	vpop (xrf0);
	s9 =	sand.u32 $0x1FFFFF80, s9;
	s12 =	sshll.u32 s14, $0x4;
	s14 =	spop (v2sf)  }
0x169: {  	s9 =	sadd.s32 s4, s9;
	(v2sf) =	vpush v15, $0xF;
	s10 =	sand.u32 $0x1FFFFF80, s12;
	s12 =	sshll.u32 s14, $0x4  }
0x16a: {  	(v2sf) =	vpush v57, $0xF;
	[tilespmem:s29], [sflag:$0x1] =	stream.linear.gather [hbm4b:s9+s2], $0x400, $0x38;
	[tilespmem:$0xA000] =	vst v63  }
0x16b: {  	s13 =	sadd.s32 s4, s10;
	s14 =	rddreg [dreg:$0xe];
	s5 =	sand.u32 $0x1FFFFF80, s12  }
0x16c: {  	(v2sf) =	vpush v14, $0xF;
	[tilespmem:s14], [sflag:$0x1] =	stream.linear.gather [hbm4b:s13+s2], $0x400, $0x38;
	[tilespmem:$0xA000] =	vst v63  }
0x16d: {  	s28 =	rddreg [dreg:$0xf];
	s3 =	sand.u32 $0x1FFFFF80, s3;
	s5 =	sadd.s32 s4, s5  }
0x16e: {  	v15, _, _ =	vpop (xrf0);
	[tilespmem:s28], [sflag:$0x1] =	stream.linear.gather [hbm4b:s5+s2], $0x400, $0x38;
	[tilespmem:$0xA000] =	vst v63  }
0x16f: {  	s26 =	rddreg [dreg:$0x10];
	s31 =	sadd.s32 s4, s3;
	v58, _, _ =	vpop (xrf0);
	(v2sf) =	vpush v15, $0xF  }
0x170: {  	(v2sf) =	vpush v58, $0xF;
	[tilespmem:s26], [sflag:$0x1] =	stream.linear.gather [hbm4b:s31+s2], $0x400, $0x38;
	[tilespmem:$0xA000] =	vst v63  }
0x171: {  	s25 =	rddreg [dreg:$0x11];
	s30 =	spop (v2sf)  }
0x172: {  	s0 =	sadd.s32 s4, s0;
	s8 =	sand.u32 $0x1FFFFF80, s8;
	s10 =	sshll.u32 s30, $0x4  }
0x173: {  	[tilespmem:s25], [sflag:$0x1] =	stream.linear.gather [hbm4b:s0+s2], $0x400, $0x38;
	[tilespmem:$0xA000] =	vst v63  }
0x174: {  	s8 =	sadd.s32 s4, s8;
	s3 =	sand.u32 $0x1FFFFF80, s10;
	s11 =	spop (v2sf)  }
0x175: {  	v51 =	vxor.u32 $0x80000000, v48;
	v59, _, _ =	vpop (xrf0);
	[tilespmem:s24], [sflag:$0x1] =	stream.linear.gather [hbm4b:s8+s2], $0x400, $0x38;
	[tilespmem:$0xA000] =	vst v63  }
0x176: {  	(xrf0) =	vmax.scan.msk.u32 $0xffff, v51;
	(v2sf) =	vpush v59, $0xF;
	s3 =	sadd.s32 s4, s3;
	s7 =	sshll.u32 s11, $0x4;
	s12 =	spop (v2sf)  }
0x177: {  	[tilespmem:s23], [sflag:$0x1] =	stream.linear.gather [hbm4b:s3+s2], $0x400, $0x38;
	[tilespmem:$0xA000] =	vst v63  }
0x178: {  	v52 =	vxor.u32 $0x80000000, v49;
	s7 =	sand.u32 $0x1FFFFF80, s7;
	s9 =	sshll.u32 s12, $0x4;
	s13 =	spop (v2sf)  }
0x179: {  	(xrf0) =	vmax.scan.msk.u32 $0xffff, v52;
	v14, _, _ =	vpop (xrf0);
	s7 =	sadd.s32 s4, s7;
	s9 =	sand.u32 $0x1FFFFF80, s9;
	s14 =	spop (v2sf)  }
0x17a: {  	(v2sf) =	vpush v14, $0xF;
	[tilespmem:s22], [sflag:$0x1] =	stream.linear.gather [hbm4b:s7+s2], $0x400, $0x38;
	[tilespmem:$0xA000] =	vst v63  }
0x17b: {  	s10 =	sshll.u32 s13, $0x4;
	s28 =	sshll.u32 s14, $0x4;
	s29 =	spop (v2sf)  }
0x17c: {  	v60, _, _ =	vpop (xrf0);
	s10 =	sand.u32 $0x1FFFFF80, s10;
	s25 =	sadd.s32 s4, s9;
	s30 =	sshll.u32 s29, $0x4  }
0x17d: {  	v15, _, _ =	vpop (xrf0);
	(v2sf) =	vpush v60, $0xF;
	[tilespmem:s21], [sflag:$0x1] =	stream.linear.gather [hbm4b:s25+s2], $0x400, $0x38;
	[tilespmem:$0xA000] =	vst v63  }
0x17e: {  	v18 =	vxor.u32 $0x80000000, v39;
	(xrf0) =	vmax.scan.msk.u32 $0xffff, v56;
	s5 =	sand.u32 $0x1FFFFF80, s28;
	s31 =	spop (v2sf);
	(v2sf) =	vpush v15, $0xF;
	s12 =	sand.u32 $0x1FFFFF80, s30  }
0x17f: {  	(xrf0) =	vmax.scan.msk.u32 $0xffff, v18;
	s13 =	sshll.u32 s31, $0x4;
	s14 =	spop (v2sf);
	s0 =	sadd.s32 s4, s12  }
0x180: {  	v61, _, _ =	vpop (xrf0);
	[tilespmem:s20], [sflag:$0x1] =	stream.linear.gather [hbm4b:s0+s2], $0x400, $0x38;
	[tilespmem:$0xA000] =	vst v63  }
0x181: {  	(v2sf) =	vpush v61, $0xF;
	s31 =	rddreg [dreg:$0x18];
	s26 =	sshll.u32 s14, $0x4;
	s12 =	sadd.s32 s4, s5  }
0x182: {  	[tilespmem:s19], [sflag:$0x1] =	stream.linear.gather [hbm4b:s12+s2], $0x400, $0x38;
	[tilespmem:$0xA000] =	vst v63  }
0x183: {  	s1 =	sand.u32 $0x1FFFFF80, s13;
	s29 =	sand.u32 $0x1FFFFF80, s26;
	s20 =	sadd.s32 s4, s10  }
0x184: {  	v21 =	vxor.u32 $0x80000000, v53;
	v62, _, _ =	vpop (xrf0);
	[tilespmem:s31], [sflag:$0x1] =	stream.linear.gather [hbm4b:s20+s2], $0x400, $0x38;
	[tilespmem:$0xA000] =	vst v63  }
0x185: {  	(xrf0) =	vmax.scan.msk.u32 $0xffff, v21;
	v63, _, _ =	vpop (xrf0);
	s21 =	sadd.s32 s4, s1;
	s26 =	sld [smem:$0x7F2];
	s28 =	spop (v2sf);
	(v2sf) =	vpush v62, $0xF  }
0x186: {  	(v2sf) =	vpush v63, $0xF;
	[tilespmem:s18], [sflag:$0x1] =	stream.linear.gather [hbm4b:s21+s2], $0x400, $0x38;
	[tilespmem:$0xA000] =	vst v63  }
0x187: {  	s24 =	sadd.s32 s4, s29;
	s29 =	sld [smem:$0x7F3];
	s30 =	sshll.u32 s28, $0x4  }
0x188: {  	[tilespmem:s26], [sflag:$0x1] =	stream.linear.gather [hbm4b:s24+s2], $0x400, $0x38;
	[tilespmem:$0xA000] =	vst v63  }
0x189: {  	s8 =	sand.u32 $0x1FFFFF80, s30;
	s11 =	spop (v2sf)  }
0x18a: {  	s10 =	sld [smem:$0x7F4];
	s28 =	sadd.s32 s4, s8;
	s13 =	sshll.u32 s11, $0x4  }
0x18b: {  	[tilespmem:s29], [sflag:$0x1] =	stream.linear.gather [hbm4b:s28+s2], $0x400, $0x38;
	[tilespmem:$0xA000] =	vst v63  }
0x18c: {  	v21, _, _ =	vpop (xrf0);
	s20 =	sld [smem:$0x7F6];
	s14 =	spop (v2sf);
	s5 =	sand.u32 $0x1FFFFF80, s13  }
0x18d: {  	(v2sf) =	vpush v21, $0xF;
	s9 =	sshll.u32 s14, $0x4;
	s14 =	sld [smem:$0x7F5];
	s23 =	spop (v2sf)  }
0x18e: {  	s22 =	sand.u32 $0x1FFFFF80, s9;
	s30 =	sadd.s32 s4, s5;
	s3 =	sshll.u32 s23, $0x4  }
0x18f: {  	[tilespmem:s10], [sflag:$0x1] =	stream.linear.gather [hbm4b:s30+s2], $0x400, $0x38;
	[tilespmem:$0xA000] =	vst v63  }
0x190: {  	s25 =	spop (v2sf);
	s11 =	sadd.s32 s4, s22;
	s3 =	sand.u32 $0x1FFFFF80, s3  }
0x191: {  	[tilespmem:s14], [sflag:$0x1] =	stream.linear.gather [hbm4b:s11+s2], $0x400, $0x38;
	[tilespmem:$0xA000] =	vst v63  }
0x192: {  	s23 =	sld [smem:$0x7F7];
	s7 =	sshll.u32 s25, $0x4;
	s18 =	sadd.s32 s4, s3  }
0x193: {  	[tilespmem:s20], [sflag:$0x1] =	stream.linear.gather [hbm4b:s18+s2], $0x400, $0x38;
	[tilespmem:$0xA000] =	vst v63  }
0x194: {  	s28 =	sld [smem:$0x7F8];
	s31 =	sand.u32 $0x1FFFFF80, s7;
	s9 =	spop (v2sf)  }
0x195: {  	s21 =	sadd.s32 s4, s31;
	s12 =	sshll.u32 s9, $0x4;
	s13 =	spop (v2sf)  }
0x196: {  	[tilespmem:s23], [sflag:$0x1] =	stream.linear.gather [hbm4b:s21+s2], $0x400, $0x38;
	[tilespmem:$0xA000] =	vst v63  }
0x197: {  	s1 =	sand.u32 $0x1FFFFF80, s12;
	s19 =	sshll.u32 s13, $0x4  }
0x198: {  	s30 =	sld [smem:$0x7F9];
	s3 =	sand.u32 $0x1FFFFF80, s19;
	s24 =	sadd.s32 s4, s1  }
0x199: {  	[tilespmem:s28], [sflag:$0x1] =	stream.linear.gather [hbm4b:s24+s2], $0x400, $0x38;
	[tilespmem:$0xA000] =	vst v63  }
0x19a: {  	s25 =	sadd.s32 s4, s3  }
0x19b: {  	[tilespmem:s30], [sflag:$0x1] =	stream.linear.gather [hbm4b:s25+s2], $0x400, $0x38;
	[tilespmem:$0xA000] =	vst v63  }
0x19c: {  	s22 =	spop (v2sf)  }
0x19d: {  	s31 =	sld [smem:$0x7FA];
	s26 =	sshll.u32 s22, $0x4  }
0x19e: {  	s29 =	sand.u32 $0x1FFFFF80, s26  }
0x19f: {  	s0 =	sadd.s32 s4, s29  }
0x1a0: {  	[tilespmem:s31], [sflag:$0x1] =	stream.linear.gather [hbm4b:s0+s2], $0x400, $0x38;
	[tilespmem:$0xA000] =	vst v63  }
0x1a1: {  	_ =	swait.ge [sflag:s6], $0x400  }
0x1a2: {  	[sflag:s6] =	ssyncset.done $0x0  }
0x1a3: {  	[sflag:s6] =	ssyncadd.s32 $0xFFFFFC00  }
0x1a4: {  	_ =	swait.ge [sflag:s6], $0x400  }
0x1a5: {  	[sflag:s6] =	ssyncset.done $0x0  }
0x1a6: {  	[sflag:s6] =	ssyncadd.s32 $0xFFFFFC00  }
0x1a7: {  	_ =	swait.ge [sflag:s6], $0x400  }
0x1a8: {  	[sflag:s6] =	ssyncset.done $0x0  }
0x1a9: {  	[sflag:s6] =	ssyncadd.s32 $0xFFFFFC00  }
0x1aa: {  	_ =	swait.ge [sflag:s6], $0x400  }
0x1ab: {  	[sflag:s6] =	ssyncset.done $0x0  }
0x1ac: {  	[sflag:s6] =	ssyncadd.s32 $0xFFFFFC00  }
0x1ad: {  	_ =	swait.ge [sflag:s6], $0x400  }
0x1ae: {  	[sflag:s6] =	ssyncset.done $0x0  }
0x1af: {  	[sflag:s6] =	ssyncadd.s32 $0xFFFFFC00  }
0x1b0: {  	_ =	swait.ge [sflag:s6], $0x400  }
0x1b1: {  	[sflag:s6] =	ssyncset.done $0x0  }
0x1b2: {  	[sflag:s6] =	ssyncadd.s32 $0xFFFFFC00  }
0x1b3: {  	_ =	swait.ge [sflag:s6], $0x400  }
0x1b4: {  	[sflag:s6] =	ssyncset.done $0x0  }
0x1b5: {  	[sflag:s6] =	ssyncadd.s32 $0xFFFFFC00  }
0x1b6: {  	_ =	swait.ge [sflag:s6], $0x400  }
0x1b7: {  	[sflag:s6] =	ssyncset.done $0x0  }
0x1b8: {  	[sflag:s6] =	ssyncadd.s32 $0xFFFFFC00  }
0x1b9: {  	_ =	swait.ge [sflag:s6], $0x400  }
0x1ba: {  	[sflag:s6] =	ssyncset.done $0x0  }
0x1bb: {  	[sflag:s6] =	ssyncadd.s32 $0xFFFFFC00  }
0x1bc: {  	_ =	swait.ge [sflag:s6], $0x400  }
0x1bd: {  	[sflag:s6] =	ssyncset.done $0x0  }
0x1be: {  	[sflag:s6] =	ssyncadd.s32 $0xFFFFFC00  }
0x1bf: {  	_ =	swait.ge [sflag:s6], $0x400  }
0x1c0: {  	[sflag:s6] =	ssyncset.done $0x0  }
0x1c1: {  	[sflag:s6] =	ssyncadd.s32 $0xFFFFFC00  }
0x1c2: {  	_ =	swait.ge [sflag:s6], $0x400  }
0x1c3: {  	[sflag:s6] =	ssyncset.done $0x0  }
0x1c4: {  	[sflag:s6] =	ssyncadd.s32 $0xFFFFFC00  }
0x1c5: {  	_ =	swait.ge [sflag:s6], $0x400  }
0x1c6: {  	[sflag:s6] =	ssyncset.done $0x0  }
0x1c7: {  	[sflag:s6] =	ssyncadd.s32 $0xFFFFFC00  }
0x1c8: {  	_ =	swait.ge [sflag:s6], $0x400  }
0x1c9: {  	[sflag:s6] =	ssyncset.done $0x0  }
0x1ca: {  	[sflag:s6] =	ssyncadd.s32 $0xFFFFFC00  }
0x1cb: {  	_ =	swait.ge [sflag:s6], $0x400  }
0x1cc: {  	[sflag:s6] =	ssyncset.done $0x0  }
0x1cd: {  	[sflag:s6] =	ssyncadd.s32 $0xFFFFFC00  }
0x1ce: {  	_ =	swait.ge [sflag:s6], $0x400  }
0x1cf: {  	[sflag:s6] =	ssyncset.done $0x0  }
0x1d0: {  	[sflag:s6] =	ssyncadd.s32 $0xFFFFFC00  }
0x1d1: {  	_ =	swait.ge [sflag:s6], $0x400  }
0x1d2: {  	[sflag:s6] =	ssyncset.done $0x0  }
0x1d3: {  	[sflag:s6] =	ssyncadd.s32 $0xFFFFFC00  }
0x1d4: {  	_ =	swait.ge [sflag:s6], $0x400  }
0x1d5: {  	[sflag:s6] =	ssyncset.done $0x0  }
0x1d6: {  	[sflag:s6] =	ssyncadd.s32 $0xFFFFFC00  }
0x1d7: {  	_ =	swait.ge [sflag:s6], $0x400  }
0x1d8: {  	[sflag:s6] =	ssyncset.done $0x0  }
0x1d9: {  	[sflag:s6] =	ssyncadd.s32 $0xFFFFFC00  }
0x1da: {  	_ =	swait.ge [sflag:s6], $0x400  }
0x1db: {  	[sflag:s6] =	ssyncset.done $0x0  }
0x1dc: {  	[sflag:s6] =	ssyncadd.s32 $0xFFFFFC00  }
0x1dd: {  	_ =	swait.ge [sflag:s6], $0x400  }
0x1de: {  	[sflag:s6] =	ssyncset.done $0x0  }
0x1df: {  	[sflag:s6] =	ssyncadd.s32 $0xFFFFFC00  }
0x1e0: {  	_ =	swait.ge [sflag:s6], $0x400  }
0x1e1: {  	[sflag:s6] =	ssyncset.done $0x0  }
0x1e2: {  	[sflag:s6] =	ssyncadd.s32 $0xFFFFFC00  }
0x1e3: {  	_ =	swait.ge [sflag:s6], $0x400  }
0x1e4: {  	[sflag:s6] =	ssyncset.done $0x0  }
0x1e5: {  	[sflag:s6] =	ssyncadd.s32 $0xFFFFFC00  }
0x1e6: {  	_ =	swait.ge [sflag:s6], $0x400  }
0x1e7: {  	[sflag:s6] =	ssyncset.done $0x0  }
0x1e8: {  	[sflag:s6] =	ssyncadd.s32 $0xFFFFFC00  }
0x1e9: {  	_ =	swait.ge [sflag:s6], $0x400  }
0x1ea: {  	[sflag:s6] =	ssyncset.done $0x0  }
0x1eb: {  	[sflag:s6] =	ssyncadd.s32 $0xFFFFFC00  }
0x1ec: {  	_ =	swait.ge [sflag:s6], $0x400  }
0x1ed: {  	[sflag:s6] =	ssyncset.done $0x0  }
0x1ee: {  	[sflag:s6] =	ssyncadd.s32 $0xFFFFFC00  }
0x1ef: {  	_ =	swait.ge [sflag:s6], $0x400  }
0x1f0: {  	[sflag:s6] =	ssyncset.done $0x0  }
0x1f1: {  	[sflag:s6] =	ssyncadd.s32 $0xFFFFFC00  }
0x1f2: {  	_ =	swait.ge [sflag:s6], $0x400  }
0x1f3: {  	[sflag:s6] =	ssyncset.done $0x0  }
0x1f4: {  	[sflag:s6] =	ssyncadd.s32 $0xFFFFFC00  }
0x1f5: {  	_ =	swait.ge [sflag:s6], $0x400  }
0x1f6: {  	[sflag:s6] =	ssyncset.done $0x0  }
0x1f7: {  	[sflag:s6] =	ssyncadd.s32 $0xFFFFFC00  }
0x1f8: {  	_ =	swait.ge [sflag:s6], $0x400  }
0x1f9: {  	[sflag:s6] =	ssyncset.done $0x0  }
0x1fa: {  	v12 =	vshll.u32 v12, $0x7;
	[sflag:s6] =	ssyncadd.s32 $0xFFFFFC00  }
0x1fb: {  	v12 =	vand.u32 $0x380, v12;
	_ =	swait.ge [sflag:s6], $0x400  }
0x1fc: {  	v14 =	vor.u32 v2, v12;
	[sflag:s6] =	ssyncset.done $0x0  }
0x1fd: {  	[sflag:s6] =	ssyncadd.s32 $0xFFFFFC00  }
0x1fe: {  	_ =	swait.ge [sflag:s6], $0x400  }
0x1ff: {  	[sflag:s6] =	ssyncset.done $0x0  }
0x200: {  	[sflag:s6] =	ssyncadd.s32 $0xFFFFFC00  }
0x201: {  	v14 =	vld.idx.msk [tilespmem:v14+s16+$0x0], $0xffff  }
0x202: {  	v15 =	vor.u32 v3, v12;
	_ =	sdelay $0x3  }
0x203: {  	[tilespmem:v0+s17+$0x0] =	vst.idx.msk $0xffff, v14  }
0x204: {  	v14 =	vld.idx.msk [tilespmem:v15+s16+$0x0], $0xffff  }
0x205: {  	v12 =	vor.u32 v5, v12;
	_ =	sdelay $0x3  }
0x206: {  	[tilespmem:v4+s17+$0x0] =	vst.idx.msk $0xffff, v14  }
0x207: {  	v13 =	vand.u32 $0x380, v13;
	v12 =	vld.idx.msk [tilespmem:v12+s16+$0x0], $0xffff  }
0x208: {  	v14 =	vor.u32 v7, v13;
	_ =	sdelay $0x3  }
0x209: {  	[tilespmem:v6+s17+$0x0] =	vst.idx.msk $0xffff, v12  }
0x20a: {  	v12 =	vld.idx.msk [tilespmem:v14+s16+$0x0], $0xffff  }
0x20b: {  	p0 =	sne.s32 s15, $0x1;
	v14 =	vor.u32 v8, v13  }
.Ltmp1:
0x20c: {  	_ = 	snop;
	(pc) =	sbr.rel @p0 .LBB2_2-.Ltmp1, $3  }
0x20d: {  	_ =	sdelay $0x1  }
0x20e: {  	[tilespmem:v1+s17+$0x0] =	vst.idx.msk $0xffff, v12  }
0x20f: {  	s15 =	sadd.s32 $0xFFFFFFFF, s15;
	s0 =	simm.s32 $0x1000;
	v13 =	vor.u32 v10, v13;
	v12 =	vld.idx.msk [tilespmem:v14+s16+$0x0], $0xffff  }
.LBB2_3:
0x210: {  	_ =	sdelay $0x2  }
0x211: {  	s1 =	simm.s32 $0x9000  }
0x212: {  	[tilespmem:v11+s1+$0x0] =	vst.idx.msk $0xffff, v12  }
0x213: {  	v0 =	vld.idx.msk [tilespmem:v13+s0+$0x0], $0xffff;
	_ =	sdelay $0x4  }
0x214: {  	s29 =	rddreg [dreg:$0x3];
	s30 =	simm.s32 $0x2;
	[tilespmem:v9+s1+$0x0] =	vst.idx.msk $0xffff, v0  }
0x215: {  	[hbm4b:s29+s2] =	stream.linear.scatter [tilespmem:s1], [sflag:$0x2], $0x1000, $0x38;
	[tilespmem:$0xA000] =	vst v63  }
0x216: {  	_ =	swait.ge [sflag:s30], $0x1000  }
0x217: {  	[sflag:s30] =	ssyncset.done $0x0  }
0x218: {  	[sflag:s30] =	ssyncadd.s32 $0xFFFFF000  }
0x219: {  	_ =	sfence.sel $0x180000  }
0x21a: {  	[bflag:$0x0] =	sbarrier.arrive $0xFFFF  }
0x21b: {  	_ =	strace $0x90000047  }
0x21c: {  	s31 =	stileid.u32;
	[bflag:$0x2] =	sbarrier.arrive $0xFFFF  }
0x21d: {  	p0 =	sne.s32 s31, $0x0;
	s0 =	rddreg [dreg:$0x1]  }
0x21e: {  	s0 =	sadd.s32 @!p0 $0x100000, s0  }
0x21f: {  	[sflag:s0] =	ssyncadd.tile.s32 @!p0 $0x1;
	_ =	shalt  }
.Lfunc_end2:
_tile_overlayer_lowered:
.L_overlay_start_2:
0x220: {  	(tag) =	ssettag $0x2  }
0x221: {  	s0 =	rddreg [dreg:$0x0];
	s2 =	stileid.u32  }
0x222: {  	s1 =	rddreg [dreg:$0x1];
	p0 =	sne.s32 s2, $0x0  }
0x223: {  	s3 =	rddreg [dreg:$0x2];
	[bflag:$0x3] =	sbarrier.arrive $0xFFFF;
	s2 =	simm.s32 @!p0 $0x1C02  }
0x224: {  	[timem:s3], [sflag:s2] =	dma.local @!p0 [hbm:s0], s1  }
0x225: {  	s0 =	simm.s32 @!p0 $0x2  }
0x226: {  	_ =	swait.ge @!p0 [sflag:s0], s1  }
0x227: {  	s1 =	ssub.s32 @!p0 $0x0, s1;
	[sflag:s0] =	ssyncset.done @!p0 $0x0  }
0x228: {  	[sflag:s0] =	ssyncadd.s32 @!p0 s1  }
0x229: {  	[bflag:$0x3] =	sbarrier.arrive $0xFFFF  }
0x22a: {  	_ =	shalt  }

</sc_bundles>
